<compile_context>
chip_gen: v7x
topology: tpu7x:2x2x1
jax: 0.10.2.dev20260603
libtpu: 0.0.44.dev20260713+nightly
codegen_flags: <defaults>
</compile_context>

<pallas_src>
import functools

import jax
import jax.numpy as jnp
from jax import lax
from jax.experimental import pallas as pl
from jax.experimental.pallas import tpu as pltpu
from jax.experimental.pallas import tpu_sc as plsc

N = 10000
C = 128
K = 27
EPS = 1e-5
NC, NS = 2, 16
NW = NC * NS
CHUNK = 128
LANES = 16
ACC_ROWS = 10240
ROWS_PER_SUB = ACC_ROWS // NS
OUT_PER_SUB = 624


def _ztransform(x, W):

    def body(x_ref, w_ref, z_ref):
        z_ref[...] = jnp.dot(x_ref[...], w_ref[0],
                             preferred_element_type=jnp.float32)

    return pl.pallas_call(
        body,
        grid=(K,),
        in_specs=[
            pl.BlockSpec((N, C), lambda k: (0, 0)),
            pl.BlockSpec((1, C, C), lambda k: (k, 0, 0)),
        ],
        out_specs=pl.BlockSpec((N, C), lambda k: (k, 0)),
        out_shape=jax.ShapeDtypeStruct((K * N, C), jnp.float32),
    )(x, W)


def _edge_scatter(z, gidx_r, dst_r, nch):
    nchp = gidx_r.shape[1]
    assert nch % 2 == 0 and nch < nchp
    mesh = plsc.VectorSubcoreMesh(core_axis_name="c", subcore_axis_name="s")

    @functools.partial(
        pl.kernel,
        out_type=jax.ShapeDtypeStruct((NC, N, C), jnp.float32),
        mesh=mesh,
        scratch_types=[
            pltpu.VMEM_SHARED((ACC_ROWS, C), jnp.float32),
            pltpu.VMEM((nchp, CHUNK), jnp.int32),
            pltpu.VMEM((2, CHUNK), jnp.int32),
            pltpu.VMEM((2, CHUNK, C), jnp.float32),
            pltpu.SemaphoreType.DMA,
            pltpu.SemaphoreType.DMA,
            pltpu.SemaphoreType.DMA,
            pltpu.SemaphoreType.DMA,
            pltpu.SemaphoreType.DMA,
            pltpu.SemaphoreType.DMA,
        ],
    )
    def body(z_hbm, gidx_hbm, dst_hbm, out_hbm, acc, gix, dixb, rows,
             sg0, sg1, sd0, sd1, ss0, ss1):
        cid = lax.axis_index("c")
        sid = lax.axis_index("s")
        wid = sid * NC + cid
        semg = (sg0, sg1)
        semd = (sd0, sd1)
        sems = (ss0, ss1)

        def zrow(r, carry):
            for j in range(C // LANES):
                rows[0, r, pl.ds(j * LANES, LANES)] = jnp.zeros((LANES,),
                                                                jnp.float32)
            return carry

        lax.fori_loop(0, CHUNK, zrow, 0)
        for t in range(ROWS_PER_SUB // CHUNK):
            pltpu.async_copy(
                rows.at[0],
                acc.at[pl.ds(sid * ROWS_PER_SUB + t * CHUNK, CHUNK)],
                sems[0])
        base = jnp.full((LANES,), N + sid * 8, jnp.int32)
        for j in range(CHUNK // LANES):
            ids = base + lax.rem(lax.iota(jnp.int32, LANES) + j * LANES,
                                 jnp.full((LANES,), 8, jnp.int32))
            dixb[1, pl.ds(j * LANES, LANES)] = ids
        pltpu.async_copy(gidx_hbm.at[wid], gix, semd[0])
        for t in range(ROWS_PER_SUB // CHUNK):
            pltpu.make_async_copy(
                rows.at[0],
                acc.at[pl.ds(sid * ROWS_PER_SUB + t * CHUNK, CHUNK)],
                sems[0]).wait()
        pltpu.make_async_copy(gidx_hbm.at[wid], gix, semd[0]).wait()
        plsc.subcore_barrier()

        pltpu.async_copy(dst_hbm.at[wid, 0], dixb.at[0], semd[0])
        pltpu.async_copy(z_hbm.at[gix.at[0]], rows.at[0], semg[0])
        pltpu.async_copy(rows.at[1], acc.at[dixb.at[1]], sems[1], add=True)

        def outer(j, carry):
            for b in (0, 1):
                i = 2 * j + b
                nb = 1 - b
                pltpu.make_async_copy(
                    z_hbm.at[gix.at[i]], rows.at[b], semg[b]).wait()
                pltpu.make_async_copy(
                    dst_hbm.at[wid, i], dixb.at[b], semd[b]).wait()
                pltpu.async_copy(rows.at[b], acc.at[dixb.at[b]], sems[b],
                                 add=True)
                pltpu.make_async_copy(
                    rows.at[nb], acc.at[dixb.at[nb]], sems[nb]).wait()
                pltpu.async_copy(dst_hbm.at[wid, i + 1], dixb.at[nb],
                                 semd[nb])
                pltpu.async_copy(z_hbm.at[gix.at[i + 1]], rows.at[nb],
                                 semg[nb])
            return carry

        lax.fori_loop(0, nch // 2, outer, 0)
        pltpu.make_async_copy(rows.at[1], acc.at[dixb.at[1]], sems[1]).wait()
        pltpu.make_async_copy(dst_hbm.at[wid, nch], dixb.at[0],
                              semd[0]).wait()
        pltpu.make_async_copy(z_hbm.at[gix.at[nch]], rows.at[0],
                              semg[0]).wait()
        plsc.subcore_barrier()
        pltpu.sync_copy(
            acc.at[pl.ds(sid * OUT_PER_SUB, OUT_PER_SUB)],
            out_hbm.at[cid, pl.ds(sid * OUT_PER_SUB, OUT_PER_SUB)],
        )
        tail = NS * OUT_PER_SUB

        @pl.when(sid == NS - 1)
        def _():
            pltpu.sync_copy(
                acc.at[pl.ds(tail, N - tail)],
                out_hbm.at[cid, pl.ds(tail, N - tail)],
            )

    return body(z, gidx_r, dst_r)


def _bn_ztransform(partials, gamma2d, beta2d, W):

    def body(p_ref, g_ref, b_ref, w_ref, z_ref, h_ref):
        @pl.when(pl.program_id(0) == 0)
        def _():
            h = p_ref[0] + p_ref[1]
            mu = jnp.mean(h, axis=0, keepdims=True)
            var = jnp.mean((h - mu) ** 2, axis=0, keepdims=True)
            y = (h - mu) * lax.rsqrt(var + EPS) * g_ref[...] + b_ref[...]
            h_ref[...] = jnp.maximum(y, 0.0)

        z_ref[...] = jnp.dot(h_ref[...], w_ref[0],
                             preferred_element_type=jnp.float32)

    return pl.pallas_call(
        body,
        grid=(K,),
        in_specs=[
            pl.BlockSpec((2, N, C), lambda k: (0, 0, 0)),
            pl.BlockSpec((1, C), lambda k: (0, 0)),
            pl.BlockSpec((1, C), lambda k: (0, 0)),
            pl.BlockSpec((1, C, C), lambda k: (k, 0, 0)),
        ],
        out_specs=pl.BlockSpec((N, C), lambda k: (k, 0)),
        out_shape=jax.ShapeDtypeStruct((K * N, C), jnp.float32),
        scratch_shapes=[pltpu.VMEM((N, C), jnp.float32)],
    )(partials, gamma2d, beta2d, W)


def _bn_stage(partials, gamma2d, beta2d, x=None):
    residual = x is not None

    def body(p_ref, g_ref, b_ref, *rest):
        if residual:
            x_ref, o_ref = rest
        else:
            (o_ref,) = rest
        h = p_ref[0] + p_ref[1]
        mu = jnp.mean(h, axis=0, keepdims=True)
        var = jnp.mean((h - mu) ** 2, axis=0, keepdims=True)
        y = (h - mu) * lax.rsqrt(var + EPS) * g_ref[...] + b_ref[...]
        if residual:
            y = y + x_ref[...]
        o_ref[...] = jnp.maximum(y, 0.0)

    args = (partials, gamma2d, beta2d) + ((x,) if residual else ())
    return pl.pallas_call(
        body,
        out_shape=jax.ShapeDtypeStruct((N, C), jnp.float32),
    )(*args)


def kernel(x, edge_index, kernel_id, W1, gamma1, beta1, W2, gamma2, beta2):
    src = edge_index[0].astype(jnp.int32)
    dst = edge_index[1].astype(jnp.int32)
    kid = kernel_id.astype(jnp.int32)

    e = src.shape[0]
    group = NW * CHUNK
    nch = (e + group - 1) // group
    nch += nch % 2
    nchp = ((nch + 1 + 7) // 8) * 8
    epad = nchp * group
    pad = epad - e
    gidx = kid * N + src
    pad_ar = jnp.arange(pad, dtype=jnp.int32)
    gidx_p = jnp.concatenate([gidx, pad_ar % (K * N)])
    dst_p = jnp.concatenate([dst, N + pad_ar % (ACC_ROWS - N)])
    gidx_r = gidx_p.reshape(nchp, NW, CHUNK).transpose(1, 0, 2)
    dst_r = dst_p.reshape(nchp, NW, CHUNK).transpose(1, 0, 2)

    g1 = gamma1.reshape(1, C)
    b1 = beta1.reshape(1, C)
    g2 = gamma2.reshape(1, C)
    b2 = beta2.reshape(1, C)

    z1 = _ztransform(x, W1)
    p1 = _edge_scatter(z1, gidx_r, dst_r, nch)
    z2 = _bn_ztransform(p1, g1, b1, W2)
    p2 = _edge_scatter(z2, gidx_r, dst_r, nch)
    return _bn_stage(p2, g2, b2, x=x)

# --- scband reference (transcript-rebuilt; emitter-appended) ---
"""Pipeline reference for scband-minkowski-basic-block-44040594653569 (READ-ONLY COPY).

The authoritative reference and input builder live on the scoring server;
editing this copy changes nothing except your own understanding.
"""

import jax, jax.numpy as jnp
import numpy as np

N_NODES = 10000
N_EDGES = 320000
C = 128
K = 27  # 3x3x3 kernel volume for dimension=3 sparse conv
EPS = 1e-5


def setup_inputs(seed: int = 0) -> dict:
    key = jax.random.key(seed)
    ks = jax.random.split(key, 8)
    x = jax.random.normal(ks[0], (N_NODES, C), dtype=jnp.float32)
    src = jax.random.randint(ks[1], (N_EDGES,), 0, N_NODES)
    dst = jax.random.randint(ks[2], (N_EDGES,), 0, N_NODES)
    edge_index = jnp.stack([src, dst], axis=0)
    kernel_id = jax.random.randint(ks[3], (N_EDGES,), 0, K)
    scale = 1.0 / np.sqrt(C * K)
    W1 = jax.random.normal(ks[4], (K, C, C), dtype=jnp.float32) * scale
    W2 = jax.random.normal(ks[5], (K, C, C), dtype=jnp.float32) * scale
    gamma1 = jnp.ones((C,), dtype=jnp.float32)
    beta1 = jnp.zeros((C,), dtype=jnp.float32)
    gamma2 = jnp.ones((C,), dtype=jnp.float32)
    beta2 = jnp.zeros((C,), dtype=jnp.float32)
    return {
        "x": x,
        "edge_index": edge_index,
        "kernel_id": kernel_id,
        "W1": W1,
        "gamma1": gamma1,
        "beta1": beta1,
        "W2": W2,
        "gamma2": gamma2,
        "beta2": beta2,
    }


def _sparse_conv(x, src, dst, kid, W):
    # MinkowskiConvolution kernel_size=3 dim=3: 27 kernel offsets, each with its own
    # [C_in, C_out] weight. Edge (src->dst) with kernel_id k contributes x[src] @ W[k]
    # scatter-added into out[dst]. Pre-transform per node for all K offsets, then
    # gather per-edge (node, kernel_id) slice and scatter-add -- mathematically
    # identical to the per-kernel gather-matmul-scatter decomposition.
    z = jnp.einsum('nc,kco->nko', x, W)          # [N, K, C_out]
    msg = z[src, kid]                            # gather [E, C_out]
    out = jnp.zeros((x.shape[0], W.shape[2]), dtype=x.dtype).at[dst].add(msg)
    return out


def _bn(h, gamma, beta):
    # training-mode batch norm over the node dimension
    mu = jnp.mean(h, axis=0)
    var = jnp.var(h, axis=0)
    return (h - mu) / jnp.sqrt(var + EPS) * gamma + beta


def reference(x, edge_index, kernel_id, W1, gamma1, beta1, W2, gamma2, beta2):
    src = edge_index[0]
    dst = edge_index[1]
    # conv1 -> bn1 -> relu
    out = _sparse_conv(x, src, dst, kernel_id, W1)
    out = _bn(out, gamma1, beta1)
    out = jax.nn.relu(out)
    # conv2 -> bn2 (stride=1, in==out channels -> downsample is None)
    out = _sparse_conv(out, src, dst, kernel_id, W2)
    out = _bn(out, gamma2, beta2)
    # residual + relu
    out = out + x
    out = jax.nn.relu(out)
    return out

if __name__ == "__main__":
    import jax
    _d = setup_inputs()
    print(jax.jit(kernel)(*tuple(_d.values())))

</pallas_src>

<mosaic_0001>
#map = affine_map<(d0, d1) -> (0, 0)>
#map1 = affine_map<(d0, d1) -> (0, 0, 0)>
module attributes {stable_mosaic.version = 14 : i64} {
  func.func @body(%arg0: i32, %arg1: i32, %arg2: memref<270000x128xf32, #tpu.memory_space<hbm>>, %arg3: memref<32x88x128xi32, #tpu.memory_space<hbm>>, %arg4: memref<32x88x128xi32, #tpu.memory_space<hbm>>, %arg5: memref<2x10000x128xf32, #tpu.memory_space<hbm>>, %arg6: memref<10240x128xf32, #tpu.memory_space<vmem_shared>>, %arg7: memref<88x128xi32, #tpu.memory_space<vmem>>, %arg8: memref<2x128xi32, #tpu.memory_space<vmem>>, %arg9: memref<2x128x128xf32, #tpu.memory_space<vmem>>, %arg10: memref<!tpu.dma_semaphore, #tpu.memory_space<semaphore_mem>>, %arg11: memref<!tpu.dma_semaphore, #tpu.memory_space<semaphore_mem>>, %arg12: memref<!tpu.dma_semaphore, #tpu.memory_space<semaphore_mem>>, %arg13: memref<!tpu.dma_semaphore, #tpu.memory_space<semaphore_mem>>, %arg14: memref<!tpu.dma_semaphore, #tpu.memory_space<semaphore_mem>>, %arg15: memref<!tpu.dma_semaphore, #tpu.memory_space<semaphore_mem>>) attributes {dimension_semantics = [#tpu.dimension_semantics<core_parallel>, #tpu.dimension_semantics<subcore_parallel>], iteration_bounds = array<i64: 2, 16>, scalar_prefetch = 0 : i64, scratch_operands = 10 : i64, tpu.core_type = #tpu.core_type<sc_vector_subcore>, window_params = [{transform_indices = #map}, {transform_indices = #map1}, {transform_indices = #map1}, {transform_indices = #map1}]} {
    %mul3A = arith.constant 2 : i32
    %mul3A_0 = arith.muli %arg1, %mul3A : i32
    %add3A = arith.addi %mul3A_0, %arg0 : i32
    %scan3A = arith.constant 0 : i32
    %scan3A_1 = arith.constant 0 : i32
    %scan3A_2 = arith.constant 128 : i32
    %scan3A_3 = arith.addi %scan3A_1, %scan3A_2 : i32
    %scan3A_4 = arith.constant 1 : i32
    scf.for %scan3A_392 = %scan3A_1 to %scan3A_3 step %scan3A_4  : i32 {
      %broadcast_in_dim3A_393 = arith.constant 0.000000e+00 : f32
      %broadcast_in_dim3A_394 = vector.broadcast %broadcast_in_dim3A_393 : f32 to vector<16xf32>
      %swap3A_395 = arith.constant 0 : i32
      %swap3A_396 = arith.index_cast %swap3A_395 : i32 to index
      %swap3A_397 = arith.index_cast %scan3A_392 : i32 to index
      %swap3A_398 = arith.constant 0 : index
      %swap3A_399 = tpu.vector_load %arg9[%swap3A_396, %swap3A_397, %swap3A_398] {strides = array<i32>} : memref<2x128x128xf32, #tpu.memory_space<vmem>>, vector<1x1x16xf32>,
      %swap3A_400 = vector.shape_cast %swap3A_399 : vector<1x1x16xf32> to vector<16xf32>
      %swap3A_401 = vector.shape_cast %broadcast_in_dim3A_394 : vector<16xf32> to vector<1x1x16xf32>
      tpu.vector_store %arg9[%swap3A_396, %swap3A_397, %swap3A_398], %swap3A_401 {strides = array<i32>} : memref<2x128x128xf32, #tpu.memory_space<vmem>>, vector<1x1x16xf32>,
      %broadcast_in_dim3A_402 = arith.constant 0.000000e+00 : f32
      %broadcast_in_dim3A_403 = vector.broadcast %broadcast_in_dim3A_402 : f32 to vector<16xf32>
      %swap3A_404 = arith.constant 0 : i32
      %swap3A_405 = arith.index_cast %swap3A_404 : i32 to index
      %swap3A_406 = arith.index_cast %scan3A_392 : i32 to index
      %swap3A_407 = arith.constant 16 : index
      %swap3A_408 = tpu.vector_load %arg9[%swap3A_405, %swap3A_406, %swap3A_407] {strides = array<i32>} : memref<2x128x128xf32, #tpu.memory_space<vmem>>, vector<1x1x16xf32>,
      %swap3A_409 = vector.shape_cast %swap3A_408 : vector<1x1x16xf32> to vector<16xf32>
      %swap3A_410 = vector.shape_cast %broadcast_in_dim3A_403 : vector<16xf32> to vector<1x1x16xf32>
      tpu.vector_store %arg9[%swap3A_405, %swap3A_406, %swap3A_407], %swap3A_410 {strides = array<i32>} : memref<2x128x128xf32, #tpu.memory_space<vmem>>, vector<1x1x16xf32>,
      %broadcast_in_dim3A_411 = arith.constant 0.000000e+00 : f32
      %broadcast_in_dim3A_412 = vector.broadcast %broadcast_in_dim3A_411 : f32 to vector<16xf32>
      %swap3A_413 = arith.constant 0 : i32
      %swap3A_414 = arith.index_cast %swap3A_413 : i32 to index
      %swap3A_415 = arith.index_cast %scan3A_392 : i32 to index
      %swap3A_416 = arith.constant 32 : index
      %swap3A_417 = tpu.vector_load %arg9[%swap3A_414, %swap3A_415, %swap3A_416] {strides = array<i32>} : memref<2x128x128xf32, #tpu.memory_space<vmem>>, vector<1x1x16xf32>,
      %swap3A_418 = vector.shape_cast %swap3A_417 : vector<1x1x16xf32> to vector<16xf32>
      %swap3A_419 = vector.shape_cast %broadcast_in_dim3A_412 : vector<16xf32> to vector<1x1x16xf32>
      tpu.vector_store %arg9[%swap3A_414, %swap3A_415, %swap3A_416], %swap3A_419 {strides = array<i32>} : memref<2x128x128xf32, #tpu.memory_space<vmem>>, vector<1x1x16xf32>,
      %broadcast_in_dim3A_420 = arith.constant 0.000000e+00 : f32
      %broadcast_in_dim3A_421 = vector.broadcast %broadcast_in_dim3A_420 : f32 to vector<16xf32>
      %swap3A_422 = arith.constant 0 : i32
      %swap3A_423 = arith.index_cast %swap3A_422 : i32 to index
      %swap3A_424 = arith.index_cast %scan3A_392 : i32 to index
      %swap3A_425 = arith.constant 48 : index
      %swap3A_426 = tpu.vector_load %arg9[%swap3A_423, %swap3A_424, %swap3A_425] {strides = array<i32>} : memref<2x128x128xf32, #tpu.memory_space<vmem>>, vector<1x1x16xf32>,
      %swap3A_427 = vector.shape_cast %swap3A_426 : vector<1x1x16xf32> to vector<16xf32>
      %swap3A_428 = vector.shape_cast %broadcast_in_dim3A_421 : vector<16xf32> to vector<1x1x16xf32>
      tpu.vector_store %arg9[%swap3A_423, %swap3A_424, %swap3A_425], %swap3A_428 {strides = array<i32>} : memref<2x128x128xf32, #tpu.memory_space<vmem>>, vector<1x1x16xf32>,
      %broadcast_in_dim3A_429 = arith.constant 0.000000e+00 : f32
      %broadcast_in_dim3A_430 = vector.broadcast %broadcast_in_dim3A_429 : f32 to vector<16xf32>
      %swap3A_431 = arith.constant 0 : i32
      %swap3A_432 = arith.index_cast %swap3A_431 : i32 to index
      %swap3A_433 = arith.index_cast %scan3A_392 : i32 to index
      %swap3A_434 = arith.constant 64 : index
      %swap3A_435 = tpu.vector_load %arg9[%swap3A_432, %swap3A_433, %swap3A_434] {strides = array<i32>} : memref<2x128x128xf32, #tpu.memory_space<vmem>>, vector<1x1x16xf32>,
      %swap3A_436 = vector.shape_cast %swap3A_435 : vector<1x1x16xf32> to vector<16xf32>
      %swap3A_437 = vector.shape_cast %broadcast_in_dim3A_430 : vector<16xf32> to vector<1x1x16xf32>
      tpu.vector_store %arg9[%swap3A_432, %swap3A_433, %swap3A_434], %swap3A_437 {strides = array<i32>} : memref<2x128x128xf32, #tpu.memory_space<vmem>>, vector<1x1x16xf32>,
      %broadcast_in_dim3A_438 = arith.constant 0.000000e+00 : f32
      %broadcast_in_dim3A_439 = vector.broadcast %broadcast_in_dim3A_438 : f32 to vector<16xf32>
      %swap3A_440 = arith.constant 0 : i32
      %swap3A_441 = arith.index_cast %swap3A_440 : i32 to index
      %swap3A_442 = arith.index_cast %scan3A_392 : i32 to index
      %swap3A_443 = arith.constant 80 : index
      %swap3A_444 = tpu.vector_load %arg9[%swap3A_441, %swap3A_442, %swap3A_443] {strides = array<i32>} : memref<2x128x128xf32, #tpu.memory_space<vmem>>, vector<1x1x16xf32>,
      %swap3A_445 = vector.shape_cast %swap3A_444 : vector<1x1x16xf32> to vector<16xf32>
      %swap3A_446 = vector.shape_cast %broadcast_in_dim3A_439 : vector<16xf32> to vector<1x1x16xf32>
      tpu.vector_store %arg9[%swap3A_441, %swap3A_442, %swap3A_443], %swap3A_446 {strides = array<i32>} : memref<2x128x128xf32, #tpu.memory_space<vmem>>, vector<1x1x16xf32>,
      %broadcast_in_dim3A_447 = arith.constant 0.000000e+00 : f32
      %broadcast_in_dim3A_448 = vector.broadcast %broadcast_in_dim3A_447 : f32 to vector<16xf32>
      %swap3A_449 = arith.constant 0 : i32
      %swap3A_450 = arith.index_cast %swap3A_449 : i32 to index
      %swap3A_451 = arith.index_cast %scan3A_392 : i32 to index
      %swap3A_452 = arith.constant 96 : index
      %swap3A_453 = tpu.vector_load %arg9[%swap3A_450, %swap3A_451, %swap3A_452] {strides = array<i32>} : memref<2x128x128xf32, #tpu.memory_space<vmem>>, vector<1x1x16xf32>,
      %swap3A_454 = vector.shape_cast %swap3A_453 : vector<1x1x16xf32> to vector<16xf32>
      %swap3A_455 = vector.shape_cast %broadcast_in_dim3A_448 : vector<16xf32> to vector<1x1x16xf32>
      tpu.vector_store %arg9[%swap3A_450, %swap3A_451, %swap3A_452], %swap3A_455 {strides = array<i32>} : memref<2x128x128xf32, #tpu.memory_space<vmem>>, vector<1x1x16xf32>,
      %broadcast_in_dim3A_456 = arith.constant 0.000000e+00 : f32
      %broadcast_in_dim3A_457 = vector.broadcast %broadcast_in_dim3A_456 : f32 to vector<16xf32>
      %swap3A_458 = arith.constant 0 : i32
      %swap3A_459 = arith.index_cast %swap3A_458 : i32 to index
      %swap3A_460 = arith.index_cast %scan3A_392 : i32 to index
      %swap3A_461 = arith.constant 112 : index
      %swap3A_462 = tpu.vector_load %arg9[%swap3A_459, %swap3A_460, %swap3A_461] {strides = array<i32>} : memref<2x128x128xf32, #tpu.memory_space<vmem>>, vector<1x1x16xf32>,
      %swap3A_463 = vector.shape_cast %swap3A_462 : vector<1x1x16xf32> to vector<16xf32>
      %swap3A_464 = vector.shape_cast %broadcast_in_dim3A_457 : vector<16xf32> to vector<1x1x16xf32>
      tpu.vector_store %arg9[%swap3A_459, %swap3A_460, %swap3A_461], %swap3A_464 {strides = array<i32>} : memref<2x128x128xf32, #tpu.memory_space<vmem>>, vector<1x1x16xf32>,
    }
    %scan3A_5 = arith.constant 128 : i32
    %mul3A_6 = arith.constant 640 : i32
    %mul3A_7 = arith.muli %arg1, %mul3A_6 : i32
    %add3A_8 = arith.constant 0 : i32
    %add3A_9 = arith.addi %mul3A_7, %add3A_8 : i32
    %dma_start3A = arith.constant 0 : i32
    %dma_start3A_10 = arith.constant 0 : i32
    %dma_start3A_11 = arith.constant 0 : i32
    %dma_start3A_12 = tpu.memref_slice %arg9[%dma_start3A, %dma_start3A_10, %dma_start3A_11] : memref<2x128x128xf32, #tpu.memory_space<vmem>> -> memref<1x128x128xf32, #tpu.memory_space<vmem>>
    %dma_start3A_13 = tpu.memref_squeeze %dma_start3A_12 : memref<1x128x128xf32, #tpu.memory_space<vmem>> -> memref<128x128xf32, #tpu.memory_space<vmem>>
    %dma_start3A_14 = arith.constant 0 : i32
    %dma_start3A_15 = tpu.memref_slice %arg6[%add3A_9, %dma_start3A_14] : memref<10240x128xf32, #tpu.memory_space<vmem_shared>> -> memref<128x128xf32, #tpu.memory_space<vmem_shared>>
    %dma_start3A_16 = arith.constant 0 : i32
    %dma_start3A_17 = tpu.memref_slice %arg6[%add3A_9, %dma_start3A_16] : memref<10240x128xf32, #tpu.memory_space<vmem_shared>> -> memref<128x128xf32, #tpu.memory_space<vmem_shared>>
    %dma_start3A_18 = arith.constant 0 : i32
    %dma_start3A_19 = arith.constant 0 : i32
    %dma_start3A_20 = tpu.memref_slice %arg9[%dma_start3A, %dma_start3A_18, %dma_start3A_19] : memref<2x128x128xf32, #tpu.memory_space<vmem>> -> memref<1x128x128xf32, #tpu.memory_space<vmem>>
    %dma_start3A_21 = tpu.memref_squeeze %dma_start3A_20 : memref<1x128x128xf32, #tpu.memory_space<vmem>> -> memref<128x128xf32, #tpu.memory_space<vmem>>
    tpu.enqueue_dma source(%dma_start3A_21 : memref<128x128xf32, #tpu.memory_space<vmem>>) target(%dma_start3A_17 : memref<128x128xf32, #tpu.memory_space<vmem_shared>>) target_semaphore(%arg14 : memref<!tpu.dma_semaphore, #tpu.memory_space<semaphore_mem>>)
    %mul3A_22 = arith.constant 640 : i32
    %mul3A_23 = arith.muli %arg1, %mul3A_22 : i32
    %add3A_24 = arith.constant 128 : i32
    %add3A_25 = arith.addi %mul3A_23, %add3A_24 : i32
    %dma_start3A_26 = arith.constant 0 : i32
    %dma_start3A_27 = arith.constant 0 : i32
    %dma_start3A_28 = arith.constant 0 : i32
    %dma_start3A_29 = tpu.memref_slice %arg9[%dma_start3A_26, %dma_start3A_27, %dma_start3A_28] : memref<2x128x128xf32, #tpu.memory_space<vmem>> -> memref<1x128x128xf32, #tpu.memory_space<vmem>>
    %dma_start3A_30 = tpu.memref_squeeze %dma_start3A_29 : memref<1x128x128xf32, #tpu.memory_space<vmem>> -> memref<128x128xf32, #tpu.memory_space<vmem>>
    %dma_start3A_31 = arith.constant 0 : i32
    %dma_start3A_32 = tpu.memref_slice %arg6[%add3A_25, %dma_start3A_31] : memref<10240x128xf32, #tpu.memory_space<vmem_shared>> -> memref<128x128xf32, #tpu.memory_space<vmem_shared>>
    %dma_start3A_33 = arith.constant 0 : i32
    %dma_start3A_34 = tpu.memref_slice %arg6[%add3A_25, %dma_start3A_33] : memref<10240x128xf32, #tpu.memory_space<vmem_shared>> -> memref<128x128xf32, #tpu.memory_space<vmem_shared>>
    %dma_start3A_35 = arith.constant 0 : i32
    %dma_start3A_36 = arith.constant 0 : i32
    %dma_start3A_37 = tpu.memref_slice %arg9[%dma_start3A_26, %dma_start3A_35, %dma_start3A_36] : memref<2x128x128xf32, #tpu.memory_space<vmem>> -> memref<1x128x128xf32, #tpu.memory_space<vmem>>
    %dma_start3A_38 = tpu.memref_squeeze %dma_start3A_37 : memref<1x128x128xf32, #tpu.memory_space<vmem>> -> memref<128x128xf32, #tpu.memory_space<vmem>>
    tpu.enqueue_dma source(%dma_start3A_38 : memref<128x128xf32, #tpu.memory_space<vmem>>) target(%dma_start3A_34 : memref<128x128xf32, #tpu.memory_space<vmem_shared>>) target_semaphore(%arg14 : memref<!tpu.dma_semaphore, #tpu.memory_space<semaphore_mem>>)
    %mul3A_39 = arith.constant 640 : i32
    %mul3A_40 = arith.muli %arg1, %mul3A_39 : i32
    %add3A_41 = arith.constant 256 : i32
    %add3A_42 = arith.addi %mul3A_40, %add3A_41 : i32
    %dma_start3A_43 = arith.constant 0 : i32
    %dma_start3A_44 = arith.constant 0 : i32
    %dma_start3A_45 = arith.constant 0 : i32
    %dma_start3A_46 = tpu.memref_slice %arg9[%dma_start3A_43, %dma_start3A_44, %dma_start3A_45] : memref<2x128x128xf32, #tpu.memory_space<vmem>> -> memref<1x128x128xf32, #tpu.memory_space<vmem>>
    %dma_start3A_47 = tpu.memref_squeeze %dma_start3A_46 : memref<1x128x128xf32, #tpu.memory_space<vmem>> -> memref<128x128xf32, #tpu.memory_space<vmem>>
    %dma_start3A_48 = arith.constant 0 : i32
    %dma_start3A_49 = tpu.memref_slice %arg6[%add3A_42, %dma_start3A_48] : memref<10240x128xf32, #tpu.memory_space<vmem_shared>> -> memref<128x128xf32, #tpu.memory_space<vmem_shared>>
    %dma_start3A_50 = arith.constant 0 : i32
    %dma_start3A_51 = tpu.memref_slice %arg6[%add3A_42, %dma_start3A_50] : memref<10240x128xf32, #tpu.memory_space<vmem_shared>> -> memref<128x128xf32, #tpu.memory_space<vmem_shared>>
    %dma_start3A_52 = arith.constant 0 : i32
    %dma_start3A_53 = arith.constant 0 : i32
    %dma_start3A_54 = tpu.memref_slice %arg9[%dma_start3A_43, %dma_start3A_52, %dma_start3A_53] : memref<2x128x128xf32, #tpu.memory_space<vmem>> -> memref<1x128x128xf32, #tpu.memory_space<vmem>>
    %dma_start3A_55 = tpu.memref_squeeze %dma_start3A_54 : memref<1x128x128xf32, #tpu.memory_space<vmem>> -> memref<128x128xf32, #tpu.memory_space<vmem>>
    tpu.enqueue_dma source(%dma_start3A_55 : memref<128x128xf32, #tpu.memory_space<vmem>>) target(%dma_start3A_51 : memref<128x128xf32, #tpu.memory_space<vmem_shared>>) target_semaphore(%arg14 : memref<!tpu.dma_semaphore, #tpu.memory_space<semaphore_mem>>)
    %mul3A_56 = arith.constant 640 : i32
    %mul3A_57 = arith.muli %arg1, %mul3A_56 : i32
    %add3A_58 = arith.constant 384 : i32
    %add3A_59 = arith.addi %mul3A_57, %add3A_58 : i32
    %dma_start3A_60 = arith.constant 0 : i32
    %dma_start3A_61 = arith.constant 0 : i32
    %dma_start3A_62 = arith.constant 0 : i32
    %dma_start3A_63 = tpu.memref_slice %arg9[%dma_start3A_60, %dma_start3A_61, %dma_start3A_62] : memref<2x128x128xf32, #tpu.memory_space<vmem>> -> memref<1x128x128xf32, #tpu.memory_space<vmem>>
    %dma_start3A_64 = tpu.memref_squeeze %dma_start3A_63 : memref<1x128x128xf32, #tpu.memory_space<vmem>> -> memref<128x128xf32, #tpu.memory_space<vmem>>
    %dma_start3A_65 = arith.constant 0 : i32
    %dma_start3A_66 = tpu.memref_slice %arg6[%add3A_59, %dma_start3A_65] : memref<10240x128xf32, #tpu.memory_space<vmem_shared>> -> memref<128x128xf32, #tpu.memory_space<vmem_shared>>
    %dma_start3A_67 = arith.constant 0 : i32
    %dma_start3A_68 = tpu.memref_slice %arg6[%add3A_59, %dma_start3A_67] : memref<10240x128xf32, #tpu.memory_space<vmem_shared>> -> memref<128x128xf32, #tpu.memory_space<vmem_shared>>
    %dma_start3A_69 = arith.constant 0 : i32
    %dma_start3A_70 = arith.constant 0 : i32
    %dma_start3A_71 = tpu.memref_slice %arg9[%dma_start3A_60, %dma_start3A_69, %dma_start3A_70] : memref<2x128x128xf32, #tpu.memory_space<vmem>> -> memref<1x128x128xf32, #tpu.memory_space<vmem>>
    %dma_start3A_72 = tpu.memref_squeeze %dma_start3A_71 : memref<1x128x128xf32, #tpu.memory_space<vmem>> -> memref<128x128xf32, #tpu.memory_space<vmem>>
    tpu.enqueue_dma source(%dma_start3A_72 : memref<128x128xf32, #tpu.memory_space<vmem>>) target(%dma_start3A_68 : memref<128x128xf32, #tpu.memory_space<vmem_shared>>) target_semaphore(%arg14 : memref<!tpu.dma_semaphore, #tpu.memory_space<semaphore_mem>>)
    %mul3A_73 = arith.constant 640 : i32
    %mul3A_74 = arith.muli %arg1, %mul3A_73 : i32
    %add3A_75 = arith.constant 512 : i32
    %add3A_76 = arith.addi %mul3A_74, %add3A_75 : i32
    %dma_start3A_77 = arith.constant 0 : i32
    %dma_start3A_78 = arith.constant 0 : i32
    %dma_start3A_79 = arith.constant 0 : i32
    %dma_start3A_80 = tpu.memref_slice %arg9[%dma_start3A_77, %dma_start3A_78, %dma_start3A_79] : memref<2x128x128xf32, #tpu.memory_space<vmem>> -> memref<1x128x128xf32, #tpu.memory_space<vmem>>
    %dma_start3A_81 = tpu.memref_squeeze %dma_start3A_80 : memref<1x128x128xf32, #tpu.memory_space<vmem>> -> memref<128x128xf32, #tpu.memory_space<vmem>>
    %dma_start3A_82 = arith.constant 0 : i32
    %dma_start3A_83 = tpu.memref_slice %arg6[%add3A_76, %dma_start3A_82] : memref<10240x128xf32, #tpu.memory_space<vmem_shared>> -> memref<128x128xf32, #tpu.memory_space<vmem_shared>>
    %dma_start3A_84 = arith.constant 0 : i32
    %dma_start3A_85 = tpu.memref_slice %arg6[%add3A_76, %dma_start3A_84] : memref<10240x128xf32, #tpu.memory_space<vmem_shared>> -> memref<128x128xf32, #tpu.memory_space<vmem_shared>>
    %dma_start3A_86 = arith.constant 0 : i32
    %dma_start3A_87 = arith.constant 0 : i32
    %dma_start3A_88 = tpu.memref_slice %arg9[%dma_start3A_77, %dma_start3A_86, %dma_start3A_87] : memref<2x128x128xf32, #tpu.memory_space<vmem>> -> memref<1x128x128xf32, #tpu.memory_space<vmem>>
    %dma_start3A_89 = tpu.memref_squeeze %dma_start3A_88 : memref<1x128x128xf32, #tpu.memory_space<vmem>> -> memref<128x128xf32, #tpu.memory_space<vmem>>
    tpu.enqueue_dma source(%dma_start3A_89 : memref<128x128xf32, #tpu.memory_space<vmem>>) target(%dma_start3A_85 : memref<128x128xf32, #tpu.memory_space<vmem_shared>>) target_semaphore(%arg14 : memref<!tpu.dma_semaphore, #tpu.memory_space<semaphore_mem>>)
    %mul3A_90 = arith.constant 8 : i32
    %mul3A_91 = arith.muli %arg1, %mul3A_90 : i32
    %add3A_92 = arith.constant 10000 : i32
    %add3A_93 = arith.addi %add3A_92, %mul3A_91 : i32
    %broadcast_in_dim3A = vector.broadcast %add3A_93 : i32 to vector<16xi32>
    %iota3A = tpu.iota {dimensions = array<i32: 0>} : vector<16xi32>
    %add3A_94 = arith.constant 0 : i32
    %add3A_95 = vector.broadcast %add3A_94 : i32 to vector<16xi32>
    %add3A_96 = arith.addi %iota3A, %add3A_95 : vector<16xi32>
    %broadcast_in_dim3A_97 = arith.constant 8 : i32
    %broadcast_in_dim3A_98 = vector.broadcast %broadcast_in_dim3A_97 : i32 to vector<16xi32>
    %rem3A = arith.remsi %add3A_96, %broadcast_in_dim3A_98 : vector<16xi32>
    %add3A_99 = arith.addi %broadcast_in_dim3A, %rem3A : vector<16xi32>
    %swap3A = arith.constant 1 : i32
    %swap3A_100 = arith.index_cast %swap3A : i32 to index
    %swap3A_101 = arith.constant 0 : index
    %swap3A_102 = tpu.vector_load %arg8[%swap3A_100, %swap3A_101] {strides = array<i32>} : memref<2x128xi32, #tpu.memory_space<vmem>>, vector<1x16xi32>,
    %swap3A_103 = vector.shape_cast %swap3A_102 : vector<1x16xi32> to vector<16xi32>
    %swap3A_104 = vector.shape_cast %add3A_99 : vector<16xi32> to vector<1x16xi32>
    tpu.vector_store %arg8[%swap3A_100, %swap3A_101], %swap3A_104 {strides = array<i32>} : memref<2x128xi32, #tpu.memory_space<vmem>>, vector<1x16xi32>,
    %iota3A_105 = tpu.iota {dimensions = array<i32: 0>} : vector<16xi32>
    %add3A_106 = arith.constant 16 : i32
    %add3A_107 = vector.broadcast %add3A_106 : i32 to vector<16xi32>
    %add3A_108 = arith.addi %iota3A_105, %add3A_107 : vector<16xi32>
    %broadcast_in_dim3A_109 = arith.constant 8 : i32
    %broadcast_in_dim3A_110 = vector.broadcast %broadcast_in_dim3A_109 : i32 to vector<16xi32>
    %rem3A_111 = arith.remsi %add3A_108, %broadcast_in_dim3A_110 : vector<16xi32>
    %add3A_112 = arith.addi %broadcast_in_dim3A, %rem3A_111 : vector<16xi32>
    %swap3A_113 = arith.constant 1 : i32
    %swap3A_114 = arith.index_cast %swap3A_113 : i32 to index
    %swap3A_115 = arith.constant 16 : index
    %swap3A_116 = tpu.vector_load %arg8[%swap3A_114, %swap3A_115] {strides = array<i32>} : memref<2x128xi32, #tpu.memory_space<vmem>>, vector<1x16xi32>,
    %swap3A_117 = vector.shape_cast %swap3A_116 : vector<1x16xi32> to vector<16xi32>
    %swap3A_118 = vector.shape_cast %add3A_112 : vector<16xi32> to vector<1x16xi32>
    tpu.vector_store %arg8[%swap3A_114, %swap3A_115], %swap3A_118 {strides = array<i32>} : memref<2x128xi32, #tpu.memory_space<vmem>>, vector<1x16xi32>,
    %iota3A_119 = tpu.iota {dimensions = array<i32: 0>} : vector<16xi32>
    %add3A_120 = arith.constant 32 : i32
    %add3A_121 = vector.broadcast %add3A_120 : i32 to vector<16xi32>
    %add3A_122 = arith.addi %iota3A_119, %add3A_121 : vector<16xi32>
    %broadcast_in_dim3A_123 = arith.constant 8 : i32
    %broadcast_in_dim3A_124 = vector.broadcast %broadcast_in_dim3A_123 : i32 to vector<16xi32>
    %rem3A_125 = arith.remsi %add3A_122, %broadcast_in_dim3A_124 : vector<16xi32>
    %add3A_126 = arith.addi %broadcast_in_dim3A, %rem3A_125 : vector<16xi32>
    %swap3A_127 = arith.constant 1 : i32
    %swap3A_128 = arith.index_cast %swap3A_127 : i32 to index
    %swap3A_129 = arith.constant 32 : index
    %swap3A_130 = tpu.vector_load %arg8[%swap3A_128, %swap3A_129] {strides = array<i32>} : memref<2x128xi32, #tpu.memory_space<vmem>>, vector<1x16xi32>,
    %swap3A_131 = vector.shape_cast %swap3A_130 : vector<1x16xi32> to vector<16xi32>
    %swap3A_132 = vector.shape_cast %add3A_126 : vector<16xi32> to vector<1x16xi32>
    tpu.vector_store %arg8[%swap3A_128, %swap3A_129], %swap3A_132 {strides = array<i32>} : memref<2x128xi32, #tpu.memory_space<vmem>>, vector<1x16xi32>,
    %iota3A_133 = tpu.iota {dimensions = array<i32: 0>} : vector<16xi32>
    %add3A_134 = arith.constant 48 : i32
    %add3A_135 = vector.broadcast %add3A_134 : i32 to vector<16xi32>
    %add3A_136 = arith.addi %iota3A_133, %add3A_135 : vector<16xi32>
    %broadcast_in_dim3A_137 = arith.constant 8 : i32
    %broadcast_in_dim3A_138 = vector.broadcast %broadcast_in_dim3A_137 : i32 to vector<16xi32>
    %rem3A_139 = arith.remsi %add3A_136, %broadcast_in_dim3A_138 : vector<16xi32>
    %add3A_140 = arith.addi %broadcast_in_dim3A, %rem3A_139 : vector<16xi32>
    %swap3A_141 = arith.constant 1 : i32
    %swap3A_142 = arith.index_cast %swap3A_141 : i32 to index
    %swap3A_143 = arith.constant 48 : index
    %swap3A_144 = tpu.vector_load %arg8[%swap3A_142, %swap3A_143] {strides = array<i32>} : memref<2x128xi32, #tpu.memory_space<vmem>>, vector<1x16xi32>,
    %swap3A_145 = vector.shape_cast %swap3A_144 : vector<1x16xi32> to vector<16xi32>
    %swap3A_146 = vector.shape_cast %add3A_140 : vector<16xi32> to vector<1x16xi32>
    tpu.vector_store %arg8[%swap3A_142, %swap3A_143], %swap3A_146 {strides = array<i32>} : memref<2x128xi32, #tpu.memory_space<vmem>>, vector<1x16xi32>,
    %iota3A_147 = tpu.iota {dimensions = array<i32: 0>} : vector<16xi32>
    %add3A_148 = arith.constant 64 : i32
    %add3A_149 = vector.broadcast %add3A_148 : i32 to vector<16xi32>
    %add3A_150 = arith.addi %iota3A_147, %add3A_149 : vector<16xi32>
    %broadcast_in_dim3A_151 = arith.constant 8 : i32
    %broadcast_in_dim3A_152 = vector.broadcast %broadcast_in_dim3A_151 : i32 to vector<16xi32>
    %rem3A_153 = arith.remsi %add3A_150, %broadcast_in_dim3A_152 : vector<16xi32>
    %add3A_154 = arith.addi %broadcast_in_dim3A, %rem3A_153 : vector<16xi32>
    %swap3A_155 = arith.constant 1 : i32
    %swap3A_156 = arith.index_cast %swap3A_155 : i32 to index
    %swap3A_157 = arith.constant 64 : index
    %swap3A_158 = tpu.vector_load %arg8[%swap3A_156, %swap3A_157] {strides = array<i32>} : memref<2x128xi32, #tpu.memory_space<vmem>>, vector<1x16xi32>,
    %swap3A_159 = vector.shape_cast %swap3A_158 : vector<1x16xi32> to vector<16xi32>
    %swap3A_160 = vector.shape_cast %add3A_154 : vector<16xi32> to vector<1x16xi32>
    tpu.vector_store %arg8[%swap3A_156, %swap3A_157], %swap3A_160 {strides = array<i32>} : memref<2x128xi32, #tpu.memory_space<vmem>>, vector<1x16xi32>,
    %iota3A_161 = tpu.iota {dimensions = array<i32: 0>} : vector<16xi32>
    %add3A_162 = arith.constant 80 : i32
    %add3A_163 = vector.broadcast %add3A_162 : i32 to vector<16xi32>
    %add3A_164 = arith.addi %iota3A_161, %add3A_163 : vector<16xi32>
    %broadcast_in_dim3A_165 = arith.constant 8 : i32
    %broadcast_in_dim3A_166 = vector.broadcast %broadcast_in_dim3A_165 : i32 to vector<16xi32>
    %rem3A_167 = arith.remsi %add3A_164, %broadcast_in_dim3A_166 : vector<16xi32>
    %add3A_168 = arith.addi %broadcast_in_dim3A, %rem3A_167 : vector<16xi32>
    %swap3A_169 = arith.constant 1 : i32
    %swap3A_170 = arith.index_cast %swap3A_169 : i32 to index
    %swap3A_171 = arith.constant 80 : index
    %swap3A_172 = tpu.vector_load %arg8[%swap3A_170, %swap3A_171] {strides = array<i32>} : memref<2x128xi32, #tpu.memory_space<vmem>>, vector<1x16xi32>,
    %swap3A_173 = vector.shape_cast %swap3A_172 : vector<1x16xi32> to vector<16xi32>
    %swap3A_174 = vector.shape_cast %add3A_168 : vector<16xi32> to vector<1x16xi32>
    tpu.vector_store %arg8[%swap3A_170, %swap3A_171], %swap3A_174 {strides = array<i32>} : memref<2x128xi32, #tpu.memory_space<vmem>>, vector<1x16xi32>,
    %iota3A_175 = tpu.iota {dimensions = array<i32: 0>} : vector<16xi32>
    %add3A_176 = arith.constant 96 : i32
    %add3A_177 = vector.broadcast %add3A_176 : i32 to vector<16xi32>
    %add3A_178 = arith.addi %iota3A_175, %add3A_177 : vector<16xi32>
    %broadcast_in_dim3A_179 = arith.constant 8 : i32
    %broadcast_in_dim3A_180 = vector.broadcast %broadcast_in_dim3A_179 : i32 to vector<16xi32>
    %rem3A_181 = arith.remsi %add3A_178, %broadcast_in_dim3A_180 : vector<16xi32>
    %add3A_182 = arith.addi %broadcast_in_dim3A, %rem3A_181 : vector<16xi32>
    %swap3A_183 = arith.constant 1 : i32
    %swap3A_184 = arith.index_cast %swap3A_183 : i32 to index
    %swap3A_185 = arith.constant 96 : index
    %swap3A_186 = tpu.vector_load %arg8[%swap3A_184, %swap3A_185] {strides = array<i32>} : memref<2x128xi32, #tpu.memory_space<vmem>>, vector<1x16xi32>,
    %swap3A_187 = vector.shape_cast %swap3A_186 : vector<1x16xi32> to vector<16xi32>
    %swap3A_188 = vector.shape_cast %add3A_182 : vector<16xi32> to vector<1x16xi32>
    tpu.vector_store %arg8[%swap3A_184, %swap3A_185], %swap3A_188 {strides = array<i32>} : memref<2x128xi32, #tpu.memory_space<vmem>>, vector<1x16xi32>,
    %iota3A_189 = tpu.iota {dimensions = array<i32: 0>} : vector<16xi32>
    %add3A_190 = arith.constant 112 : i32
    %add3A_191 = vector.broadcast %add3A_190 : i32 to vector<16xi32>
    %add3A_192 = arith.addi %iota3A_189, %add3A_191 : vector<16xi32>
    %broadcast_in_dim3A_193 = arith.constant 8 : i32
    %broadcast_in_dim3A_194 = vector.broadcast %broadcast_in_dim3A_193 : i32 to vector<16xi32>
    %rem3A_195 = arith.remsi %add3A_192, %broadcast_in_dim3A_194 : vector<16xi32>
    %add3A_196 = arith.addi %broadcast_in_dim3A, %rem3A_195 : vector<16xi32>
    %swap3A_197 = arith.constant 1 : i32
    %swap3A_198 = arith.index_cast %swap3A_197 : i32 to index
    %swap3A_199 = arith.constant 112 : index
    %swap3A_200 = tpu.vector_load %arg8[%swap3A_198, %swap3A_199] {strides = array<i32>} : memref<2x128xi32, #tpu.memory_space<vmem>>, vector<1x16xi32>,
    %swap3A_201 = vector.shape_cast %swap3A_200 : vector<1x16xi32> to vector<16xi32>
    %swap3A_202 = vector.shape_cast %add3A_196 : vector<16xi32> to vector<1x16xi32>
    tpu.vector_store %arg8[%swap3A_198, %swap3A_199], %swap3A_202 {strides = array<i32>} : memref<2x128xi32, #tpu.memory_space<vmem>>, vector<1x16xi32>,
    %dma_start3A_203 = arith.constant 0 : i32
    %dma_start3A_204 = arith.constant 0 : i32
    %dma_start3A_205 = tpu.memref_slice %arg3[%add3A, %dma_start3A_203, %dma_start3A_204] : memref<32x88x128xi32, #tpu.memory_space<hbm>> -> memref<1x88x128xi32, #tpu.memory_space<hbm>>
    %dma_start3A_206 = tpu.memref_squeeze %dma_start3A_205 : memref<1x88x128xi32, #tpu.memory_space<hbm>> -> memref<88x128xi32, #tpu.memory_space<hbm>>
    %dma_start3A_207 = arith.constant 0 : i32
    %dma_start3A_208 = arith.constant 0 : i32
    %dma_start3A_209 = tpu.memref_slice %arg3[%add3A, %dma_start3A_207, %dma_start3A_208] : memref<32x88x128xi32, #tpu.memory_space<hbm>> -> memref<1x88x128xi32, #tpu.memory_space<hbm>>
    %dma_start3A_210 = tpu.memref_squeeze %dma_start3A_209 : memref<1x88x128xi32, #tpu.memory_space<hbm>> -> memref<88x128xi32, #tpu.memory_space<hbm>>
    tpu.enqueue_dma source(%dma_start3A_210 : memref<88x128xi32, #tpu.memory_space<hbm>>) target(%arg7 : memref<88x128xi32, #tpu.memory_space<vmem>>) target_semaphore(%arg12 : memref<!tpu.dma_semaphore, #tpu.memory_space<semaphore_mem>>)
    %mul3A_211 = arith.constant 640 : i32
    %mul3A_212 = arith.muli %arg1, %mul3A_211 : i32
    %add3A_213 = arith.constant 0 : i32
    %add3A_214 = arith.addi %mul3A_212, %add3A_213 : i32
    %dma_wait3A = arith.constant 0 : i32
    %dma_wait3A_215 = arith.constant 0 : i32
    %dma_wait3A_216 = arith.constant 0 : i32
    %dma_wait3A_217 = tpu.memref_slice %arg9[%dma_wait3A, %dma_wait3A_215, %dma_wait3A_216] : memref<2x128x128xf32, #tpu.memory_space<vmem>> -> memref<1x128x128xf32, #tpu.memory_space<vmem>>
    %dma_wait3A_218 = tpu.memref_squeeze %dma_wait3A_217 : memref<1x128x128xf32, #tpu.memory_space<vmem>> -> memref<128x128xf32, #tpu.memory_space<vmem>>
    %dma_wait3A_219 = arith.constant 0 : i32
    %dma_wait3A_220 = tpu.memref_slice %arg6[%add3A_214, %dma_wait3A_219] : memref<10240x128xf32, #tpu.memory_space<vmem_shared>> -> memref<128x128xf32, #tpu.memory_space<vmem_shared>>
    %dma_wait3A_221 = arith.constant 0 : i32
    %dma_wait3A_222 = tpu.memref_slice %arg6[%add3A_214, %dma_wait3A_221] : memref<10240x128xf32, #tpu.memory_space<vmem_shared>> -> memref<128x128xf32, #tpu.memory_space<vmem_shared>>
    %dma_wait3A_223 = arith.constant 0 : i32
    %dma_wait3A_224 = arith.constant 0 : i32
    %dma_wait3A_225 = tpu.memref_slice %arg9[%dma_wait3A, %dma_wait3A_223, %dma_wait3A_224] : memref<2x128x128xf32, #tpu.memory_space<vmem>> -> memref<1x128x128xf32, #tpu.memory_space<vmem>>
    %dma_wait3A_226 = tpu.memref_squeeze %dma_wait3A_225 : memref<1x128x128xf32, #tpu.memory_space<vmem>> -> memref<128x128xf32, #tpu.memory_space<vmem>>
    tpu.wait_dma2 semaphore(%arg14 : memref<!tpu.dma_semaphore, #tpu.memory_space<semaphore_mem>>) src(%dma_wait3A_226 : memref<128x128xf32, #tpu.memory_space<vmem>>) dst(%dma_wait3A_222 : memref<128x128xf32, #tpu.memory_space<vmem_shared>>)
    %mul3A_227 = arith.constant 640 : i32
    %mul3A_228 = arith.muli %arg1, %mul3A_227 : i32
    %add3A_229 = arith.constant 128 : i32
    %add3A_230 = arith.addi %mul3A_228, %add3A_229 : i32
    %dma_wait3A_231 = arith.constant 0 : i32
    %dma_wait3A_232 = arith.constant 0 : i32
    %dma_wait3A_233 = arith.constant 0 : i32
    %dma_wait3A_234 = tpu.memref_slice %arg9[%dma_wait3A_231, %dma_wait3A_232, %dma_wait3A_233] : memref<2x128x128xf32, #tpu.memory_space<vmem>> -> memref<1x128x128xf32, #tpu.memory_space<vmem>>
    %dma_wait3A_235 = tpu.memref_squeeze %dma_wait3A_234 : memref<1x128x128xf32, #tpu.memory_space<vmem>> -> memref<128x128xf32, #tpu.memory_space<vmem>>
    %dma_wait3A_236 = arith.constant 0 : i32
    %dma_wait3A_237 = tpu.memref_slice %arg6[%add3A_230, %dma_wait3A_236] : memref<10240x128xf32, #tpu.memory_space<vmem_shared>> -> memref<128x128xf32, #tpu.memory_space<vmem_shared>>
    %dma_wait3A_238 = arith.constant 0 : i32
    %dma_wait3A_239 = tpu.memref_slice %arg6[%add3A_230, %dma_wait3A_238] : memref<10240x128xf32, #tpu.memory_space<vmem_shared>> -> memref<128x128xf32, #tpu.memory_space<vmem_shared>>
    %dma_wait3A_240 = arith.constant 0 : i32
    %dma_wait3A_241 = arith.constant 0 : i32
    %dma_wait3A_242 = tpu.memref_slice %arg9[%dma_wait3A_231, %dma_wait3A_240, %dma_wait3A_241] : memref<2x128x128xf32, #tpu.memory_space<vmem>> -> memref<1x128x128xf32, #tpu.memory_space<vmem>>
    %dma_wait3A_243 = tpu.memref_squeeze %dma_wait3A_242 : memref<1x128x128xf32, #tpu.memory_space<vmem>> -> memref<128x128xf32, #tpu.memory_space<vmem>>
    tpu.wait_dma2 semaphore(%arg14 : memref<!tpu.dma_semaphore, #tpu.memory_space<semaphore_mem>>) src(%dma_wait3A_243 : memref<128x128xf32, #tpu.memory_space<vmem>>) dst(%dma_wait3A_239 : memref<128x128xf32, #tpu.memory_space<vmem_shared>>)
    %mul3A_244 = arith.constant 640 : i32
    %mul3A_245 = arith.muli %arg1, %mul3A_244 : i32
    %add3A_246 = arith.constant 256 : i32
    %add3A_247 = arith.addi %mul3A_245, %add3A_246 : i32
    %dma_wait3A_248 = arith.constant 0 : i32
    %dma_wait3A_249 = arith.constant 0 : i32
    %dma_wait3A_250 = arith.constant 0 : i32
    %dma_wait3A_251 = tpu.memref_slice %arg9[%dma_wait3A_248, %dma_wait3A_249, %dma_wait3A_250] : memref<2x128x128xf32, #tpu.memory_space<vmem>> -> memref<1x128x128xf32, #tpu.memory_space<vmem>>
    %dma_wait3A_252 = tpu.memref_squeeze %dma_wait3A_251 : memref<1x128x128xf32, #tpu.memory_space<vmem>> -> memref<128x128xf32, #tpu.memory_space<vmem>>
    %dma_wait3A_253 = arith.constant 0 : i32
    %dma_wait3A_254 = tpu.memref_slice %arg6[%add3A_247, %dma_wait3A_253] : memref<10240x128xf32, #tpu.memory_space<vmem_shared>> -> memref<128x128xf32, #tpu.memory_space<vmem_shared>>
    %dma_wait3A_255 = arith.constant 0 : i32
    %dma_wait3A_256 = tpu.memref_slice %arg6[%add3A_247, %dma_wait3A_255] : memref<10240x128xf32, #tpu.memory_space<vmem_shared>> -> memref<128x128xf32, #tpu.memory_space<vmem_shared>>
    %dma_wait3A_257 = arith.constant 0 : i32
    %dma_wait3A_258 = arith.constant 0 : i32
    %dma_wait3A_259 = tpu.memref_slice %arg9[%dma_wait3A_248, %dma_wait3A_257, %dma_wait3A_258] : memref<2x128x128xf32, #tpu.memory_space<vmem>> -> memref<1x128x128xf32, #tpu.memory_space<vmem>>
    %dma_wait3A_260 = tpu.memref_squeeze %dma_wait3A_259 : memref<1x128x128xf32, #tpu.memory_space<vmem>> -> memref<128x128xf32, #tpu.memory_space<vmem>>
    tpu.wait_dma2 semaphore(%arg14 : memref<!tpu.dma_semaphore, #tpu.memory_space<semaphore_mem>>) src(%dma_wait3A_260 : memref<128x128xf32, #tpu.memory_space<vmem>>) dst(%dma_wait3A_256 : memref<128x128xf32, #tpu.memory_space<vmem_shared>>)
    %mul3A_261 = arith.constant 640 : i32
    %mul3A_262 = arith.muli %arg1, %mul3A_261 : i32
    %add3A_263 = arith.constant 384 : i32
    %add3A_264 = arith.addi %mul3A_262, %add3A_263 : i32
    %dma_wait3A_265 = arith.constant 0 : i32
    %dma_wait3A_266 = arith.constant 0 : i32
    %dma_wait3A_267 = arith.constant 0 : i32
    %dma_wait3A_268 = tpu.memref_slice %arg9[%dma_wait3A_265, %dma_wait3A_266, %dma_wait3A_267] : memref<2x128x128xf32, #tpu.memory_space<vmem>> -> memref<1x128x128xf32, #tpu.memory_space<vmem>>
    %dma_wait3A_269 = tpu.memref_squeeze %dma_wait3A_268 : memref<1x128x128xf32, #tpu.memory_space<vmem>> -> memref<128x128xf32, #tpu.memory_space<vmem>>
    %dma_wait3A_270 = arith.constant 0 : i32
    %dma_wait3A_271 = tpu.memref_slice %arg6[%add3A_264, %dma_wait3A_270] : memref<10240x128xf32, #tpu.memory_space<vmem_shared>> -> memref<128x128xf32, #tpu.memory_space<vmem_shared>>
    %dma_wait3A_272 = arith.constant 0 : i32
    %dma_wait3A_273 = tpu.memref_slice %arg6[%add3A_264, %dma_wait3A_272] : memref<10240x128xf32, #tpu.memory_space<vmem_shared>> -> memref<128x128xf32, #tpu.memory_space<vmem_shared>>
    %dma_wait3A_274 = arith.constant 0 : i32
    %dma_wait3A_275 = arith.constant 0 : i32
    %dma_wait3A_276 = tpu.memref_slice %arg9[%dma_wait3A_265, %dma_wait3A_274, %dma_wait3A_275] : memref<2x128x128xf32, #tpu.memory_space<vmem>> -> memref<1x128x128xf32, #tpu.memory_space<vmem>>
    %dma_wait3A_277 = tpu.memref_squeeze %dma_wait3A_276 : memref<1x128x128xf32, #tpu.memory_space<vmem>> -> memref<128x128xf32, #tpu.memory_space<vmem>>
    tpu.wait_dma2 semaphore(%arg14 : memref<!tpu.dma_semaphore, #tpu.memory_space<semaphore_mem>>) src(%dma_wait3A_277 : memref<128x128xf32, #tpu.memory_space<vmem>>) dst(%dma_wait3A_273 : memref<128x128xf32, #tpu.memory_space<vmem_shared>>)
    %mul3A_278 = arith.constant 640 : i32
    %mul3A_279 = arith.muli %arg1, %mul3A_278 : i32
    %add3A_280 = arith.constant 512 : i32
    %add3A_281 = arith.addi %mul3A_279, %add3A_280 : i32
    %dma_wait3A_282 = arith.constant 0 : i32
    %dma_wait3A_283 = arith.constant 0 : i32
    %dma_wait3A_284 = arith.constant 0 : i32
    %dma_wait3A_285 = tpu.memref_slice %arg9[%dma_wait3A_282, %dma_wait3A_283, %dma_wait3A_284] : memref<2x128x128xf32, #tpu.memory_space<vmem>> -> memref<1x128x128xf32, #tpu.memory_space<vmem>>
    %dma_wait3A_286 = tpu.memref_squeeze %dma_wait3A_285 : memref<1x128x128xf32, #tpu.memory_space<vmem>> -> memref<128x128xf32, #tpu.memory_space<vmem>>
    %dma_wait3A_287 = arith.constant 0 : i32
    %dma_wait3A_288 = tpu.memref_slice %arg6[%add3A_281, %dma_wait3A_287] : memref<10240x128xf32, #tpu.memory_space<vmem_shared>> -> memref<128x128xf32, #tpu.memory_space<vmem_shared>>
    %dma_wait3A_289 = arith.constant 0 : i32
    %dma_wait3A_290 = tpu.memref_slice %arg6[%add3A_281, %dma_wait3A_289] : memref<10240x128xf32, #tpu.memory_space<vmem_shared>> -> memref<128x128xf32, #tpu.memory_space<vmem_shared>>
    %dma_wait3A_291 = arith.constant 0 : i32
    %dma_wait3A_292 = arith.constant 0 : i32
    %dma_wait3A_293 = tpu.memref_slice %arg9[%dma_wait3A_282, %dma_wait3A_291, %dma_wait3A_292] : memref<2x128x128xf32, #tpu.memory_space<vmem>> -> memref<1x128x128xf32, #tpu.memory_space<vmem>>
    %dma_wait3A_294 = tpu.memref_squeeze %dma_wait3A_293 : memref<1x128x128xf32, #tpu.memory_space<vmem>> -> memref<128x128xf32, #tpu.memory_space<vmem>>
    tpu.wait_dma2 semaphore(%arg14 : memref<!tpu.dma_semaphore, #tpu.memory_space<semaphore_mem>>) src(%dma_wait3A_294 : memref<128x128xf32, #tpu.memory_space<vmem>>) dst(%dma_wait3A_290 : memref<128x128xf32, #tpu.memory_space<vmem_shared>>)
    %dma_wait3A_295 = arith.constant 0 : i32
    %dma_wait3A_296 = arith.constant 0 : i32
    %dma_wait3A_297 = tpu.memref_slice %arg3[%add3A, %dma_wait3A_295, %dma_wait3A_296] : memref<32x88x128xi32, #tpu.memory_space<hbm>> -> memref<1x88x128xi32, #tpu.memory_space<hbm>>
    %dma_wait3A_298 = tpu.memref_squeeze %dma_wait3A_297 : memref<1x88x128xi32, #tpu.memory_space<hbm>> -> memref<88x128xi32, #tpu.memory_space<hbm>>
    %dma_wait3A_299 = arith.constant 0 : i32
    %dma_wait3A_300 = arith.constant 0 : i32
    %dma_wait3A_301 = tpu.memref_slice %arg3[%add3A, %dma_wait3A_299, %dma_wait3A_300] : memref<32x88x128xi32, #tpu.memory_space<hbm>> -> memref<1x88x128xi32, #tpu.memory_space<hbm>>
    %dma_wait3A_302 = tpu.memref_squeeze %dma_wait3A_301 : memref<1x88x128xi32, #tpu.memory_space<hbm>> -> memref<88x128xi32, #tpu.memory_space<hbm>>
    tpu.wait_dma2 semaphore(%arg12 : memref<!tpu.dma_semaphore, #tpu.memory_space<semaphore_mem>>) src(%dma_wait3A_302 : memref<88x128xi32, #tpu.memory_space<hbm>>) dst(%arg7 : memref<88x128xi32, #tpu.memory_space<vmem>>)
    %barrier3A = arith.constant 0 : index
    tpu.barrier barrier_id(%barrier3A)
    %dma_start3A_303 = arith.constant 0 : i32
    %dma_start3A_304 = arith.constant 0 : i32
    %dma_start3A_305 = arith.constant 0 : i32
    %dma_start3A_306 = tpu.memref_slice %arg8[%dma_start3A_304, %dma_start3A_305] : memref<2x128xi32, #tpu.memory_space<vmem>> -> memref<1x128xi32, #tpu.memory_space<vmem>>
    %dma_start3A_307 = tpu.memref_squeeze %dma_start3A_306 : memref<1x128xi32, #tpu.memory_space<vmem>> -> memref<128xi32, #tpu.memory_space<vmem>>
    %dma_start3A_308 = arith.constant 0 : i32
    %dma_start3A_309 = tpu.memref_slice %arg4[%add3A, %dma_start3A_303, %dma_start3A_308] : memref<32x88x128xi32, #tpu.memory_space<hbm>> -> memref<1x1x128xi32, #tpu.memory_space<hbm>>
    %dma_start3A_310 = tpu.memref_squeeze %dma_start3A_309 : memref<1x1x128xi32, #tpu.memory_space<hbm>> -> memref<128xi32, #tpu.memory_space<hbm>>
    %dma_start3A_311 = arith.constant 0 : i32
    %dma_start3A_312 = tpu.memref_slice %arg8[%dma_start3A_304, %dma_start3A_311] : memref<2x128xi32, #tpu.memory_space<vmem>> -> memref<1x128xi32, #tpu.memory_space<vmem>>
    %dma_start3A_313 = tpu.memref_squeeze %dma_start3A_312 : memref<1x128xi32, #tpu.memory_space<vmem>> -> memref<128xi32, #tpu.memory_space<vmem>>
    %dma_start3A_314 = arith.constant 0 : i32
    %dma_start3A_315 = tpu.memref_slice %arg4[%add3A, %dma_start3A_303, %dma_start3A_314] : memref<32x88x128xi32, #tpu.memory_space<hbm>> -> memref<1x1x128xi32, #tpu.memory_space<hbm>>
    %dma_start3A_316 = tpu.memref_squeeze %dma_start3A_315 : memref<1x1x128xi32, #tpu.memory_space<hbm>> -> memref<128xi32, #tpu.memory_space<hbm>>
    tpu.enqueue_dma source(%dma_start3A_316 : memref<128xi32, #tpu.memory_space<hbm>>) target(%dma_start3A_313 : memref<128xi32, #tpu.memory_space<vmem>>) target_semaphore(%arg12 : memref<!tpu.dma_semaphore, #tpu.memory_space<semaphore_mem>>)
    %dma_start3A_317 = arith.constant 0 : i32
    %dma_start3A_318 = arith.constant 0 : i32
    %dma_start3A_319 = arith.constant 0 : i32
    %dma_start3A_320 = arith.constant 0 : i32
    %dma_start3A_321 = tpu.memref_slice %arg9[%dma_start3A_318, %dma_start3A_319, %dma_start3A_320] : memref<2x128x128xf32, #tpu.memory_space<vmem>> -> memref<1x128x128xf32, #tpu.memory_space<vmem>>
    %dma_start3A_322 = tpu.memref_squeeze %dma_start3A_321 : memref<1x128x128xf32, #tpu.memory_space<vmem>> -> memref<128x128xf32, #tpu.memory_space<vmem>>
    %dma_start3A_323 = arith.constant 0 : i32
    %dma_start3A_324 = tpu.memref_slice %arg7[%dma_start3A_317, %dma_start3A_323] : memref<88x128xi32, #tpu.memory_space<vmem>> -> memref<1x128xi32, #tpu.memory_space<vmem>>
    %dma_start3A_325 = tpu.memref_squeeze %dma_start3A_324 : memref<1x128xi32, #tpu.memory_space<vmem>> -> memref<128xi32, #tpu.memory_space<vmem>>
    %dma_start3A_326 = arith.constant 0 : i32
    %dma_start3A_327 = arith.constant 0 : i32
    %dma_start3A_328 = tpu.memref_slice %arg2[%dma_start3A_326, %dma_start3A_327] : memref<270000x128xf32, #tpu.memory_space<hbm>> -> memref<270000x128xf32, #tpu.memory_space<hbm>>
    tpu.enqueue_indirect_dma source(%dma_start3A_328 : memref<270000x128xf32, #tpu.memory_space<hbm>>) target(%dma_start3A_322 : memref<128x128xf32, #tpu.memory_space<vmem>>) offsets(%dma_start3A_325 : memref<128xi32, #tpu.memory_space<vmem>>) semaphore(%arg10 : memref<!tpu.dma_semaphore, #tpu.memory_space<semaphore_mem>>)
    %dma_start3A_329 = arith.constant 1 : i32
    %dma_start3A_330 = arith.constant 1 : i32
    %dma_start3A_331 = arith.constant 0 : i32
    %dma_start3A_332 = arith.constant 0 : i32
    %dma_start3A_333 = tpu.memref_slice %arg9[%dma_start3A_329, %dma_start3A_331, %dma_start3A_332] : memref<2x128x128xf32, #tpu.memory_space<vmem>> -> memref<1x128x128xf32, #tpu.memory_space<vmem>>
    %dma_start3A_334 = tpu.memref_squeeze %dma_start3A_333 : memref<1x128x128xf32, #tpu.memory_space<vmem>> -> memref<128x128xf32, #tpu.memory_space<vmem>>
    %dma_start3A_335 = arith.constant 0 : i32
    %dma_start3A_336 = tpu.memref_slice %arg8[%dma_start3A_330, %dma_start3A_335] : memref<2x128xi32, #tpu.memory_space<vmem>> -> memref<1x128xi32, #tpu.memory_space<vmem>>
    %dma_start3A_337 = tpu.memref_squeeze %dma_start3A_336 : memref<1x128xi32, #tpu.memory_space<vmem>> -> memref<128xi32, #tpu.memory_space<vmem>>
    %dma_start3A_338 = arith.constant 0 : i32
    %dma_start3A_339 = arith.constant 0 : i32
    %dma_start3A_340 = tpu.memref_slice %arg6[%dma_start3A_338, %dma_start3A_339] : memref<10240x128xf32, #tpu.memory_space<vmem_shared>> -> memref<10240x128xf32, #tpu.memory_space<vmem_shared>>
    tpu.enqueue_indirect_dma source(%dma_start3A_334 : memref<128x128xf32, #tpu.memory_space<vmem>>) target(%dma_start3A_340 : memref<10240x128xf32, #tpu.memory_space<vmem_shared>>) offsets(%dma_start3A_337 : memref<128xi32, #tpu.memory_space<vmem>>) semaphore(%arg15 : memref<!tpu.dma_semaphore, #tpu.memory_space<semaphore_mem>>) {add = true}
    %scan3A_341 = arith.constant 0 : i32
    %scan3A_342 = arith.constant 0 : i32
    %scan3A_343 = arith.constant 40 : i32
    %scan3A_344 = arith.addi %scan3A_342, %scan3A_343 : i32
    %scan3A_345 = arith.constant 1 : i32
    scf.for %scan3A_392 = %scan3A_342 to %scan3A_344 step %scan3A_345  : i32 {
      %mul3A_393 = arith.constant 2 : i32
      %mul3A_394 = arith.muli %mul3A_393, %scan3A_392 : i32
      %add3A_395 = arith.constant 0 : i32
      %add3A_396 = arith.addi %mul3A_394, %add3A_395 : i32
      %dma_wait3A_397 = arith.constant 0 : i32
      %dma_wait3A_398 = arith.constant 0 : i32
      %dma_wait3A_399 = arith.constant 0 : i32
      %dma_wait3A_400 = tpu.memref_slice %arg9[%dma_wait3A_397, %dma_wait3A_398, %dma_wait3A_399] : memref<2x128x128xf32, #tpu.memory_space<vmem>> -> memref<1x128x128xf32, #tpu.memory_space<vmem>>
      %dma_wait3A_401 = tpu.memref_squeeze %dma_wait3A_400 : memref<1x128x128xf32, #tpu.memory_space<vmem>> -> memref<128x128xf32, #tpu.memory_space<vmem>>
      %dma_wait3A_402 = arith.constant 0 : i32
      %dma_wait3A_403 = tpu.memref_slice %arg7[%add3A_396, %dma_wait3A_402] : memref<88x128xi32, #tpu.memory_space<vmem>> -> memref<1x128xi32, #tpu.memory_space<vmem>>
      %dma_wait3A_404 = tpu.memref_squeeze %dma_wait3A_403 : memref<1x128xi32, #tpu.memory_space<vmem>> -> memref<128xi32, #tpu.memory_space<vmem>>
      %dma_wait3A_405 = arith.constant 0 : i32
      %dma_wait3A_406 = arith.constant 0 : i32
      %dma_wait3A_407 = tpu.memref_slice %arg2[%dma_wait3A_405, %dma_wait3A_406] : memref<270000x128xf32, #tpu.memory_space<hbm>> -> memref<270000x128xf32, #tpu.memory_space<hbm>>
      tpu.wait_indirect_dma semaphore(%arg10 : memref<!tpu.dma_semaphore, #tpu.memory_space<semaphore_mem>>) src(%dma_wait3A_407 : memref<270000x128xf32, #tpu.memory_space<hbm>>) dst(%dma_wait3A_401 : memref<128x128xf32, #tpu.memory_space<vmem>>)
      %dma_wait3A_408 = arith.constant 0 : i32
      %dma_wait3A_409 = arith.constant 0 : i32
      %dma_wait3A_410 = tpu.memref_slice %arg8[%dma_wait3A_408, %dma_wait3A_409] : memref<2x128xi32, #tpu.memory_space<vmem>> -> memref<1x128xi32, #tpu.memory_space<vmem>>
      %dma_wait3A_411 = tpu.memref_squeeze %dma_wait3A_410 : memref<1x128xi32, #tpu.memory_space<vmem>> -> memref<128xi32, #tpu.memory_space<vmem>>
      %dma_wait3A_412 = arith.constant 0 : i32
      %dma_wait3A_413 = tpu.memref_slice %arg4[%add3A, %add3A_396, %dma_wait3A_412] : memref<32x88x128xi32, #tpu.memory_space<hbm>> -> memref<1x1x128xi32, #tpu.memory_space<hbm>>
      %dma_wait3A_414 = tpu.memref_squeeze %dma_wait3A_413 : memref<1x1x128xi32, #tpu.memory_space<hbm>> -> memref<128xi32, #tpu.memory_space<hbm>>
      %dma_wait3A_415 = arith.constant 0 : i32
      %dma_wait3A_416 = tpu.memref_slice %arg8[%dma_wait3A_408, %dma_wait3A_415] : memref<2x128xi32, #tpu.memory_space<vmem>> -> memref<1x128xi32, #tpu.memory_space<vmem>>
      %dma_wait3A_417 = tpu.memref_squeeze %dma_wait3A_416 : memref<1x128xi32, #tpu.memory_space<vmem>> -> memref<128xi32, #tpu.memory_space<vmem>>
      %dma_wait3A_418 = arith.constant 0 : i32
      %dma_wait3A_419 = tpu.memref_slice %arg4[%add3A, %add3A_396, %dma_wait3A_418] : memref<32x88x128xi32, #tpu.memory_space<hbm>> -> memref<1x1x128xi32, #tpu.memory_space<hbm>>
      %dma_wait3A_420 = tpu.memref_squeeze %dma_wait3A_419 : memref<1x1x128xi32, #tpu.memory_space<hbm>> -> memref<128xi32, #tpu.memory_space<hbm>>
      tpu.wait_dma2 semaphore(%arg12 : memref<!tpu.dma_semaphore, #tpu.memory_space<semaphore_mem>>) src(%dma_wait3A_420 : memref<128xi32, #tpu.memory_space<hbm>>) dst(%dma_wait3A_417 : memref<128xi32, #tpu.memory_space<vmem>>)
      %dma_start3A_421 = arith.constant 0 : i32
      %dma_start3A_422 = arith.constant 0 : i32
      %dma_start3A_423 = arith.constant 0 : i32
      %dma_start3A_424 = arith.constant 0 : i32
      %dma_start3A_425 = tpu.memref_slice %arg9[%dma_start3A_421, %dma_start3A_423, %dma_start3A_424] : memref<2x128x128xf32, #tpu.memory_space<vmem>> -> memref<1x128x128xf32, #tpu.memory_space<vmem>>
      %dma_start3A_426 = tpu.memref_squeeze %dma_start3A_425 : memref<1x128x128xf32, #tpu.memory_space<vmem>> -> memref<128x128xf32, #tpu.memory_space<vmem>>
      %dma_start3A_427 = arith.constant 0 : i32
      %dma_start3A_428 = tpu.memref_slice %arg8[%dma_start3A_422, %dma_start3A_427] : memref<2x128xi32, #tpu.memory_space<vmem>> -> memref<1x128xi32, #tpu.memory_space<vmem>>
      %dma_start3A_429 = tpu.memref_squeeze %dma_start3A_428 : memref<1x128xi32, #tpu.memory_space<vmem>> -> memref<128xi32, #tpu.memory_space<vmem>>
      %dma_start3A_430 = arith.constant 0 : i32
      %dma_start3A_431 = arith.constant 0 : i32
      %dma_start3A_432 = tpu.memref_slice %arg6[%dma_start3A_430, %dma_start3A_431] : memref<10240x128xf32, #tpu.memory_space<vmem_shared>> -> memref<10240x128xf32, #tpu.memory_space<vmem_shared>>
      tpu.enqueue_indirect_dma source(%dma_start3A_426 : memref<128x128xf32, #tpu.memory_space<vmem>>) target(%dma_start3A_432 : memref<10240x128xf32, #tpu.memory_space<vmem_shared>>) offsets(%dma_start3A_429 : memref<128xi32, #tpu.memory_space<vmem>>) semaphore(%arg14 : memref<!tpu.dma_semaphore, #tpu.memory_space<semaphore_mem>>) {add = true}
      %dma_wait3A_433 = arith.constant 1 : i32
      %dma_wait3A_434 = arith.constant 1 : i32
      %dma_wait3A_435 = arith.constant 0 : i32
      %dma_wait3A_436 = arith.constant 0 : i32
      %dma_wait3A_437 = tpu.memref_slice %arg9[%dma_wait3A_433, %dma_wait3A_435, %dma_wait3A_436] : memref<2x128x128xf32, #tpu.memory_space<vmem>> -> memref<1x128x128xf32, #tpu.memory_space<vmem>>
      %dma_wait3A_438 = tpu.memref_squeeze %dma_wait3A_437 : memref<1x128x128xf32, #tpu.memory_space<vmem>> -> memref<128x128xf32, #tpu.memory_space<vmem>>
      %dma_wait3A_439 = arith.constant 0 : i32
      %dma_wait3A_440 = tpu.memref_slice %arg8[%dma_wait3A_434, %dma_wait3A_439] : memref<2x128xi32, #tpu.memory_space<vmem>> -> memref<1x128xi32, #tpu.memory_space<vmem>>
      %dma_wait3A_441 = tpu.memref_squeeze %dma_wait3A_440 : memref<1x128xi32, #tpu.memory_space<vmem>> -> memref<128xi32, #tpu.memory_space<vmem>>
      %dma_wait3A_442 = arith.constant 0 : i32
      %dma_wait3A_443 = arith.constant 0 : i32
      %dma_wait3A_444 = tpu.memref_slice %arg6[%dma_wait3A_442, %dma_wait3A_443] : memref<10240x128xf32, #tpu.memory_space<vmem_shared>> -> memref<10240x128xf32, #tpu.memory_space<vmem_shared>>
      tpu.wait_indirect_dma semaphore(%arg15 : memref<!tpu.dma_semaphore, #tpu.memory_space<semaphore_mem>>) src(%dma_wait3A_438 : memref<128x128xf32, #tpu.memory_space<vmem>>) dst(%dma_wait3A_444 : memref<10240x128xf32, #tpu.memory_space<vmem_shared>>)
      %add3A_445 = arith.constant 1 : i32
      %add3A_446 = arith.addi %add3A_396, %add3A_445 : i32
      %dma_start3A_447 = arith.constant 1 : i32
      %dma_start3A_448 = arith.constant 0 : i32
      %dma_start3A_449 = tpu.memref_slice %arg8[%dma_start3A_447, %dma_start3A_448] : memref<2x128xi32, #tpu.memory_space<vmem>> -> memref<1x128xi32, #tpu.memory_space<vmem>>
      %dma_start3A_450 = tpu.memref_squeeze %dma_start3A_449 : memref<1x128xi32, #tpu.memory_space<vmem>> -> memref<128xi32, #tpu.memory_space<vmem>>
      %dma_start3A_451 = arith.constant 0 : i32
      %dma_start3A_452 = tpu.memref_slice %arg4[%add3A, %add3A_446, %dma_start3A_451] : memref<32x88x128xi32, #tpu.memory_space<hbm>> -> memref<1x1x128xi32, #tpu.memory_space<hbm>>
      %dma_start3A_453 = tpu.memref_squeeze %dma_start3A_452 : memref<1x1x128xi32, #tpu.memory_space<hbm>> -> memref<128xi32, #tpu.memory_space<hbm>>
      %dma_start3A_454 = arith.constant 0 : i32
      %dma_start3A_455 = tpu.memref_slice %arg8[%dma_start3A_447, %dma_start3A_454] : memref<2x128xi32, #tpu.memory_space<vmem>> -> memref<1x128xi32, #tpu.memory_space<vmem>>
      %dma_start3A_456 = tpu.memref_squeeze %dma_start3A_455 : memref<1x128xi32, #tpu.memory_space<vmem>> -> memref<128xi32, #tpu.memory_space<vmem>>
      %dma_start3A_457 = arith.constant 0 : i32
      %dma_start3A_458 = tpu.memref_slice %arg4[%add3A, %add3A_446, %dma_start3A_457] : memref<32x88x128xi32, #tpu.memory_space<hbm>> -> memref<1x1x128xi32, #tpu.memory_space<hbm>>
      %dma_start3A_459 = tpu.memref_squeeze %dma_start3A_458 : memref<1x1x128xi32, #tpu.memory_space<hbm>> -> memref<128xi32, #tpu.memory_space<hbm>>
      tpu.enqueue_dma source(%dma_start3A_459 : memref<128xi32, #tpu.memory_space<hbm>>) target(%dma_start3A_456 : memref<128xi32, #tpu.memory_space<vmem>>) target_semaphore(%arg13 : memref<!tpu.dma_semaphore, #tpu.memory_space<semaphore_mem>>)
      %add3A_460 = arith.constant 1 : i32
      %add3A_461 = arith.addi %add3A_396, %add3A_460 : i32
      %dma_start3A_462 = arith.constant 1 : i32
      %dma_start3A_463 = arith.constant 0 : i32
      %dma_start3A_464 = arith.constant 0 : i32
      %dma_start3A_465 = tpu.memref_slice %arg9[%dma_start3A_462, %dma_start3A_463, %dma_start3A_464] : memref<2x128x128xf32, #tpu.memory_space<vmem>> -> memref<1x128x128xf32, #tpu.memory_space<vmem>>
      %dma_start3A_466 = tpu.memref_squeeze %dma_start3A_465 : memref<1x128x128xf32, #tpu.memory_space<vmem>> -> memref<128x128xf32, #tpu.memory_space<vmem>>
      %dma_start3A_467 = arith.constant 0 : i32
      %dma_start3A_468 = tpu.memref_slice %arg7[%add3A_461, %dma_start3A_467] : memref<88x128xi32, #tpu.memory_space<vmem>> -> memref<1x128xi32, #tpu.memory_space<vmem>>
      %dma_start3A_469 = tpu.memref_squeeze %dma_start3A_468 : memref<1x128xi32, #tpu.memory_space<vmem>> -> memref<128xi32, #tpu.memory_space<vmem>>
      %dma_start3A_470 = arith.constant 0 : i32
      %dma_start3A_471 = arith.constant 0 : i32
      %dma_start3A_472 = tpu.memref_slice %arg2[%dma_start3A_470, %dma_start3A_471] : memref<270000x128xf32, #tpu.memory_space<hbm>> -> memref<270000x128xf32, #tpu.memory_space<hbm>>
      tpu.enqueue_indirect_dma source(%dma_start3A_472 : memref<270000x128xf32, #tpu.memory_space<hbm>>) target(%dma_start3A_466 : memref<128x128xf32, #tpu.memory_space<vmem>>) offsets(%dma_start3A_469 : memref<128xi32, #tpu.memory_space<vmem>>) semaphore(%arg11 : memref<!tpu.dma_semaphore, #tpu.memory_space<semaphore_mem>>)
      %mul3A_473 = arith.constant 2 : i32
      %mul3A_474 = arith.muli %mul3A_473, %scan3A_392 : i32
      %add3A_475 = arith.constant 1 : i32
      %add3A_476 = arith.addi %mul3A_474, %add3A_475 : i32
      %dma_wait3A_477 = arith.constant 1 : i32
      %dma_wait3A_478 = arith.constant 0 : i32
      %dma_wait3A_479 = arith.constant 0 : i32
      %dma_wait3A_480 = tpu.memref_slice %arg9[%dma_wait3A_477, %dma_wait3A_478, %dma_wait3A_479] : memref<2x128x128xf32, #tpu.memory_space<vmem>> -> memref<1x128x128xf32, #tpu.memory_space<vmem>>
      %dma_wait3A_481 = tpu.memref_squeeze %dma_wait3A_480 : memref<1x128x128xf32, #tpu.memory_space<vmem>> -> memref<128x128xf32, #tpu.memory_space<vmem>>
      %dma_wait3A_482 = arith.constant 0 : i32
      %dma_wait3A_483 = tpu.memref_slice %arg7[%add3A_476, %dma_wait3A_482] : memref<88x128xi32, #tpu.memory_space<vmem>> -> memref<1x128xi32, #tpu.memory_space<vmem>>
      %dma_wait3A_484 = tpu.memref_squeeze %dma_wait3A_483 : memref<1x128xi32, #tpu.memory_space<vmem>> -> memref<128xi32, #tpu.memory_space<vmem>>
      %dma_wait3A_485 = arith.constant 0 : i32
      %dma_wait3A_486 = arith.constant 0 : i32
      %dma_wait3A_487 = tpu.memref_slice %arg2[%dma_wait3A_485, %dma_wait3A_486] : memref<270000x128xf32, #tpu.memory_space<hbm>> -> memref<270000x128xf32, #tpu.memory_space<hbm>>
      tpu.wait_indirect_dma semaphore(%arg11 : memref<!tpu.dma_semaphore, #tpu.memory_space<semaphore_mem>>) src(%dma_wait3A_487 : memref<270000x128xf32, #tpu.memory_space<hbm>>) dst(%dma_wait3A_481 : memref<128x128xf32, #tpu.memory_space<vmem>>)
      %dma_wait3A_488 = arith.constant 1 : i32
      %dma_wait3A_489 = arith.constant 0 : i32
      %dma_wait3A_490 = tpu.memref_slice %arg8[%dma_wait3A_488, %dma_wait3A_489] : memref<2x128xi32, #tpu.memory_space<vmem>> -> memref<1x128xi32, #tpu.memory_space<vmem>>
      %dma_wait3A_491 = tpu.memref_squeeze %dma_wait3A_490 : memref<1x128xi32, #tpu.memory_space<vmem>> -> memref<128xi32, #tpu.memory_space<vmem>>
      %dma_wait3A_492 = arith.constant 0 : i32
      %dma_wait3A_493 = tpu.memref_slice %arg4[%add3A, %add3A_476, %dma_wait3A_492] : memref<32x88x128xi32, #tpu.memory_space<hbm>> -> memref<1x1x128xi32, #tpu.memory_space<hbm>>
      %dma_wait3A_494 = tpu.memref_squeeze %dma_wait3A_493 : memref<1x1x128xi32, #tpu.memory_space<hbm>> -> memref<128xi32, #tpu.memory_space<hbm>>
      %dma_wait3A_495 = arith.constant 0 : i32
      %dma_wait3A_496 = tpu.memref_slice %arg8[%dma_wait3A_488, %dma_wait3A_495] : memref<2x128xi32, #tpu.memory_space<vmem>> -> memref<1x128xi32, #tpu.memory_space<vmem>>
      %dma_wait3A_497 = tpu.memref_squeeze %dma_wait3A_496 : memref<1x128xi32, #tpu.memory_space<vmem>> -> memref<128xi32, #tpu.memory_space<vmem>>
      %dma_wait3A_498 = arith.constant 0 : i32
      %dma_wait3A_499 = tpu.memref_slice %arg4[%add3A, %add3A_476, %dma_wait3A_498] : memref<32x88x128xi32, #tpu.memory_space<hbm>> -> memref<1x1x128xi32, #tpu.memory_space<hbm>>
      %dma_wait3A_500 = tpu.memref_squeeze %dma_wait3A_499 : memref<1x1x128xi32, #tpu.memory_space<hbm>> -> memref<128xi32, #tpu.memory_space<hbm>>
      tpu.wait_dma2 semaphore(%arg13 : memref<!tpu.dma_semaphore, #tpu.memory_space<semaphore_mem>>) src(%dma_wait3A_500 : memref<128xi32, #tpu.memory_space<hbm>>) dst(%dma_wait3A_497 : memref<128xi32, #tpu.memory_space<vmem>>)
      %dma_start3A_501 = arith.constant 1 : i32
      %dma_start3A_502 = arith.constant 1 : i32
      %dma_start3A_503 = arith.constant 0 : i32
      %dma_start3A_504 = arith.constant 0 : i32
      %dma_start3A_505 = tpu.memref_slice %arg9[%dma_start3A_501, %dma_start3A_503, %dma_start3A_504] : memref<2x128x128xf32, #tpu.memory_space<vmem>> -> memref<1x128x128xf32, #tpu.memory_space<vmem>>
      %dma_start3A_506 = tpu.memref_squeeze %dma_start3A_505 : memref<1x128x128xf32, #tpu.memory_space<vmem>> -> memref<128x128xf32, #tpu.memory_space<vmem>>
      %dma_start3A_507 = arith.constant 0 : i32
      %dma_start3A_508 = tpu.memref_slice %arg8[%dma_start3A_502, %dma_start3A_507] : memref<2x128xi32, #tpu.memory_space<vmem>> -> memref<1x128xi32, #tpu.memory_space<vmem>>
      %dma_start3A_509 = tpu.memref_squeeze %dma_start3A_508 : memref<1x128xi32, #tpu.memory_space<vmem>> -> memref<128xi32, #tpu.memory_space<vmem>>
      %dma_start3A_510 = arith.constant 0 : i32
      %dma_start3A_511 = arith.constant 0 : i32
      %dma_start3A_512 = tpu.memref_slice %arg6[%dma_start3A_510, %dma_start3A_511] : memref<10240x128xf32, #tpu.memory_space<vmem_shared>> -> memref<10240x128xf32, #tpu.memory_space<vmem_shared>>
      tpu.enqueue_indirect_dma source(%dma_start3A_506 : memref<128x128xf32, #tpu.memory_space<vmem>>) target(%dma_start3A_512 : memref<10240x128xf32, #tpu.memory_space<vmem_shared>>) offsets(%dma_start3A_509 : memref<128xi32, #tpu.memory_space<vmem>>) semaphore(%arg15 : memref<!tpu.dma_semaphore, #tpu.memory_space<semaphore_mem>>) {add = true}
      %dma_wait3A_513 = arith.constant 0 : i32
      %dma_wait3A_514 = arith.constant 0 : i32
      %dma_wait3A_515 = arith.constant 0 : i32
      %dma_wait3A_516 = arith.constant 0 : i32
      %dma_wait3A_517 = tpu.memref_slice %arg9[%dma_wait3A_513, %dma_wait3A_515, %dma_wait3A_516] : memref<2x128x128xf32, #tpu.memory_space<vmem>> -> memref<1x128x128xf32, #tpu.memory_space<vmem>>
      %dma_wait3A_518 = tpu.memref_squeeze %dma_wait3A_517 : memref<1x128x128xf32, #tpu.memory_space<vmem>> -> memref<128x128xf32, #tpu.memory_space<vmem>>
      %dma_wait3A_519 = arith.constant 0 : i32
      %dma_wait3A_520 = tpu.memref_slice %arg8[%dma_wait3A_514, %dma_wait3A_519] : memref<2x128xi32, #tpu.memory_space<vmem>> -> memref<1x128xi32, #tpu.memory_space<vmem>>
      %dma_wait3A_521 = tpu.memref_squeeze %dma_wait3A_520 : memref<1x128xi32, #tpu.memory_space<vmem>> -> memref<128xi32, #tpu.memory_space<vmem>>
      %dma_wait3A_522 = arith.constant 0 : i32
      %dma_wait3A_523 = arith.constant 0 : i32
      %dma_wait3A_524 = tpu.memref_slice %arg6[%dma_wait3A_522, %dma_wait3A_523] : memref<10240x128xf32, #tpu.memory_space<vmem_shared>> -> memref<10240x128xf32, #tpu.memory_space<vmem_shared>>
      tpu.wait_indirect_dma semaphore(%arg14 : memref<!tpu.dma_semaphore, #tpu.memory_space<semaphore_mem>>) src(%dma_wait3A_518 : memref<128x128xf32, #tpu.memory_space<vmem>>) dst(%dma_wait3A_524 : memref<10240x128xf32, #tpu.memory_space<vmem_shared>>)
      %add3A_525 = arith.constant 1 : i32
      %add3A_526 = arith.addi %add3A_476, %add3A_525 : i32
      %dma_start3A_527 = arith.constant 0 : i32
      %dma_start3A_528 = arith.constant 0 : i32
      %dma_start3A_529 = tpu.memref_slice %arg8[%dma_start3A_527, %dma_start3A_528] : memref<2x128xi32, #tpu.memory_space<vmem>> -> memref<1x128xi32, #tpu.memory_space<vmem>>
      %dma_start3A_530 = tpu.memref_squeeze %dma_start3A_529 : memref<1x128xi32, #tpu.memory_space<vmem>> -> memref<128xi32, #tpu.memory_space<vmem>>
      %dma_start3A_531 = arith.constant 0 : i32
      %dma_start3A_532 = tpu.memref_slice %arg4[%add3A, %add3A_526, %dma_start3A_531] : memref<32x88x128xi32, #tpu.memory_space<hbm>> -> memref<1x1x128xi32, #tpu.memory_space<hbm>>
      %dma_start3A_533 = tpu.memref_squeeze %dma_start3A_532 : memref<1x1x128xi32, #tpu.memory_space<hbm>> -> memref<128xi32, #tpu.memory_space<hbm>>
      %dma_start3A_534 = arith.constant 0 : i32
      %dma_start3A_535 = tpu.memref_slice %arg8[%dma_start3A_527, %dma_start3A_534] : memref<2x128xi32, #tpu.memory_space<vmem>> -> memref<1x128xi32, #tpu.memory_space<vmem>>
      %dma_start3A_536 = tpu.memref_squeeze %dma_start3A_535 : memref<1x128xi32, #tpu.memory_space<vmem>> -> memref<128xi32, #tpu.memory_space<vmem>>
      %dma_start3A_537 = arith.constant 0 : i32
      %dma_start3A_538 = tpu.memref_slice %arg4[%add3A, %add3A_526, %dma_start3A_537] : memref<32x88x128xi32, #tpu.memory_space<hbm>> -> memref<1x1x128xi32, #tpu.memory_space<hbm>>
      %dma_start3A_539 = tpu.memref_squeeze %dma_start3A_538 : memref<1x1x128xi32, #tpu.memory_space<hbm>> -> memref<128xi32, #tpu.memory_space<hbm>>
      tpu.enqueue_dma source(%dma_start3A_539 : memref<128xi32, #tpu.memory_space<hbm>>) target(%dma_start3A_536 : memref<128xi32, #tpu.memory_space<vmem>>) target_semaphore(%arg12 : memref<!tpu.dma_semaphore, #tpu.memory_space<semaphore_mem>>)
      %add3A_540 = arith.constant 1 : i32
      %add3A_541 = arith.addi %add3A_476, %add3A_540 : i32
      %dma_start3A_542 = arith.constant 0 : i32
      %dma_start3A_543 = arith.constant 0 : i32
      %dma_start3A_544 = arith.constant 0 : i32
      %dma_start3A_545 = tpu.memref_slice %arg9[%dma_start3A_542, %dma_start3A_543, %dma_start3A_544] : memref<2x128x128xf32, #tpu.memory_space<vmem>> -> memref<1x128x128xf32, #tpu.memory_space<vmem>>
      %dma_start3A_546 = tpu.memref_squeeze %dma_start3A_545 : memref<1x128x128xf32, #tpu.memory_space<vmem>> -> memref<128x128xf32, #tpu.memory_space<vmem>>
      %dma_start3A_547 = arith.constant 0 : i32
      %dma_start3A_548 = tpu.memref_slice %arg7[%add3A_541, %dma_start3A_547] : memref<88x128xi32, #tpu.memory_space<vmem>> -> memref<1x128xi32, #tpu.memory_space<vmem>>
      %dma_start3A_549 = tpu.memref_squeeze %dma_start3A_548 : memref<1x128xi32, #tpu.memory_space<vmem>> -> memref<128xi32, #tpu.memory_space<vmem>>
      %dma_start3A_550 = arith.constant 0 : i32
      %dma_start3A_551 = arith.constant 0 : i32
      %dma_start3A_552 = tpu.memref_slice %arg2[%dma_start3A_550, %dma_start3A_551] : memref<270000x128xf32, #tpu.memory_space<hbm>> -> memref<270000x128xf32, #tpu.memory_space<hbm>>
      tpu.enqueue_indirect_dma source(%dma_start3A_552 : memref<270000x128xf32, #tpu.memory_space<hbm>>) target(%dma_start3A_546 : memref<128x128xf32, #tpu.memory_space<vmem>>) offsets(%dma_start3A_549 : memref<128xi32, #tpu.memory_space<vmem>>) semaphore(%arg10 : memref<!tpu.dma_semaphore, #tpu.memory_space<semaphore_mem>>)
    }
    %scan3A_346 = arith.constant 40 : i32
    %dma_wait3A_347 = arith.constant 1 : i32
    %dma_wait3A_348 = arith.constant 1 : i32
    %dma_wait3A_349 = arith.constant 0 : i32
    %dma_wait3A_350 = arith.constant 0 : i32
    %dma_wait3A_351 = tpu.memref_slice %arg9[%dma_wait3A_347, %dma_wait3A_349, %dma_wait3A_350] : memref<2x128x128xf32, #tpu.memory_space<vmem>> -> memref<1x128x128xf32, #tpu.memory_space<vmem>>
    %dma_wait3A_352 = tpu.memref_squeeze %dma_wait3A_351 : memref<1x128x128xf32, #tpu.memory_space<vmem>> -> memref<128x128xf32, #tpu.memory_space<vmem>>
    %dma_wait3A_353 = arith.constant 0 : i32
    %dma_wait3A_354 = tpu.memref_slice %arg8[%dma_wait3A_348, %dma_wait3A_353] : memref<2x128xi32, #tpu.memory_space<vmem>> -> memref<1x128xi32, #tpu.memory_space<vmem>>
    %dma_wait3A_355 = tpu.memref_squeeze %dma_wait3A_354 : memref<1x128xi32, #tpu.memory_space<vmem>> -> memref<128xi32, #tpu.memory_space<vmem>>
    %dma_wait3A_356 = arith.constant 0 : i32
    %dma_wait3A_357 = arith.constant 0 : i32
    %dma_wait3A_358 = tpu.memref_slice %arg6[%dma_wait3A_356, %dma_wait3A_357] : memref<10240x128xf32, #tpu.memory_space<vmem_shared>> -> memref<10240x128xf32, #tpu.memory_space<vmem_shared>>
    tpu.wait_indirect_dma semaphore(%arg15 : memref<!tpu.dma_semaphore, #tpu.memory_space<semaphore_mem>>) src(%dma_wait3A_352 : memref<128x128xf32, #tpu.memory_space<vmem>>) dst(%dma_wait3A_358 : memref<10240x128xf32, #tpu.memory_space<vmem_shared>>)
    %dma_wait3A_359 = arith.constant 80 : i32
    %dma_wait3A_360 = arith.constant 0 : i32
    %dma_wait3A_361 = arith.constant 0 : i32
    %dma_wait3A_362 = tpu.memref_slice %arg8[%dma_wait3A_360, %dma_wait3A_361] : memref<2x128xi32, #tpu.memory_space<vmem>> -> memref<1x128xi32, #tpu.memory_space<vmem>>
    %dma_wait3A_363 = tpu.memref_squeeze %dma_wait3A_362 : memref<1x128xi32, #tpu.memory_space<vmem>> -> memref<128xi32, #tpu.memory_space<vmem>>
    %dma_wait3A_364 = arith.constant 0 : i32
    %dma_wait3A_365 = tpu.memref_slice %arg4[%add3A, %dma_wait3A_359, %dma_wait3A_364] : memref<32x88x128xi32, #tpu.memory_space<hbm>> -> memref<1x1x128xi32, #tpu.memory_space<hbm>>
    %dma_wait3A_366 = tpu.memref_squeeze %dma_wait3A_365 : memref<1x1x128xi32, #tpu.memory_space<hbm>> -> memref<128xi32, #tpu.memory_space<hbm>>
    %dma_wait3A_367 = arith.constant 0 : i32
    %dma_wait3A_368 = tpu.memref_slice %arg8[%dma_wait3A_360, %dma_wait3A_367] : memref<2x128xi32, #tpu.memory_space<vmem>> -> memref<1x128xi32, #tpu.memory_space<vmem>>
    %dma_wait3A_369 = tpu.memref_squeeze %dma_wait3A_368 : memref<1x128xi32, #tpu.memory_space<vmem>> -> memref<128xi32, #tpu.memory_space<vmem>>
    %dma_wait3A_370 = arith.constant 0 : i32
    %dma_wait3A_371 = tpu.memref_slice %arg4[%add3A, %dma_wait3A_359, %dma_wait3A_370] : memref<32x88x128xi32, #tpu.memory_space<hbm>> -> memref<1x1x128xi32, #tpu.memory_space<hbm>>
    %dma_wait3A_372 = tpu.memref_squeeze %dma_wait3A_371 : memref<1x1x128xi32, #tpu.memory_space<hbm>> -> memref<128xi32, #tpu.memory_space<hbm>>
    tpu.wait_dma2 semaphore(%arg12 : memref<!tpu.dma_semaphore, #tpu.memory_space<semaphore_mem>>) src(%dma_wait3A_372 : memref<128xi32, #tpu.memory_space<hbm>>) dst(%dma_wait3A_369 : memref<128xi32, #tpu.memory_space<vmem>>)
    %dma_wait3A_373 = arith.constant 80 : i32
    %dma_wait3A_374 = arith.constant 0 : i32
    %dma_wait3A_375 = arith.constant 0 : i32
    %dma_wait3A_376 = arith.constant 0 : i32
    %dma_wait3A_377 = tpu.memref_slice %arg9[%dma_wait3A_374, %dma_wait3A_375, %dma_wait3A_376] : memref<2x128x128xf32, #tpu.memory_space<vmem>> -> memref<1x128x128xf32, #tpu.memory_space<vmem>>
    %dma_wait3A_378 = tpu.memref_squeeze %dma_wait3A_377 : memref<1x128x128xf32, #tpu.memory_space<vmem>> -> memref<128x128xf32, #tpu.memory_space<vmem>>
    %dma_wait3A_379 = arith.constant 0 : i32
    %dma_wait3A_380 = tpu.memref_slice %arg7[%dma_wait3A_373, %dma_wait3A_379] : memref<88x128xi32, #tpu.memory_space<vmem>> -> memref<1x128xi32, #tpu.memory_space<vmem>>
    %dma_wait3A_381 = tpu.memref_squeeze %dma_wait3A_380 : memref<1x128xi32, #tpu.memory_space<vmem>> -> memref<128xi32, #tpu.memory_space<vmem>>
    %dma_wait3A_382 = arith.constant 0 : i32
    %dma_wait3A_383 = arith.constant 0 : i32
    %dma_wait3A_384 = tpu.memref_slice %arg2[%dma_wait3A_382, %dma_wait3A_383] : memref<270000x128xf32, #tpu.memory_space<hbm>> -> memref<270000x128xf32, #tpu.memory_space<hbm>>
    tpu.wait_indirect_dma semaphore(%arg10 : memref<!tpu.dma_semaphore, #tpu.memory_space<semaphore_mem>>) src(%dma_wait3A_384 : memref<270000x128xf32, #tpu.memory_space<hbm>>) dst(%dma_wait3A_378 : memref<128x128xf32, #tpu.memory_space<vmem>>)
    %barrier3A_385 = arith.constant 0 : index
    tpu.barrier barrier_id(%barrier3A_385)
    %mul3A_386 = arith.constant 624 : i32
    %mul3A_387 = arith.muli %arg1, %mul3A_386 : i32
    %mul3A_388 = arith.constant 624 : i32
    %mul3A_389 = arith.muli %arg1, %mul3A_388 : i32
    "tpu.region"() ({
      %run_scoped3A = tpu.sem_alloc : memref<!tpu.dma_semaphore, #tpu.memory_space<semaphore_mem>>
      %dma_start3A_392 = arith.constant 0 : i32
      %dma_start3A_393 = tpu.memref_slice %arg5[%arg0, %mul3A_389, %dma_start3A_392] : memref<2x10000x128xf32, #tpu.memory_space<hbm>> -> memref<1x624x128xf32, #tpu.memory_space<hbm>>
      %dma_start3A_394 = tpu.memref_squeeze %dma_start3A_393 : memref<1x624x128xf32, #tpu.memory_space<hbm>> -> memref<624x128xf32, #tpu.memory_space<hbm>>
      %dma_start3A_395 = arith.constant 0 : i32
      %dma_start3A_396 = tpu.memref_slice %arg6[%mul3A_387, %dma_start3A_395] : memref<10240x128xf32, #tpu.memory_space<vmem_shared>> -> memref<624x128xf32, #tpu.memory_space<vmem_shared>>
      tpu.enqueue_dma source(%dma_start3A_396 : memref<624x128xf32, #tpu.memory_space<vmem_shared>>) target(%dma_start3A_394 : memref<624x128xf32, #tpu.memory_space<hbm>>) target_semaphore(%run_scoped3A : memref<!tpu.dma_semaphore, #tpu.memory_space<semaphore_mem>>)
      %dma_wait3A_397 = arith.constant 0 : i32
      %dma_wait3A_398 = tpu.memref_slice %arg5[%arg0, %mul3A_389, %dma_wait3A_397] : memref<2x10000x128xf32, #tpu.memory_space<hbm>> -> memref<1x624x128xf32, #tpu.memory_space<hbm>>
      %dma_wait3A_399 = tpu.memref_squeeze %dma_wait3A_398 : memref<1x624x128xf32, #tpu.memory_space<hbm>> -> memref<624x128xf32, #tpu.memory_space<hbm>>
      %dma_wait3A_400 = arith.constant 0 : i32
      %dma_wait3A_401 = tpu.memref_slice %arg6[%mul3A_387, %dma_wait3A_400] : memref<10240x128xf32, #tpu.memory_space<vmem_shared>> -> memref<624x128xf32, #tpu.memory_space<vmem_shared>>
      tpu.wait_dma2 semaphore(%run_scoped3A : memref<!tpu.dma_semaphore, #tpu.memory_space<semaphore_mem>>) src(%dma_wait3A_401 : memref<624x128xf32, #tpu.memory_space<vmem_shared>>) dst(%dma_wait3A_399 : memref<624x128xf32, #tpu.memory_space<hbm>>)
      tpu.yield
    }) : () -> ()
    %eq3A = arith.constant 15 : i32
    %eq3A_390 = arith.cmpi eq, %arg1, %eq3A : i32
    %convert_element_type3A = arith.extui %eq3A_390 : i1 to i32
    %cond3A = arith.constant 0 : i32
    %cond3A_391 = arith.cmpi ne, %convert_element_type3A, %cond3A : i32
    scf.if %cond3A_391 {
      "tpu.region"() ({
        %run_scoped3A = tpu.sem_alloc : memref<!tpu.dma_semaphore, #tpu.memory_space<semaphore_mem>>
        %dma_start3A_392 = arith.constant 9984 : i32
        %dma_start3A_393 = arith.constant 0 : i32
        %dma_start3A_394 = tpu.memref_slice %arg5[%arg0, %dma_start3A_392, %dma_start3A_393] : memref<2x10000x128xf32, #tpu.memory_space<hbm>> -> memref<1x16x128xf32, #tpu.memory_space<hbm>>
        %dma_start3A_395 = tpu.memref_squeeze %dma_start3A_394 : memref<1x16x128xf32, #tpu.memory_space<hbm>> -> memref<16x128xf32, #tpu.memory_space<hbm>>
        %dma_start3A_396 = arith.constant 9984 : i32
        %dma_start3A_397 = arith.constant 0 : i32
        %dma_start3A_398 = tpu.memref_slice %arg6[%dma_start3A_396, %dma_start3A_397] : memref<10240x128xf32, #tpu.memory_space<vmem_shared>> -> memref<16x128xf32, #tpu.memory_space<vmem_shared>>
        tpu.enqueue_dma source(%dma_start3A_398 : memref<16x128xf32, #tpu.memory_space<vmem_shared>>) target(%dma_start3A_395 : memref<16x128xf32, #tpu.memory_space<hbm>>) target_semaphore(%run_scoped3A : memref<!tpu.dma_semaphore, #tpu.memory_space<semaphore_mem>>)
        %dma_wait3A_399 = arith.constant 9984 : i32
        %dma_wait3A_400 = arith.constant 0 : i32
        %dma_wait3A_401 = tpu.memref_slice %arg5[%arg0, %dma_wait3A_399, %dma_wait3A_400] : memref<2x10000x128xf32, #tpu.memory_space<hbm>> -> memref<1x16x128xf32, #tpu.memory_space<hbm>>
        %dma_wait3A_402 = tpu.memref_squeeze %dma_wait3A_401 : memref<1x16x128xf32, #tpu.memory_space<hbm>> -> memref<16x128xf32, #tpu.memory_space<hbm>>
        %dma_wait3A_403 = arith.constant 9984 : i32
        %dma_wait3A_404 = arith.constant 0 : i32
        %dma_wait3A_405 = tpu.memref_slice %arg6[%dma_wait3A_403, %dma_wait3A_404] : memref<10240x128xf32, #tpu.memory_space<vmem_shared>> -> memref<16x128xf32, #tpu.memory_space<vmem_shared>>
        tpu.wait_dma2 semaphore(%run_scoped3A : memref<!tpu.dma_semaphore, #tpu.memory_space<semaphore_mem>>) src(%dma_wait3A_405 : memref<16x128xf32, #tpu.memory_space<vmem_shared>>) dst(%dma_wait3A_402 : memref<16x128xf32, #tpu.memory_space<hbm>>)
        tpu.yield
      }) : () -> ()
    } else {
    }
    return
  }
}

#map = affine_map<(d0, d1) -> (0, 0)>
#map1 = affine_map<(d0, d1) -> (0, 0, 0)>
module attributes {stable_mosaic.version = 14 : i64} {
  func.func @body(%arg0: i32, %arg1: i32, %arg2: memref<270000x128xf32, #tpu.memory_space<hbm>>, %arg3: memref<32x88x128xi32, #tpu.memory_space<hbm>>, %arg4: memref<32x88x128xi32, #tpu.memory_space<hbm>>, %arg5: memref<2x10000x128xf32, #tpu.memory_space<hbm>>, %arg6: memref<10240x128xf32, #tpu.memory_space<vmem_shared>>, %arg7: memref<88x128xi32, #tpu.memory_space<vmem>>, %arg8: memref<2x128xi32, #tpu.memory_space<vmem>>, %arg9: memref<2x128x128xf32, #tpu.memory_space<vmem>>, %arg10: memref<!tpu.dma_semaphore, #tpu.memory_space<semaphore_mem>>, %arg11: memref<!tpu.dma_semaphore, #tpu.memory_space<semaphore_mem>>, %arg12: memref<!tpu.dma_semaphore, #tpu.memory_space<semaphore_mem>>, %arg13: memref<!tpu.dma_semaphore, #tpu.memory_space<semaphore_mem>>, %arg14: memref<!tpu.dma_semaphore, #tpu.memory_space<semaphore_mem>>, %arg15: memref<!tpu.dma_semaphore, #tpu.memory_space<semaphore_mem>>) attributes {dimension_semantics = [#tpu.dimension_semantics<core_parallel>, #tpu.dimension_semantics<subcore_parallel>], iteration_bounds = array<i64: 2, 16>, scalar_prefetch = 0 : i64, scratch_operands = 10 : i64, tpu.core_type = #tpu.core_type<sc_vector_subcore>, window_params = [{transform_indices = #map}, {transform_indices = #map1}, {transform_indices = #map1}, {transform_indices = #map1}]} {
    %mul3A = arith.constant 2 : i32
    %mul3A_0 = arith.muli %arg1, %mul3A : i32
    %add3A = arith.addi %mul3A_0, %arg0 : i32
    %scan3A = arith.constant 0 : i32
    %scan3A_1 = arith.constant 0 : i32
    %scan3A_2 = arith.constant 128 : i32
    %scan3A_3 = arith.addi %scan3A_1, %scan3A_2 : i32
    %scan3A_4 = arith.constant 1 : i32
    scf.for %scan3A_392 = %scan3A_1 to %scan3A_3 step %scan3A_4  : i32 {
      %broadcast_in_dim3A_393 = arith.constant 0.000000e+00 : f32
      %broadcast_in_dim3A_394 = vector.broadcast %broadcast_in_dim3A_393 : f32 to vector<16xf32>
      %swap3A_395 = arith.constant 0 : i32
      %swap3A_396 = arith.index_cast %swap3A_395 : i32 to index
      %swap3A_397 = arith.index_cast %scan3A_392 : i32 to index
      %swap3A_398 = arith.constant 0 : index
      %swap3A_399 = tpu.vector_load %arg9[%swap3A_396, %swap3A_397, %swap3A_398] {strides = array<i32>} : memref<2x128x128xf32, #tpu.memory_space<vmem>>, vector<1x1x16xf32>,
      %swap3A_400 = vector.shape_cast %swap3A_399 : vector<1x1x16xf32> to vector<16xf32>
      %swap3A_401 = vector.shape_cast %broadcast_in_dim3A_394 : vector<16xf32> to vector<1x1x16xf32>
      tpu.vector_store %arg9[%swap3A_396, %swap3A_397, %swap3A_398], %swap3A_401 {strides = array<i32>} : memref<2x128x128xf32, #tpu.memory_space<vmem>>, vector<1x1x16xf32>,
      %broadcast_in_dim3A_402 = arith.constant 0.000000e+00 : f32
      %broadcast_in_dim3A_403 = vector.broadcast %broadcast_in_dim3A_402 : f32 to vector<16xf32>
      %swap3A_404 = arith.constant 0 : i32
      %swap3A_405 = arith.index_cast %swap3A_404 : i32 to index
      %swap3A_406 = arith.index_cast %scan3A_392 : i32 to index
      %swap3A_407 = arith.constant 16 : index
      %swap3A_408 = tpu.vector_load %arg9[%swap3A_405, %swap3A_406, %swap3A_407] {strides = array<i32>} : memref<2x128x128xf32, #tpu.memory_space<vmem>>, vector<1x1x16xf32>,
      %swap3A_409 = vector.shape_cast %swap3A_408 : vector<1x1x16xf32> to vector<16xf32>
      %swap3A_410 = vector.shape_cast %broadcast_in_dim3A_403 : vector<16xf32> to vector<1x1x16xf32>
      tpu.vector_store %arg9[%swap3A_405, %swap3A_406, %swap3A_407], %swap3A_410 {strides = array<i32>} : memref<2x128x128xf32, #tpu.memory_space<vmem>>, vector<1x1x16xf32>,
      %broadcast_in_dim3A_411 = arith.constant 0.000000e+00 : f32
      %broadcast_in_dim3A_412 = vector.broadcast %broadcast_in_dim3A_411 : f32 to vector<16xf32>
      %swap3A_413 = arith.constant 0 : i32
      %swap3A_414 = arith.index_cast %swap3A_413 : i32 to index
      %swap3A_415 = arith.index_cast %scan3A_392 : i32 to index
      %swap3A_416 = arith.constant 32 : index
      %swap3A_417 = tpu.vector_load %arg9[%swap3A_414, %swap3A_415, %swap3A_416] {strides = array<i32>} : memref<2x128x128xf32, #tpu.memory_space<vmem>>, vector<1x1x16xf32>,
      %swap3A_418 = vector.shape_cast %swap3A_417 : vector<1x1x16xf32> to vector<16xf32>
      %swap3A_419 = vector.shape_cast %broadcast_in_dim3A_412 : vector<16xf32> to vector<1x1x16xf32>
      tpu.vector_store %arg9[%swap3A_414, %swap3A_415, %swap3A_416], %swap3A_419 {strides = array<i32>} : memref<2x128x128xf32, #tpu.memory_space<vmem>>, vector<1x1x16xf32>,
      %broadcast_in_dim3A_420 = arith.constant 0.000000e+00 : f32
      %broadcast_in_dim3A_421 = vector.broadcast %broadcast_in_dim3A_420 : f32 to vector<16xf32>
      %swap3A_422 = arith.constant 0 : i32
      %swap3A_423 = arith.index_cast %swap3A_422 : i32 to index
      %swap3A_424 = arith.index_cast %scan3A_392 : i32 to index
      %swap3A_425 = arith.constant 48 : index
      %swap3A_426 = tpu.vector_load %arg9[%swap3A_423, %swap3A_424, %swap3A_425] {strides = array<i32>} : memref<2x128x128xf32, #tpu.memory_space<vmem>>, vector<1x1x16xf32>,
      %swap3A_427 = vector.shape_cast %swap3A_426 : vector<1x1x16xf32> to vector<16xf32>
      %swap3A_428 = vector.shape_cast %broadcast_in_dim3A_421 : vector<16xf32> to vector<1x1x16xf32>
      tpu.vector_store %arg9[%swap3A_423, %swap3A_424, %swap3A_425], %swap3A_428 {strides = array<i32>} : memref<2x128x128xf32, #tpu.memory_space<vmem>>, vector<1x1x16xf32>,
      %broadcast_in_dim3A_429 = arith.constant 0.000000e+00 : f32
      %broadcast_in_dim3A_430 = vector.broadcast %broadcast_in_dim3A_429 : f32 to vector<16xf32>
      %swap3A_431 = arith.constant 0 : i32
      %swap3A_432 = arith.index_cast %swap3A_431 : i32 to index
      %swap3A_433 = arith.index_cast %scan3A_392 : i32 to index
      %swap3A_434 = arith.constant 64 : index
      %swap3A_435 = tpu.vector_load %arg9[%swap3A_432, %swap3A_433, %swap3A_434] {strides = array<i32>} : memref<2x128x128xf32, #tpu.memory_space<vmem>>, vector<1x1x16xf32>,
      %swap3A_436 = vector.shape_cast %swap3A_435 : vector<1x1x16xf32> to vector<16xf32>
      %swap3A_437 = vector.shape_cast %broadcast_in_dim3A_430 : vector<16xf32> to vector<1x1x16xf32>
      tpu.vector_store %arg9[%swap3A_432, %swap3A_433, %swap3A_434], %swap3A_437 {strides = array<i32>} : memref<2x128x128xf32, #tpu.memory_space<vmem>>, vector<1x1x16xf32>,
      %broadcast_in_dim3A_438 = arith.constant 0.000000e+00 : f32
      %broadcast_in_dim3A_439 = vector.broadcast %broadcast_in_dim3A_438 : f32 to vector<16xf32>
      %swap3A_440 = arith.constant 0 : i32
      %swap3A_441 = arith.index_cast %swap3A_440 : i32 to index
      %swap3A_442 = arith.index_cast %scan3A_392 : i32 to index
      %swap3A_443 = arith.constant 80 : index
      %swap3A_444 = tpu.vector_load %arg9[%swap3A_441, %swap3A_442, %swap3A_443] {strides = array<i32>} : memref<2x128x128xf32, #tpu.memory_space<vmem>>, vector<1x1x16xf32>,
      %swap3A_445 = vector.shape_cast %swap3A_444 : vector<1x1x16xf32> to vector<16xf32>
      %swap3A_446 = vector.shape_cast %broadcast_in_dim3A_439 : vector<16xf32> to vector<1x1x16xf32>
      tpu.vector_store %arg9[%swap3A_441, %swap3A_442, %swap3A_443], %swap3A_446 {strides = array<i32>} : memref<2x128x128xf32, #tpu.memory_space<vmem>>, vector<1x1x16xf32>,
      %broadcast_in_dim3A_447 = arith.constant 0.000000e+00 : f32
      %broadcast_in_dim3A_448 = vector.broadcast %broadcast_in_dim3A_447 : f32 to vector<16xf32>
      %swap3A_449 = arith.constant 0 : i32
      %swap3A_450 = arith.index_cast %swap3A_449 : i32 to index
      %swap3A_451 = arith.index_cast %scan3A_392 : i32 to index
      %swap3A_452 = arith.constant 96 : index
      %swap3A_453 = tpu.vector_load %arg9[%swap3A_450, %swap3A_451, %swap3A_452] {strides = array<i32>} : memref<2x128x128xf32, #tpu.memory_space<vmem>>, vector<1x1x16xf32>,
      %swap3A_454 = vector.shape_cast %swap3A_453 : vector<1x1x16xf32> to vector<16xf32>
      %swap3A_455 = vector.shape_cast %broadcast_in_dim3A_448 : vector<16xf32> to vector<1x1x16xf32>
      tpu.vector_store %arg9[%swap3A_450, %swap3A_451, %swap3A_452], %swap3A_455 {strides = array<i32>} : memref<2x128x128xf32, #tpu.memory_space<vmem>>, vector<1x1x16xf32>,
      %broadcast_in_dim3A_456 = arith.constant 0.000000e+00 : f32
      %broadcast_in_dim3A_457 = vector.broadcast %broadcast_in_dim3A_456 : f32 to vector<16xf32>
      %swap3A_458 = arith.constant 0 : i32
      %swap3A_459 = arith.index_cast %swap3A_458 : i32 to index
      %swap3A_460 = arith.index_cast %scan3A_392 : i32 to index
      %swap3A_461 = arith.constant 112 : index
      %swap3A_462 = tpu.vector_load %arg9[%swap3A_459, %swap3A_460, %swap3A_461] {strides = array<i32>} : memref<2x128x128xf32, #tpu.memory_space<vmem>>, vector<1x1x16xf32>,
      %swap3A_463 = vector.shape_cast %swap3A_462 : vector<1x1x16xf32> to vector<16xf32>
      %swap3A_464 = vector.shape_cast %broadcast_in_dim3A_457 : vector<16xf32> to vector<1x1x16xf32>
      tpu.vector_store %arg9[%swap3A_459, %swap3A_460, %swap3A_461], %swap3A_464 {strides = array<i32>} : memref<2x128x128xf32, #tpu.memory_space<vmem>>, vector<1x1x16xf32>,
    }
    %scan3A_5 = arith.constant 128 : i32
    %mul3A_6 = arith.constant 640 : i32
    %mul3A_7 = arith.muli %arg1, %mul3A_6 : i32
    %add3A_8 = arith.constant 0 : i32
    %add3A_9 = arith.addi %mul3A_7, %add3A_8 : i32
    %dma_start3A = arith.constant 0 : i32
    %dma_start3A_10 = arith.constant 0 : i32
    %dma_start3A_11 = arith.constant 0 : i32
    %dma_start3A_12 = tpu.memref_slice %arg9[%dma_start3A, %dma_start3A_10, %dma_start3A_11] : memref<2x128x128xf32, #tpu.memory_space<vmem>> -> memref<1x128x128xf32, #tpu.memory_space<vmem>>
    %dma_start3A_13 = tpu.memref_squeeze %dma_start3A_12 : memref<1x128x128xf32, #tpu.memory_space<vmem>> -> memref<128x128xf32, #tpu.memory_space<vmem>>
    %dma_start3A_14 = arith.constant 0 : i32
    %dma_start3A_15 = tpu.memref_slice %arg6[%add3A_9, %dma_start3A_14] : memref<10240x128xf32, #tpu.memory_space<vmem_shared>> -> memref<128x128xf32, #tpu.memory_space<vmem_shared>>
    %dma_start3A_16 = arith.constant 0 : i32
    %dma_start3A_17 = tpu.memref_slice %arg6[%add3A_9, %dma_start3A_16] : memref<10240x128xf32, #tpu.memory_space<vmem_shared>> -> memref<128x128xf32, #tpu.memory_space<vmem_shared>>
    %dma_start3A_18 = arith.constant 0 : i32
    %dma_start3A_19 = arith.constant 0 : i32
    %dma_start3A_20 = tpu.memref_slice %arg9[%dma_start3A, %dma_start3A_18, %dma_start3A_19] : memref<2x128x128xf32, #tpu.memory_space<vmem>> -> memref<1x128x128xf32, #tpu.memory_space<vmem>>
    %dma_start3A_21 = tpu.memref_squeeze %dma_start3A_20 : memref<1x128x128xf32, #tpu.memory_space<vmem>> -> memref<128x128xf32, #tpu.memory_space<vmem>>
    tpu.enqueue_dma source(%dma_start3A_21 : memref<128x128xf32, #tpu.memory_space<vmem>>) target(%dma_start3A_17 : memref<128x128xf32, #tpu.memory_space<vmem_shared>>) target_semaphore(%arg14 : memref<!tpu.dma_semaphore, #tpu.memory_space<semaphore_mem>>)
    %mul3A_22 = arith.constant 640 : i32
    %mul3A_23 = arith.muli %arg1, %mul3A_22 : i32
    %add3A_24 = arith.constant 128 : i32
    %add3A_25 = arith.addi %mul3A_23, %add3A_24 : i32
    %dma_start3A_26 = arith.constant 0 : i32
    %dma_start3A_27 = arith.constant 0 : i32
    %dma_start3A_28 = arith.constant 0 : i32
    %dma_start3A_29 = tpu.memref_slice %arg9[%dma_start3A_26, %dma_start3A_27, %dma_start3A_28] : memref<2x128x128xf32, #tpu.memory_space<vmem>> -> memref<1x128x128xf32, #tpu.memory_space<vmem>>
    %dma_start3A_30 = tpu.memref_squeeze %dma_start3A_29 : memref<1x128x128xf32, #tpu.memory_space<vmem>> -> memref<128x128xf32, #tpu.memory_space<vmem>>
    %dma_start3A_31 = arith.constant 0 : i32
    %dma_start3A_32 = tpu.memref_slice %arg6[%add3A_25, %dma_start3A_31] : memref<10240x128xf32, #tpu.memory_space<vmem_shared>> -> memref<128x128xf32, #tpu.memory_space<vmem_shared>>
    %dma_start3A_33 = arith.constant 0 : i32
    %dma_start3A_34 = tpu.memref_slice %arg6[%add3A_25, %dma_start3A_33] : memref<10240x128xf32, #tpu.memory_space<vmem_shared>> -> memref<128x128xf32, #tpu.memory_space<vmem_shared>>
    %dma_start3A_35 = arith.constant 0 : i32
    %dma_start3A_36 = arith.constant 0 : i32
    %dma_start3A_37 = tpu.memref_slice %arg9[%dma_start3A_26, %dma_start3A_35, %dma_start3A_36] : memref<2x128x128xf32, #tpu.memory_space<vmem>> -> memref<1x128x128xf32, #tpu.memory_space<vmem>>
    %dma_start3A_38 = tpu.memref_squeeze %dma_start3A_37 : memref<1x128x128xf32, #tpu.memory_space<vmem>> -> memref<128x128xf32, #tpu.memory_space<vmem>>
    tpu.enqueue_dma source(%dma_start3A_38 : memref<128x128xf32, #tpu.memory_space<vmem>>) target(%dma_start3A_34 : memref<128x128xf32, #tpu.memory_space<vmem_shared>>) target_semaphore(%arg14 : memref<!tpu.dma_semaphore, #tpu.memory_space<semaphore_mem>>)
    %mul3A_39 = arith.constant 640 : i32
    %mul3A_40 = arith.muli %arg1, %mul3A_39 : i32
    %add3A_41 = arith.constant 256 : i32
    %add3A_42 = arith.addi %mul3A_40, %add3A_41 : i32
    %dma_start3A_43 = arith.constant 0 : i32
    %dma_start3A_44 = arith.constant 0 : i32
    %dma_start3A_45 = arith.constant 0 : i32
    %dma_start3A_46 = tpu.memref_slice %arg9[%dma_start3A_43, %dma_start3A_44, %dma_start3A_45] : memref<2x128x128xf32, #tpu.memory_space<vmem>> -> memref<1x128x128xf32, #tpu.memory_space<vmem>>
    %dma_start3A_47 = tpu.memref_squeeze %dma_start3A_46 : memref<1x128x128xf32, #tpu.memory_space<vmem>> -> memref<128x128xf32, #tpu.memory_space<vmem>>
    %dma_start3A_48 = arith.constant 0 : i32
    %dma_start3A_49 = tpu.memref_slice %arg6[%add3A_42, %dma_start3A_48] : memref<10240x128xf32, #tpu.memory_space<vmem_shared>> -> memref<128x128xf32, #tpu.memory_space<vmem_shared>>
    %dma_start3A_50 = arith.constant 0 : i32
    %dma_start3A_51 = tpu.memref_slice %arg6[%add3A_42, %dma_start3A_50] : memref<10240x128xf32, #tpu.memory_space<vmem_shared>> -> memref<128x128xf32, #tpu.memory_space<vmem_shared>>
    %dma_start3A_52 = arith.constant 0 : i32
    %dma_start3A_53 = arith.constant 0 : i32
    %dma_start3A_54 = tpu.memref_slice %arg9[%dma_start3A_43, %dma_start3A_52, %dma_start3A_53] : memref<2x128x128xf32, #tpu.memory_space<vmem>> -> memref<1x128x128xf32, #tpu.memory_space<vmem>>
    %dma_start3A_55 = tpu.memref_squeeze %dma_start3A_54 : memref<1x128x128xf32, #tpu.memory_space<vmem>> -> memref<128x128xf32, #tpu.memory_space<vmem>>
    tpu.enqueue_dma source(%dma_start3A_55 : memref<128x128xf32, #tpu.memory_space<vmem>>) target(%dma_start3A_51 : memref<128x128xf32, #tpu.memory_space<vmem_shared>>) target_semaphore(%arg14 : memref<!tpu.dma_semaphore, #tpu.memory_space<semaphore_mem>>)
    %mul3A_56 = arith.constant 640 : i32
    %mul3A_57 = arith.muli %arg1, %mul3A_56 : i32
    %add3A_58 = arith.constant 384 : i32
    %add3A_59 = arith.addi %mul3A_57, %add3A_58 : i32
    %dma_start3A_60 = arith.constant 0 : i32
    %dma_start3A_61 = arith.constant 0 : i32
    %dma_start3A_62 = arith.constant 0 : i32
    %dma_start3A_63 = tpu.memref_slice %arg9[%dma_start3A_60, %dma_start3A_61, %dma_start3A_62] : memref<2x128x128xf32, #tpu.memory_space<vmem>> -> memref<1x128x128xf32, #tpu.memory_space<vmem>>
    %dma_start3A_64 = tpu.memref_squeeze %dma_start3A_63 : memref<1x128x128xf32, #tpu.memory_space<vmem>> -> memref<128x128xf32, #tpu.memory_space<vmem>>
    %dma_start3A_65 = arith.constant 0 : i32
    %dma_start3A_66 = tpu.memref_slice %arg6[%add3A_59, %dma_start3A_65] : memref<10240x128xf32, #tpu.memory_space<vmem_shared>> -> memref<128x128xf32, #tpu.memory_space<vmem_shared>>
    %dma_start3A_67 = arith.constant 0 : i32
    %dma_start3A_68 = tpu.memref_slice %arg6[%add3A_59, %dma_start3A_67] : memref<10240x128xf32, #tpu.memory_space<vmem_shared>> -> memref<128x128xf32, #tpu.memory_space<vmem_shared>>
    %dma_start3A_69 = arith.constant 0 : i32
    %dma_start3A_70 = arith.constant 0 : i32
    %dma_start3A_71 = tpu.memref_slice %arg9[%dma_start3A_60, %dma_start3A_69, %dma_start3A_70] : memref<2x128x128xf32, #tpu.memory_space<vmem>> -> memref<1x128x128xf32, #tpu.memory_space<vmem>>
    %dma_start3A_72 = tpu.memref_squeeze %dma_start3A_71 : memref<1x128x128xf32, #tpu.memory_space<vmem>> -> memref<128x128xf32, #tpu.memory_space<vmem>>
    tpu.enqueue_dma source(%dma_start3A_72 : memref<128x128xf32, #tpu.memory_space<vmem>>) target(%dma_start3A_68 : memref<128x128xf32, #tpu.memory_space<vmem_shared>>) target_semaphore(%arg14 : memref<!tpu.dma_semaphore, #tpu.memory_space<semaphore_mem>>)
    %mul3A_73 = arith.constant 640 : i32
    %mul3A_74 = arith.muli %arg1, %mul3A_73 : i32
    %add3A_75 = arith.constant 512 : i32
    %add3A_76 = arith.addi %mul3A_74, %add3A_75 : i32
    %dma_start3A_77 = arith.constant 0 : i32
    %dma_start3A_78 = arith.constant 0 : i32
    %dma_start3A_79 = arith.constant 0 : i32
    %dma_start3A_80 = tpu.memref_slice %arg9[%dma_start3A_77, %dma_start3A_78, %dma_start3A_79] : memref<2x128x128xf32, #tpu.memory_space<vmem>> -> memref<1x128x128xf32, #tpu.memory_space<vmem>>
    %dma_start3A_81 = tpu.memref_squeeze %dma_start3A_80 : memref<1x128x128xf32, #tpu.memory_space<vmem>> -> memref<128x128xf32, #tpu.memory_space<vmem>>
    %dma_start3A_82 = arith.constant 0 : i32
    %dma_start3A_83 = tpu.memref_slice %arg6[%add3A_76, %dma_start3A_82] : memref<10240x128xf32, #tpu.memory_space<vmem_shared>> -> memref<128x128xf32, #tpu.memory_space<vmem_shared>>
    %dma_start3A_84 = arith.constant 0 : i32
    %dma_start3A_85 = tpu.memref_slice %arg6[%add3A_76, %dma_start3A_84] : memref<10240x128xf32, #tpu.memory_space<vmem_shared>> -> memref<128x128xf32, #tpu.memory_space<vmem_shared>>
    %dma_start3A_86 = arith.constant 0 : i32
    %dma_start3A_87 = arith.constant 0 : i32
    %dma_start3A_88 = tpu.memref_slice %arg9[%dma_start3A_77, %dma_start3A_86, %dma_start3A_87] : memref<2x128x128xf32, #tpu.memory_space<vmem>> -> memref<1x128x128xf32, #tpu.memory_space<vmem>>
    %dma_start3A_89 = tpu.memref_squeeze %dma_start3A_88 : memref<1x128x128xf32, #tpu.memory_space<vmem>> -> memref<128x128xf32, #tpu.memory_space<vmem>>
    tpu.enqueue_dma source(%dma_start3A_89 : memref<128x128xf32, #tpu.memory_space<vmem>>) target(%dma_start3A_85 : memref<128x128xf32, #tpu.memory_space<vmem_shared>>) target_semaphore(%arg14 : memref<!tpu.dma_semaphore, #tpu.memory_space<semaphore_mem>>)
    %mul3A_90 = arith.constant 8 : i32
    %mul3A_91 = arith.muli %arg1, %mul3A_90 : i32
    %add3A_92 = arith.constant 10000 : i32
    %add3A_93 = arith.addi %add3A_92, %mul3A_91 : i32
    %broadcast_in_dim3A = vector.broadcast %add3A_93 : i32 to vector<16xi32>
    %iota3A = tpu.iota {dimensions = array<i32: 0>} : vector<16xi32>
    %add3A_94 = arith.constant 0 : i32
    %add3A_95 = vector.broadcast %add3A_94 : i32 to vector<16xi32>
    %add3A_96 = arith.addi %iota3A, %add3A_95 : vector<16xi32>
    %broadcast_in_dim3A_97 = arith.constant 8 : i32
    %broadcast_in_dim3A_98 = vector.broadcast %broadcast_in_dim3A_97 : i32 to vector<16xi32>
    %rem3A = arith.remsi %add3A_96, %broadcast_in_dim3A_98 : vector<16xi32>
    %add3A_99 = arith.addi %broadcast_in_dim3A, %rem3A : vector<16xi32>
    %swap3A = arith.constant 1 : i32
    %swap3A_100 = arith.index_cast %swap3A : i32 to index
    %swap3A_101 = arith.constant 0 : index
    %swap3A_102 = tpu.vector_load %arg8[%swap3A_100, %swap3A_101] {strides = array<i32>} : memref<2x128xi32, #tpu.memory_space<vmem>>, vector<1x16xi32>,
    %swap3A_103 = vector.shape_cast %swap3A_102 : vector<1x16xi32> to vector<16xi32>
    %swap3A_104 = vector.shape_cast %add3A_99 : vector<16xi32> to vector<1x16xi32>
    tpu.vector_store %arg8[%swap3A_100, %swap3A_101], %swap3A_104 {strides = array<i32>} : memref<2x128xi32, #tpu.memory_space<vmem>>, vector<1x16xi32>,
    %iota3A_105 = tpu.iota {dimensions = array<i32: 0>} : vector<16xi32>
    %add3A_106 = arith.constant 16 : i32
    %add3A_107 = vector.broadcast %add3A_106 : i32 to vector<16xi32>
    %add3A_108 = arith.addi %iota3A_105, %add3A_107 : vector<16xi32>
    %broadcast_in_dim3A_109 = arith.constant 8 : i32
    %broadcast_in_dim3A_110 = vector.broadcast %broadcast_in_dim3A_109 : i32 to vector<16xi32>
    %rem3A_111 = arith.remsi %add3A_108, %broadcast_in_dim3A_110 : vector<16xi32>
    %add3A_112 = arith.addi %broadcast_in_dim3A, %rem3A_111 : vector<16xi32>
    %swap3A_113 = arith.constant 1 : i32
    %swap3A_114 = arith.index_cast %swap3A_113 : i32 to index
    %swap3A_115 = arith.constant 16 : index
    %swap3A_116 = tpu.vector_load %arg8[%swap3A_114, %swap3A_115] {strides = array<i32>} : memref<2x128xi32, #tpu.memory_space<vmem>>, vector<1x16xi32>,
    %swap3A_117 = vector.shape_cast %swap3A_116 : vector<1x16xi32> to vector<16xi32>
    %swap3A_118 = vector.shape_cast %add3A_112 : vector<16xi32> to vector<1x16xi32>
    tpu.vector_store %arg8[%swap3A_114, %swap3A_115], %swap3A_118 {strides = array<i32>} : memref<2x128xi32, #tpu.memory_space<vmem>>, vector<1x16xi32>,
    %iota3A_119 = tpu.iota {dimensions = array<i32: 0>} : vector<16xi32>
    %add3A_120 = arith.constant 32 : i32
    %add3A_121 = vector.broadcast %add3A_120 : i32 to vector<16xi32>
    %add3A_122 = arith.addi %iota3A_119, %add3A_121 : vector<16xi32>
    %broadcast_in_dim3A_123 = arith.constant 8 : i32
    %broadcast_in_dim3A_124 = vector.broadcast %broadcast_in_dim3A_123 : i32 to vector<16xi32>
    %rem3A_125 = arith.remsi %add3A_122, %broadcast_in_dim3A_124 : vector<16xi32>
    %add3A_126 = arith.addi %broadcast_in_dim3A, %rem3A_125 : vector<16xi32>
    %swap3A_127 = arith.constant 1 : i32
    %swap3A_128 = arith.index_cast %swap3A_127 : i32 to index
    %swap3A_129 = arith.constant 32 : index
    %swap3A_130 = tpu.vector_load %arg8[%swap3A_128, %swap3A_129] {strides = array<i32>} : memref<2x128xi32, #tpu.memory_space<vmem>>, vector<1x16xi32>,
    %swap3A_131 = vector.shape_cast %swap3A_130 : vector<1x16xi32> to vector<16xi32>
    %swap3A_132 = vector.shape_cast %add3A_126 : vector<16xi32> to vector<1x16xi32>
    tpu.vector_store %arg8[%swap3A_128, %swap3A_129], %swap3A_132 {strides = array<i32>} : memref<2x128xi32, #tpu.memory_space<vmem>>, vector<1x16xi32>,
    %iota3A_133 = tpu.iota {dimensions = array<i32: 0>} : vector<16xi32>
    %add3A_134 = arith.constant 48 : i32
    %add3A_135 = vector.broadcast %add3A_134 : i32 to vector<16xi32>
    %add3A_136 = arith.addi %iota3A_133, %add3A_135 : vector<16xi32>
    %broadcast_in_dim3A_137 = arith.constant 8 : i32
    %broadcast_in_dim3A_138 = vector.broadcast %broadcast_in_dim3A_137 : i32 to vector<16xi32>
    %rem3A_139 = arith.remsi %add3A_136, %broadcast_in_dim3A_138 : vector<16xi32>
    %add3A_140 = arith.addi %broadcast_in_dim3A, %rem3A_139 : vector<16xi32>
    %swap3A_141 = arith.constant 1 : i32
    %swap3A_142 = arith.index_cast %swap3A_141 : i32 to index
    %swap3A_143 = arith.constant 48 : index
    %swap3A_144 = tpu.vector_load %arg8[%swap3A_142, %swap3A_143] {strides = array<i32>} : memref<2x128xi32, #tpu.memory_space<vmem>>, vector<1x16xi32>,
    %swap3A_145 = vector.shape_cast %swap3A_144 : vector<1x16xi32> to vector<16xi32>
    %swap3A_146 = vector.shape_cast %add3A_140 : vector<16xi32> to vector<1x16xi32>
    tpu.vector_store %arg8[%swap3A_142, %swap3A_143], %swap3A_146 {strides = array<i32>} : memref<2x128xi32, #tpu.memory_space<vmem>>, vector<1x16xi32>,
    %iota3A_147 = tpu.iota {dimensions = array<i32: 0>} : vector<16xi32>
    %add3A_148 = arith.constant 64 : i32
    %add3A_149 = vector.broadcast %add3A_148 : i32 to vector<16xi32>
    %add3A_150 = arith.addi %iota3A_147, %add3A_149 : vector<16xi32>
    %broadcast_in_dim3A_151 = arith.constant 8 : i32
    %broadcast_in_dim3A_152 = vector.broadcast %broadcast_in_dim3A_151 : i32 to vector<16xi32>
    %rem3A_153 = arith.remsi %add3A_150, %broadcast_in_dim3A_152 : vector<16xi32>
    %add3A_154 = arith.addi %broadcast_in_dim3A, %rem3A_153 : vector<16xi32>
    %swap3A_155 = arith.constant 1 : i32
    %swap3A_156 = arith.index_cast %swap3A_155 : i32 to index
    %swap3A_157 = arith.constant 64 : index
    %swap3A_158 = tpu.vector_load %arg8[%swap3A_156, %swap3A_157] {strides = array<i32>} : memref<2x128xi32, #tpu.memory_space<vmem>>, vector<1x16xi32>,
    %swap3A_159 = vector.shape_cast %swap3A_158 : vector<1x16xi32> to vector<16xi32>
    %swap3A_160 = vector.shape_cast %add3A_154 : vector<16xi32> to vector<1x16xi32>
    tpu.vector_store %arg8[%swap3A_156, %swap3A_157], %swap3A_160 {strides = array<i32>} : memref<2x128xi32, #tpu.memory_space<vmem>>, vector<1x16xi32>,
    %iota3A_161 = tpu.iota {dimensions = array<i32: 0>} : vector<16xi32>
    %add3A_162 = arith.constant 80 : i32
    %add3A_163 = vector.broadcast %add3A_162 : i32 to vector<16xi32>
    %add3A_164 = arith.addi %iota3A_161, %add3A_163 : vector<16xi32>
    %broadcast_in_dim3A_165 = arith.constant 8 : i32
    %broadcast_in_dim3A_166 = vector.broadcast %broadcast_in_dim3A_165 : i32 to vector<16xi32>
    %rem3A_167 = arith.remsi %add3A_164, %broadcast_in_dim3A_166 : vector<16xi32>
    %add3A_168 = arith.addi %broadcast_in_dim3A, %rem3A_167 : vector<16xi32>
    %swap3A_169 = arith.constant 1 : i32
    %swap3A_170 = arith.index_cast %swap3A_169 : i32 to index
    %swap3A_171 = arith.constant 80 : index
    %swap3A_172 = tpu.vector_load %arg8[%swap3A_170, %swap3A_171] {strides = array<i32>} : memref<2x128xi32, #tpu.memory_space<vmem>>, vector<1x16xi32>,
    %swap3A_173 = vector.shape_cast %swap3A_172 : vector<1x16xi32> to vector<16xi32>
    %swap3A_174 = vector.shape_cast %add3A_168 : vector<16xi32> to vector<1x16xi32>
    tpu.vector_store %arg8[%swap3A_170, %swap3A_171], %swap3A_174 {strides = array<i32>} : memref<2x128xi32, #tpu.memory_space<vmem>>, vector<1x16xi32>,
    %iota3A_175 = tpu.iota {dimensions = array<i32: 0>} : vector<16xi32>
    %add3A_176 = arith.constant 96 : i32
    %add3A_177 = vector.broadcast %add3A_176 : i32 to vector<16xi32>
    %add3A_178 = arith.addi %iota3A_175, %add3A_177 : vector<16xi32>
    %broadcast_in_dim3A_179 = arith.constant 8 : i32
    %broadcast_in_dim3A_180 = vector.broadcast %broadcast_in_dim3A_179 : i32 to vector<16xi32>
    %rem3A_181 = arith.remsi %add3A_178, %broadcast_in_dim3A_180 : vector<16xi32>
    %add3A_182 = arith.addi %broadcast_in_dim3A, %rem3A_181 : vector<16xi32>
    %swap3A_183 = arith.constant 1 : i32
    %swap3A_184 = arith.index_cast %swap3A_183 : i32 to index
    %swap3A_185 = arith.constant 96 : index
    %swap3A_186 = tpu.vector_load %arg8[%swap3A_184, %swap3A_185] {strides = array<i32>} : memref<2x128xi32, #tpu.memory_space<vmem>>, vector<1x16xi32>,
    %swap3A_187 = vector.shape_cast %swap3A_186 : vector<1x16xi32> to vector<16xi32>
    %swap3A_188 = vector.shape_cast %add3A_182 : vector<16xi32> to vector<1x16xi32>
    tpu.vector_store %arg8[%swap3A_184, %swap3A_185], %swap3A_188 {strides = array<i32>} : memref<2x128xi32, #tpu.memory_space<vmem>>, vector<1x16xi32>,
    %iota3A_189 = tpu.iota {dimensions = array<i32: 0>} : vector<16xi32>
    %add3A_190 = arith.constant 112 : i32
    %add3A_191 = vector.broadcast %add3A_190 : i32 to vector<16xi32>
    %add3A_192 = arith.addi %iota3A_189, %add3A_191 : vector<16xi32>
    %broadcast_in_dim3A_193 = arith.constant 8 : i32
    %broadcast_in_dim3A_194 = vector.broadcast %broadcast_in_dim3A_193 : i32 to vector<16xi32>
    %rem3A_195 = arith.remsi %add3A_192, %broadcast_in_dim3A_194 : vector<16xi32>
    %add3A_196 = arith.addi %broadcast_in_dim3A, %rem3A_195 : vector<16xi32>
    %swap3A_197 = arith.constant 1 : i32
    %swap3A_198 = arith.index_cast %swap3A_197 : i32 to index
    %swap3A_199 = arith.constant 112 : index
    %swap3A_200 = tpu.vector_load %arg8[%swap3A_198, %swap3A_199] {strides = array<i32>} : memref<2x128xi32, #tpu.memory_space<vmem>>, vector<1x16xi32>,
    %swap3A_201 = vector.shape_cast %swap3A_200 : vector<1x16xi32> to vector<16xi32>
    %swap3A_202 = vector.shape_cast %add3A_196 : vector<16xi32> to vector<1x16xi32>
    tpu.vector_store %arg8[%swap3A_198, %swap3A_199], %swap3A_202 {strides = array<i32>} : memref<2x128xi32, #tpu.memory_space<vmem>>, vector<1x16xi32>,
    %dma_start3A_203 = arith.constant 0 : i32
    %dma_start3A_204 = arith.constant 0 : i32
    %dma_start3A_205 = tpu.memref_slice %arg3[%add3A, %dma_start3A_203, %dma_start3A_204] : memref<32x88x128xi32, #tpu.memory_space<hbm>> -> memref<1x88x128xi32, #tpu.memory_space<hbm>>
    %dma_start3A_206 = tpu.memref_squeeze %dma_start3A_205 : memref<1x88x128xi32, #tpu.memory_space<hbm>> -> memref<88x128xi32, #tpu.memory_space<hbm>>
    %dma_start3A_207 = arith.constant 0 : i32
    %dma_start3A_208 = arith.constant 0 : i32
    %dma_start3A_209 = tpu.memref_slice %arg3[%add3A, %dma_start3A_207, %dma_start3A_208] : memref<32x88x128xi32, #tpu.memory_space<hbm>> -> memref<1x88x128xi32, #tpu.memory_space<hbm>>
    %dma_start3A_210 = tpu.memref_squeeze %dma_start3A_209 : memref<1x88x128xi32, #tpu.memory_space<hbm>> -> memref<88x128xi32, #tpu.memory_space<hbm>>
    tpu.enqueue_dma source(%dma_start3A_210 : memref<88x128xi32, #tpu.memory_space<hbm>>) target(%arg7 : memref<88x128xi32, #tpu.memory_space<vmem>>) target_semaphore(%arg12 : memref<!tpu.dma_semaphore, #tpu.memory_space<semaphore_mem>>)
    %mul3A_211 = arith.constant 640 : i32
    %mul3A_212 = arith.muli %arg1, %mul3A_211 : i32
    %add3A_213 = arith.constant 0 : i32
    %add3A_214 = arith.addi %mul3A_212, %add3A_213 : i32
    %dma_wait3A = arith.constant 0 : i32
    %dma_wait3A_215 = arith.constant 0 : i32
    %dma_wait3A_216 = arith.constant 0 : i32
    %dma_wait3A_217 = tpu.memref_slice %arg9[%dma_wait3A, %dma_wait3A_215, %dma_wait3A_216] : memref<2x128x128xf32, #tpu.memory_space<vmem>> -> memref<1x128x128xf32, #tpu.memory_space<vmem>>
    %dma_wait3A_218 = tpu.memref_squeeze %dma_wait3A_217 : memref<1x128x128xf32, #tpu.memory_space<vmem>> -> memref<128x128xf32, #tpu.memory_space<vmem>>
    %dma_wait3A_219 = arith.constant 0 : i32
    %dma_wait3A_220 = tpu.memref_slice %arg6[%add3A_214, %dma_wait3A_219] : memref<10240x128xf32, #tpu.memory_space<vmem_shared>> -> memref<128x128xf32, #tpu.memory_space<vmem_shared>>
    %dma_wait3A_221 = arith.constant 0 : i32
    %dma_wait3A_222 = tpu.memref_slice %arg6[%add3A_214, %dma_wait3A_221] : memref<10240x128xf32, #tpu.memory_space<vmem_shared>> -> memref<128x128xf32, #tpu.memory_space<vmem_shared>>
    %dma_wait3A_223 = arith.constant 0 : i32
    %dma_wait3A_224 = arith.constant 0 : i32
    %dma_wait3A_225 = tpu.memref_slice %arg9[%dma_wait3A, %dma_wait3A_223, %dma_wait3A_224] : memref<2x128x128xf32, #tpu.memory_space<vmem>> -> memref<1x128x128xf32, #tpu.memory_space<vmem>>
    %dma_wait3A_226 = tpu.memref_squeeze %dma_wait3A_225 : memref<1x128x128xf32, #tpu.memory_space<vmem>> -> memref<128x128xf32, #tpu.memory_space<vmem>>
    tpu.wait_dma2 semaphore(%arg14 : memref<!tpu.dma_semaphore, #tpu.memory_space<semaphore_mem>>) src(%dma_wait3A_226 : memref<128x128xf32, #tpu.memory_space<vmem>>) dst(%dma_wait3A_222 : memref<128x128xf32, #tpu.memory_space<vmem_shared>>)
    %mul3A_227 = arith.constant 640 : i32
    %mul3A_228 = arith.muli %arg1, %mul3A_227 : i32
    %add3A_229 = arith.constant 128 : i32
    %add3A_230 = arith.addi %mul3A_228, %add3A_229 : i32
    %dma_wait3A_231 = arith.constant 0 : i32
    %dma_wait3A_232 = arith.constant 0 : i32
    %dma_wait3A_233 = arith.constant 0 : i32
    %dma_wait3A_234 = tpu.memref_slice %arg9[%dma_wait3A_231, %dma_wait3A_232, %dma_wait3A_233] : memref<2x128x128xf32, #tpu.memory_space<vmem>> -> memref<1x128x128xf32, #tpu.memory_space<vmem>>
    %dma_wait3A_235 = tpu.memref_squeeze %dma_wait3A_234 : memref<1x128x128xf32, #tpu.memory_space<vmem>> -> memref<128x128xf32, #tpu.memory_space<vmem>>
    %dma_wait3A_236 = arith.constant 0 : i32
    %dma_wait3A_237 = tpu.memref_slice %arg6[%add3A_230, %dma_wait3A_236] : memref<10240x128xf32, #tpu.memory_space<vmem_shared>> -> memref<128x128xf32, #tpu.memory_space<vmem_shared>>
    %dma_wait3A_238 = arith.constant 0 : i32
    %dma_wait3A_239 = tpu.memref_slice %arg6[%add3A_230, %dma_wait3A_238] : memref<10240x128xf32, #tpu.memory_space<vmem_shared>> -> memref<128x128xf32, #tpu.memory_space<vmem_shared>>
    %dma_wait3A_240 = arith.constant 0 : i32
    %dma_wait3A_241 = arith.constant 0 : i32
    %dma_wait3A_242 = tpu.memref_slice %arg9[%dma_wait3A_231, %dma_wait3A_240, %dma_wait3A_241] : memref<2x128x128xf32, #tpu.memory_space<vmem>> -> memref<1x128x128xf32, #tpu.memory_space<vmem>>
    %dma_wait3A_243 = tpu.memref_squeeze %dma_wait3A_242 : memref<1x128x128xf32, #tpu.memory_space<vmem>> -> memref<128x128xf32, #tpu.memory_space<vmem>>
    tpu.wait_dma2 semaphore(%arg14 : memref<!tpu.dma_semaphore, #tpu.memory_space<semaphore_mem>>) src(%dma_wait3A_243 : memref<128x128xf32, #tpu.memory_space<vmem>>) dst(%dma_wait3A_239 : memref<128x128xf32, #tpu.memory_space<vmem_shared>>)
    %mul3A_244 = arith.constant 640 : i32
    %mul3A_245 = arith.muli %arg1, %mul3A_244 : i32
    %add3A_246 = arith.constant 256 : i32
    %add3A_247 = arith.addi %mul3A_245, %add3A_246 : i32
    %dma_wait3A_248 = arith.constant 0 : i32
    %dma_wait3A_249 = arith.constant 0 : i32
    %dma_wait3A_250 = arith.constant 0 : i32
    %dma_wait3A_251 = tpu.memref_slice %arg9[%dma_wait3A_248, %dma_wait3A_249, %dma_wait3A_250] : memref<2x128x128xf32, #tpu.memory_space<vmem>> -> memref<1x128x128xf32, #tpu.memory_space<vmem>>
    %dma_wait3A_252 = tpu.memref_squeeze %dma_wait3A_251 : memref<1x128x128xf32, #tpu.memory_space<vmem>> -> memref<128x128xf32, #tpu.memory_space<vmem>>
    %dma_wait3A_253 = arith.constant 0 : i32
    %dma_wait3A_254 = tpu.memref_slice %arg6[%add3A_247, %dma_wait3A_253] : memref<10240x128xf32, #tpu.memory_space<vmem_shared>> -> memref<128x128xf32, #tpu.memory_space<vmem_shared>>
    %dma_wait3A_255 = arith.constant 0 : i32
    %dma_wait3A_256 = tpu.memref_slice %arg6[%add3A_247, %dma_wait3A_255] : memref<10240x128xf32, #tpu.memory_space<vmem_shared>> -> memref<128x128xf32, #tpu.memory_space<vmem_shared>>
    %dma_wait3A_257 = arith.constant 0 : i32
    %dma_wait3A_258 = arith.constant 0 : i32
    %dma_wait3A_259 = tpu.memref_slice %arg9[%dma_wait3A_248, %dma_wait3A_257, %dma_wait3A_258] : memref<2x128x128xf32, #tpu.memory_space<vmem>> -> memref<1x128x128xf32, #tpu.memory_space<vmem>>
    %dma_wait3A_260 = tpu.memref_squeeze %dma_wait3A_259 : memref<1x128x128xf32, #tpu.memory_space<vmem>> -> memref<128x128xf32, #tpu.memory_space<vmem>>
    tpu.wait_dma2 semaphore(%arg14 : memref<!tpu.dma_semaphore, #tpu.memory_space<semaphore_mem>>) src(%dma_wait3A_260 : memref<128x128xf32, #tpu.memory_space<vmem>>) dst(%dma_wait3A_256 : memref<128x128xf32, #tpu.memory_space<vmem_shared>>)
    %mul3A_261 = arith.constant 640 : i32
    %mul3A_262 = arith.muli %arg1, %mul3A_261 : i32
    %add3A_263 = arith.constant 384 : i32
    %add3A_264 = arith.addi %mul3A_262, %add3A_263 : i32
    %dma_wait3A_265 = arith.constant 0 : i32
    %dma_wait3A_266 = arith.constant 0 : i32
    %dma_wait3A_267 = arith.constant 0 : i32
    %dma_wait3A_268 = tpu.memref_slice %arg9[%dma_wait3A_265, %dma_wait3A_266, %dma_wait3A_267] : memref<2x128x128xf32, #tpu.memory_space<vmem>> -> memref<1x128x128xf32, #tpu.memory_space<vmem>>
    %dma_wait3A_269 = tpu.memref_squeeze %dma_wait3A_268 : memref<1x128x128xf32, #tpu.memory_space<vmem>> -> memref<128x128xf32, #tpu.memory_space<vmem>>
    %dma_wait3A_270 = arith.constant 0 : i32
    %dma_wait3A_271 = tpu.memref_slice %arg6[%add3A_264, %dma_wait3A_270] : memref<10240x128xf32, #tpu.memory_space<vmem_shared>> -> memref<128x128xf32, #tpu.memory_space<vmem_shared>>
    %dma_wait3A_272 = arith.constant 0 : i32
    %dma_wait3A_273 = tpu.memref_slice %arg6[%add3A_264, %dma_wait3A_272] : memref<10240x128xf32, #tpu.memory_space<vmem_shared>> -> memref<128x128xf32, #tpu.memory_space<vmem_shared>>
    %dma_wait3A_274 = arith.constant 0 : i32
    %dma_wait3A_275 = arith.constant 0 : i32
    %dma_wait3A_276 = tpu.memref_slice %arg9[%dma_wait3A_265, %dma_wait3A_274, %dma_wait3A_275] : memref<2x128x128xf32, #tpu.memory_space<vmem>> -> memref<1x128x128xf32, #tpu.memory_space<vmem>>
    %dma_wait3A_277 = tpu.memref_squeeze %dma_wait3A_276 : memref<1x128x128xf32, #tpu.memory_space<vmem>> -> memref<128x128xf32, #tpu.memory_space<vmem>>
    tpu.wait_dma2 semaphore(%arg14 : memref<!tpu.dma_semaphore, #tpu.memory_space<semaphore_mem>>) src(%dma_wait3A_277 : memref<128x128xf32, #tpu.memory_space<vmem>>) dst(%dma_wait3A_273 : memref<128x128xf32, #tpu.memory_space<vmem_shared>>)
    %mul3A_278 = arith.constant 640 : i32
    %mul3A_279 = arith.muli %arg1, %mul3A_278 : i32
    %add3A_280 = arith.constant 512 : i32
    %add3A_281 = arith.addi %mul3A_279, %add3A_280 : i32
    %dma_wait3A_282 = arith.constant 0 : i32
    %dma_wait3A_283 = arith.constant 0 : i32
    %dma_wait3A_284 = arith.constant 0 : i32
    %dma_wait3A_285 = tpu.memref_slice %arg9[%dma_wait3A_282, %dma_wait3A_283, %dma_wait3A_284] : memref<2x128x128xf32, #tpu.memory_space<vmem>> -> memref<1x128x128xf32, #tpu.memory_space<vmem>>
    %dma_wait3A_286 = tpu.memref_squeeze %dma_wait3A_285 : memref<1x128x128xf32, #tpu.memory_space<vmem>> -> memref<128x128xf32, #tpu.memory_space<vmem>>
    %dma_wait3A_287 = arith.constant 0 : i32
    %dma_wait3A_288 = tpu.memref_slice %arg6[%add3A_281, %dma_wait3A_287] : memref<10240x128xf32, #tpu.memory_space<vmem_shared>> -> memref<128x128xf32, #tpu.memory_space<vmem_shared>>
    %dma_wait3A_289 = arith.constant 0 : i32
    %dma_wait3A_290 = tpu.memref_slice %arg6[%add3A_281, %dma_wait3A_289] : memref<10240x128xf32, #tpu.memory_space<vmem_shared>> -> memref<128x128xf32, #tpu.memory_space<vmem_shared>>
    %dma_wait3A_291 = arith.constant 0 : i32
    %dma_wait3A_292 = arith.constant 0 : i32
    %dma_wait3A_293 = tpu.memref_slice %arg9[%dma_wait3A_282, %dma_wait3A_291, %dma_wait3A_292] : memref<2x128x128xf32, #tpu.memory_space<vmem>> -> memref<1x128x128xf32, #tpu.memory_space<vmem>>
    %dma_wait3A_294 = tpu.memref_squeeze %dma_wait3A_293 : memref<1x128x128xf32, #tpu.memory_space<vmem>> -> memref<128x128xf32, #tpu.memory_space<vmem>>
    tpu.wait_dma2 semaphore(%arg14 : memref<!tpu.dma_semaphore, #tpu.memory_space<semaphore_mem>>) src(%dma_wait3A_294 : memref<128x128xf32, #tpu.memory_space<vmem>>) dst(%dma_wait3A_290 : memref<128x128xf32, #tpu.memory_space<vmem_shared>>)
    %dma_wait3A_295 = arith.constant 0 : i32
    %dma_wait3A_296 = arith.constant 0 : i32
    %dma_wait3A_297 = tpu.memref_slice %arg3[%add3A, %dma_wait3A_295, %dma_wait3A_296] : memref<32x88x128xi32, #tpu.memory_space<hbm>> -> memref<1x88x128xi32, #tpu.memory_space<hbm>>
    %dma_wait3A_298 = tpu.memref_squeeze %dma_wait3A_297 : memref<1x88x128xi32, #tpu.memory_space<hbm>> -> memref<88x128xi32, #tpu.memory_space<hbm>>
    %dma_wait3A_299 = arith.constant 0 : i32
    %dma_wait3A_300 = arith.constant 0 : i32
    %dma_wait3A_301 = tpu.memref_slice %arg3[%add3A, %dma_wait3A_299, %dma_wait3A_300] : memref<32x88x128xi32, #tpu.memory_space<hbm>> -> memref<1x88x128xi32, #tpu.memory_space<hbm>>
    %dma_wait3A_302 = tpu.memref_squeeze %dma_wait3A_301 : memref<1x88x128xi32, #tpu.memory_space<hbm>> -> memref<88x128xi32, #tpu.memory_space<hbm>>
    tpu.wait_dma2 semaphore(%arg12 : memref<!tpu.dma_semaphore, #tpu.memory_space<semaphore_mem>>) src(%dma_wait3A_302 : memref<88x128xi32, #tpu.memory_space<hbm>>) dst(%arg7 : memref<88x128xi32, #tpu.memory_space<vmem>>)
    %barrier3A = arith.constant 0 : index
    tpu.barrier barrier_id(%barrier3A)
    %dma_start3A_303 = arith.constant 0 : i32
    %dma_start3A_304 = arith.constant 0 : i32
    %dma_start3A_305 = arith.constant 0 : i32
    %dma_start3A_306 = tpu.memref_slice %arg8[%dma_start3A_304, %dma_start3A_305] : memref<2x128xi32, #tpu.memory_space<vmem>> -> memref<1x128xi32, #tpu.memory_space<vmem>>
    %dma_start3A_307 = tpu.memref_squeeze %dma_start3A_306 : memref<1x128xi32, #tpu.memory_space<vmem>> -> memref<128xi32, #tpu.memory_space<vmem>>
    %dma_start3A_308 = arith.constant 0 : i32
    %dma_start3A_309 = tpu.memref_slice %arg4[%add3A, %dma_start3A_303, %dma_start3A_308] : memref<32x88x128xi32, #tpu.memory_space<hbm>> -> memref<1x1x128xi32, #tpu.memory_space<hbm>>
    %dma_start3A_310 = tpu.memref_squeeze %dma_start3A_309 : memref<1x1x128xi32, #tpu.memory_space<hbm>> -> memref<128xi32, #tpu.memory_space<hbm>>
    %dma_start3A_311 = arith.constant 0 : i32
    %dma_start3A_312 = tpu.memref_slice %arg8[%dma_start3A_304, %dma_start3A_311] : memref<2x128xi32, #tpu.memory_space<vmem>> -> memref<1x128xi32, #tpu.memory_space<vmem>>
    %dma_start3A_313 = tpu.memref_squeeze %dma_start3A_312 : memref<1x128xi32, #tpu.memory_space<vmem>> -> memref<128xi32, #tpu.memory_space<vmem>>
    %dma_start3A_314 = arith.constant 0 : i32
    %dma_start3A_315 = tpu.memref_slice %arg4[%add3A, %dma_start3A_303, %dma_start3A_314] : memref<32x88x128xi32, #tpu.memory_space<hbm>> -> memref<1x1x128xi32, #tpu.memory_space<hbm>>
    %dma_start3A_316 = tpu.memref_squeeze %dma_start3A_315 : memref<1x1x128xi32, #tpu.memory_space<hbm>> -> memref<128xi32, #tpu.memory_space<hbm>>
    tpu.enqueue_dma source(%dma_start3A_316 : memref<128xi32, #tpu.memory_space<hbm>>) target(%dma_start3A_313 : memref<128xi32, #tpu.memory_space<vmem>>) target_semaphore(%arg12 : memref<!tpu.dma_semaphore, #tpu.memory_space<semaphore_mem>>)
    %dma_start3A_317 = arith.constant 0 : i32
    %dma_start3A_318 = arith.constant 0 : i32
    %dma_start3A_319 = arith.constant 0 : i32
    %dma_start3A_320 = arith.constant 0 : i32
    %dma_start3A_321 = tpu.memref_slice %arg9[%dma_start3A_318, %dma_start3A_319, %dma_start3A_320] : memref<2x128x128xf32, #tpu.memory_space<vmem>> -> memref<1x128x128xf32, #tpu.memory_space<vmem>>
    %dma_start3A_322 = tpu.memref_squeeze %dma_start3A_321 : memref<1x128x128xf32, #tpu.memory_space<vmem>> -> memref<128x128xf32, #tpu.memory_space<vmem>>
    %dma_start3A_323 = arith.constant 0 : i32
    %dma_start3A_324 = tpu.memref_slice %arg7[%dma_start3A_317, %dma_start3A_323] : memref<88x128xi32, #tpu.memory_space<vmem>> -> memref<1x128xi32, #tpu.memory_space<vmem>>
    %dma_start3A_325 = tpu.memref_squeeze %dma_start3A_324 : memref<1x128xi32, #tpu.memory_space<vmem>> -> memref<128xi32, #tpu.memory_space<vmem>>
    %dma_start3A_326 = arith.constant 0 : i32
    %dma_start3A_327 = arith.constant 0 : i32
    %dma_start3A_328 = tpu.memref_slice %arg2[%dma_start3A_326, %dma_start3A_327] : memref<270000x128xf32, #tpu.memory_space<hbm>> -> memref<270000x128xf32, #tpu.memory_space<hbm>>
    tpu.enqueue_indirect_dma source(%dma_start3A_328 : memref<270000x128xf32, #tpu.memory_space<hbm>>) target(%dma_start3A_322 : memref<128x128xf32, #tpu.memory_space<vmem>>) offsets(%dma_start3A_325 : memref<128xi32, #tpu.memory_space<vmem>>) semaphore(%arg10 : memref<!tpu.dma_semaphore, #tpu.memory_space<semaphore_mem>>)
    %dma_start3A_329 = arith.constant 1 : i32
    %dma_start3A_330 = arith.constant 1 : i32
    %dma_start3A_331 = arith.constant 0 : i32
    %dma_start3A_332 = arith.constant 0 : i32
    %dma_start3A_333 = tpu.memref_slice %arg9[%dma_start3A_329, %dma_start3A_331, %dma_start3A_332] : memref<2x128x128xf32, #tpu.memory_space<vmem>> -> memref<1x128x128xf32, #tpu.memory_space<vmem>>
    %dma_start3A_334 = tpu.memref_squeeze %dma_start3A_333 : memref<1x128x128xf32, #tpu.memory_space<vmem>> -> memref<128x128xf32, #tpu.memory_space<vmem>>
    %dma_start3A_335 = arith.constant 0 : i32
    %dma_start3A_336 = tpu.memref_slice %arg8[%dma_start3A_330, %dma_start3A_335] : memref<2x128xi32, #tpu.memory_space<vmem>> -> memref<1x128xi32, #tpu.memory_space<vmem>>
    %dma_start3A_337 = tpu.memref_squeeze %dma_start3A_336 : memref<1x128xi32, #tpu.memory_space<vmem>> -> memref<128xi32, #tpu.memory_space<vmem>>
    %dma_start3A_338 = arith.constant 0 : i32
    %dma_start3A_339 = arith.constant 0 : i32
    %dma_start3A_340 = tpu.memref_slice %arg6[%dma_start3A_338, %dma_start3A_339] : memref<10240x128xf32, #tpu.memory_space<vmem_shared>> -> memref<10240x128xf32, #tpu.memory_space<vmem_shared>>
    tpu.enqueue_indirect_dma source(%dma_start3A_334 : memref<128x128xf32, #tpu.memory_space<vmem>>) target(%dma_start3A_340 : memref<10240x128xf32, #tpu.memory_space<vmem_shared>>) offsets(%dma_start3A_337 : memref<128xi32, #tpu.memory_space<vmem>>) semaphore(%arg15 : memref<!tpu.dma_semaphore, #tpu.memory_space<semaphore_mem>>) {add = true}
    %scan3A_341 = arith.constant 0 : i32
    %scan3A_342 = arith.constant 0 : i32
    %scan3A_343 = arith.constant 40 : i32
    %scan3A_344 = arith.addi %scan3A_342, %scan3A_343 : i32
    %scan3A_345 = arith.constant 1 : i32
    scf.for %scan3A_392 = %scan3A_342 to %scan3A_344 step %scan3A_345  : i32 {
      %mul3A_393 = arith.constant 2 : i32
      %mul3A_394 = arith.muli %mul3A_393, %scan3A_392 : i32
      %add3A_395 = arith.constant 0 : i32
      %add3A_396 = arith.addi %mul3A_394, %add3A_395 : i32
      %dma_wait3A_397 = arith.constant 0 : i32
      %dma_wait3A_398 = arith.constant 0 : i32
      %dma_wait3A_399 = arith.constant 0 : i32
      %dma_wait3A_400 = tpu.memref_slice %arg9[%dma_wait3A_397, %dma_wait3A_398, %dma_wait3A_399] : memref<2x128x128xf32, #tpu.memory_space<vmem>> -> memref<1x128x128xf32, #tpu.memory_space<vmem>>
      %dma_wait3A_401 = tpu.memref_squeeze %dma_wait3A_400 : memref<1x128x128xf32, #tpu.memory_space<vmem>> -> memref<128x128xf32, #tpu.memory_space<vmem>>
      %dma_wait3A_402 = arith.constant 0 : i32
      %dma_wait3A_403 = tpu.memref_slice %arg7[%add3A_396, %dma_wait3A_402] : memref<88x128xi32, #tpu.memory_space<vmem>> -> memref<1x128xi32, #tpu.memory_space<vmem>>
      %dma_wait3A_404 = tpu.memref_squeeze %dma_wait3A_403 : memref<1x128xi32, #tpu.memory_space<vmem>> -> memref<128xi32, #tpu.memory_space<vmem>>
      %dma_wait3A_405 = arith.constant 0 : i32
      %dma_wait3A_406 = arith.constant 0 : i32
      %dma_wait3A_407 = tpu.memref_slice %arg2[%dma_wait3A_405, %dma_wait3A_406] : memref<270000x128xf32, #tpu.memory_space<hbm>> -> memref<270000x128xf32, #tpu.memory_space<hbm>>
      tpu.wait_indirect_dma semaphore(%arg10 : memref<!tpu.dma_semaphore, #tpu.memory_space<semaphore_mem>>) src(%dma_wait3A_407 : memref<270000x128xf32, #tpu.memory_space<hbm>>) dst(%dma_wait3A_401 : memref<128x128xf32, #tpu.memory_space<vmem>>)
      %dma_wait3A_408 = arith.constant 0 : i32
      %dma_wait3A_409 = arith.constant 0 : i32
      %dma_wait3A_410 = tpu.memref_slice %arg8[%dma_wait3A_408, %dma_wait3A_409] : memref<2x128xi32, #tpu.memory_space<vmem>> -> memref<1x128xi32, #tpu.memory_space<vmem>>
      %dma_wait3A_411 = tpu.memref_squeeze %dma_wait3A_410 : memref<1x128xi32, #tpu.memory_space<vmem>> -> memref<128xi32, #tpu.memory_space<vmem>>
      %dma_wait3A_412 = arith.constant 0 : i32
      %dma_wait3A_413 = tpu.memref_slice %arg4[%add3A, %add3A_396, %dma_wait3A_412] : memref<32x88x128xi32, #tpu.memory_space<hbm>> -> memref<1x1x128xi32, #tpu.memory_space<hbm>>
      %dma_wait3A_414 = tpu.memref_squeeze %dma_wait3A_413 : memref<1x1x128xi32, #tpu.memory_space<hbm>> -> memref<128xi32, #tpu.memory_space<hbm>>
      %dma_wait3A_415 = arith.constant 0 : i32
      %dma_wait3A_416 = tpu.memref_slice %arg8[%dma_wait3A_408, %dma_wait3A_415] : memref<2x128xi32, #tpu.memory_space<vmem>> -> memref<1x128xi32, #tpu.memory_space<vmem>>
      %dma_wait3A_417 = tpu.memref_squeeze %dma_wait3A_416 : memref<1x128xi32, #tpu.memory_space<vmem>> -> memref<128xi32, #tpu.memory_space<vmem>>
      %dma_wait3A_418 = arith.constant 0 : i32
      %dma_wait3A_419 = tpu.memref_slice %arg4[%add3A, %add3A_396, %dma_wait3A_418] : memref<32x88x128xi32, #tpu.memory_space<hbm>> -> memref<1x1x128xi32, #tpu.memory_space<hbm>>
      %dma_wait3A_420 = tpu.memref_squeeze %dma_wait3A_419 : memref<1x1x128xi32, #tpu.memory_space<hbm>> -> memref<128xi32, #tpu.memory_space<hbm>>
      tpu.wait_dma2 semaphore(%arg12 : memref<!tpu.dma_semaphore, #tpu.memory_space<semaphore_mem>>) src(%dma_wait3A_420 : memref<128xi32, #tpu.memory_space<hbm>>) dst(%dma_wait3A_417 : memref<128xi32, #tpu.memory_space<vmem>>)
      %dma_start3A_421 = arith.constant 0 : i32
      %dma_start3A_422 = arith.constant 0 : i32
      %dma_start3A_423 = arith.constant 0 : i32
      %dma_start3A_424 = arith.constant 0 : i32
      %dma_start3A_425 = tpu.memref_slice %arg9[%dma_start3A_421, %dma_start3A_423, %dma_start3A_424] : memref<2x128x128xf32, #tpu.memory_space<vmem>> -> memref<1x128x128xf32, #tpu.memory_space<vmem>>
      %dma_start3A_426 = tpu.memref_squeeze %dma_start3A_425 : memref<1x128x128xf32, #tpu.memory_space<vmem>> -> memref<128x128xf32, #tpu.memory_space<vmem>>
      %dma_start3A_427 = arith.constant 0 : i32
      %dma_start3A_428 = tpu.memref_slice %arg8[%dma_start3A_422, %dma_start3A_427] : memref<2x128xi32, #tpu.memory_space<vmem>> -> memref<1x128xi32, #tpu.memory_space<vmem>>
      %dma_start3A_429 = tpu.memref_squeeze %dma_start3A_428 : memref<1x128xi32, #tpu.memory_space<vmem>> -> memref<128xi32, #tpu.memory_space<vmem>>
      %dma_start3A_430 = arith.constant 0 : i32
      %dma_start3A_431 = arith.constant 0 : i32
      %dma_start3A_432 = tpu.memref_slice %arg6[%dma_start3A_430, %dma_start3A_431] : memref<10240x128xf32, #tpu.memory_space<vmem_shared>> -> memref<10240x128xf32, #tpu.memory_space<vmem_shared>>
      tpu.enqueue_indirect_dma source(%dma_start3A_426 : memref<128x128xf32, #tpu.memory_space<vmem>>) target(%dma_start3A_432 : memref<10240x128xf32, #tpu.memory_space<vmem_shared>>) offsets(%dma_start3A_429 : memref<128xi32, #tpu.memory_space<vmem>>) semaphore(%arg14 : memref<!tpu.dma_semaphore, #tpu.memory_space<semaphore_mem>>) {add = true}
      %dma_wait3A_433 = arith.constant 1 : i32
      %dma_wait3A_434 = arith.constant 1 : i32
      %dma_wait3A_435 = arith.constant 0 : i32
      %dma_wait3A_436 = arith.constant 0 : i32
      %dma_wait3A_437 = tpu.memref_slice %arg9[%dma_wait3A_433, %dma_wait3A_435, %dma_wait3A_436] : memref<2x128x128xf32, #tpu.memory_space<vmem>> -> memref<1x128x128xf32, #tpu.memory_space<vmem>>
      %dma_wait3A_438 = tpu.memref_squeeze %dma_wait3A_437 : memref<1x128x128xf32, #tpu.memory_space<vmem>> -> memref<128x128xf32, #tpu.memory_space<vmem>>
      %dma_wait3A_439 = arith.constant 0 : i32
      %dma_wait3A_440 = tpu.memref_slice %arg8[%dma_wait3A_434, %dma_wait3A_439] : memref<2x128xi32, #tpu.memory_space<vmem>> -> memref<1x128xi32, #tpu.memory_space<vmem>>
      %dma_wait3A_441 = tpu.memref_squeeze %dma_wait3A_440 : memref<1x128xi32, #tpu.memory_space<vmem>> -> memref<128xi32, #tpu.memory_space<vmem>>
      %dma_wait3A_442 = arith.constant 0 : i32
      %dma_wait3A_443 = arith.constant 0 : i32
      %dma_wait3A_444 = tpu.memref_slice %arg6[%dma_wait3A_442, %dma_wait3A_443] : memref<10240x128xf32, #tpu.memory_space<vmem_shared>> -> memref<10240x128xf32, #tpu.memory_space<vmem_shared>>
      tpu.wait_indirect_dma semaphore(%arg15 : memref<!tpu.dma_semaphore, #tpu.memory_space<semaphore_mem>>) src(%dma_wait3A_438 : memref<128x128xf32, #tpu.memory_space<vmem>>) dst(%dma_wait3A_444 : memref<10240x128xf32, #tpu.memory_space<vmem_shared>>)
      %add3A_445 = arith.constant 1 : i32
      %add3A_446 = arith.addi %add3A_396, %add3A_445 : i32
      %dma_start3A_447 = arith.constant 1 : i32
      %dma_start3A_448 = arith.constant 0 : i32
      %dma_start3A_449 = tpu.memref_slice %arg8[%dma_start3A_447, %dma_start3A_448] : memref<2x128xi32, #tpu.memory_space<vmem>> -> memref<1x128xi32, #tpu.memory_space<vmem>>
      %dma_start3A_450 = tpu.memref_squeeze %dma_start3A_449 : memref<1x128xi32, #tpu.memory_space<vmem>> -> memref<128xi32, #tpu.memory_space<vmem>>
      %dma_start3A_451 = arith.constant 0 : i32
      %dma_start3A_452 = tpu.memref_slice %arg4[%add3A, %add3A_446, %dma_start3A_451] : memref<32x88x128xi32, #tpu.memory_space<hbm>> -> memref<1x1x128xi32, #tpu.memory_space<hbm>>
      %dma_start3A_453 = tpu.memref_squeeze %dma_start3A_452 : memref<1x1x128xi32, #tpu.memory_space<hbm>> -> memref<128xi32, #tpu.memory_space<hbm>>
      %dma_start3A_454 = arith.constant 0 : i32
      %dma_start3A_455 = tpu.memref_slice %arg8[%dma_start3A_447, %dma_start3A_454] : memref<2x128xi32, #tpu.memory_space<vmem>> -> memref<1x128xi32, #tpu.memory_space<vmem>>
      %dma_start3A_456 = tpu.memref_squeeze %dma_start3A_455 : memref<1x128xi32, #tpu.memory_space<vmem>> -> memref<128xi32, #tpu.memory_space<vmem>>
      %dma_start3A_457 = arith.constant 0 : i32
      %dma_start3A_458 = tpu.memref_slice %arg4[%add3A, %add3A_446, %dma_start3A_457] : memref<32x88x128xi32, #tpu.memory_space<hbm>> -> memref<1x1x128xi32, #tpu.memory_space<hbm>>
      %dma_start3A_459 = tpu.memref_squeeze %dma_start3A_458 : memref<1x1x128xi32, #tpu.memory_space<hbm>> -> memref<128xi32, #tpu.memory_space<hbm>>
      tpu.enqueue_dma source(%dma_start3A_459 : memref<128xi32, #tpu.memory_space<hbm>>) target(%dma_start3A_456 : memref<128xi32, #tpu.memory_space<vmem>>) target_semaphore(%arg13 : memref<!tpu.dma_semaphore, #tpu.memory_space<semaphore_mem>>)
      %add3A_460 = arith.constant 1 : i32
      %add3A_461 = arith.addi %add3A_396, %add3A_460 : i32
      %dma_start3A_462 = arith.constant 1 : i32
      %dma_start3A_463 = arith.constant 0 : i32
      %dma_start3A_464 = arith.constant 0 : i32
      %dma_start3A_465 = tpu.memref_slice %arg9[%dma_start3A_462, %dma_start3A_463, %dma_start3A_464] : memref<2x128x128xf32, #tpu.memory_space<vmem>> -> memref<1x128x128xf32, #tpu.memory_space<vmem>>
      %dma_start3A_466 = tpu.memref_squeeze %dma_start3A_465 : memref<1x128x128xf32, #tpu.memory_space<vmem>> -> memref<128x128xf32, #tpu.memory_space<vmem>>
      %dma_start3A_467 = arith.constant 0 : i32
      %dma_start3A_468 = tpu.memref_slice %arg7[%add3A_461, %dma_start3A_467] : memref<88x128xi32, #tpu.memory_space<vmem>> -> memref<1x128xi32, #tpu.memory_space<vmem>>
      %dma_start3A_469 = tpu.memref_squeeze %dma_start3A_468 : memref<1x128xi32, #tpu.memory_space<vmem>> -> memref<128xi32, #tpu.memory_space<vmem>>
      %dma_start3A_470 = arith.constant 0 : i32
      %dma_start3A_471 = arith.constant 0 : i32
      %dma_start3A_472 = tpu.memref_slice %arg2[%dma_start3A_470, %dma_start3A_471] : memref<270000x128xf32, #tpu.memory_space<hbm>> -> memref<270000x128xf32, #tpu.memory_space<hbm>>
      tpu.enqueue_indirect_dma source(%dma_start3A_472 : memref<270000x128xf32, #tpu.memory_space<hbm>>) target(%dma_start3A_466 : memref<128x128xf32, #tpu.memory_space<vmem>>) offsets(%dma_start3A_469 : memref<128xi32, #tpu.memory_space<vmem>>) semaphore(%arg11 : memref<!tpu.dma_semaphore, #tpu.memory_space<semaphore_mem>>)
      %mul3A_473 = arith.constant 2 : i32
      %mul3A_474 = arith.muli %mul3A_473, %scan3A_392 : i32
      %add3A_475 = arith.constant 1 : i32
      %add3A_476 = arith.addi %mul3A_474, %add3A_475 : i32
      %dma_wait3A_477 = arith.constant 1 : i32
      %dma_wait3A_478 = arith.constant 0 : i32
      %dma_wait3A_479 = arith.constant 0 : i32
      %dma_wait3A_480 = tpu.memref_slice %arg9[%dma_wait3A_477, %dma_wait3A_478, %dma_wait3A_479] : memref<2x128x128xf32, #tpu.memory_space<vmem>> -> memref<1x128x128xf32, #tpu.memory_space<vmem>>
      %dma_wait3A_481 = tpu.memref_squeeze %dma_wait3A_480 : memref<1x128x128xf32, #tpu.memory_space<vmem>> -> memref<128x128xf32, #tpu.memory_space<vmem>>
      %dma_wait3A_482 = arith.constant 0 : i32
      %dma_wait3A_483 = tpu.memref_slice %arg7[%add3A_476, %dma_wait3A_482] : memref<88x128xi32, #tpu.memory_space<vmem>> -> memref<1x128xi32, #tpu.memory_space<vmem>>
      %dma_wait3A_484 = tpu.memref_squeeze %dma_wait3A_483 : memref<1x128xi32, #tpu.memory_space<vmem>> -> memref<128xi32, #tpu.memory_space<vmem>>
      %dma_wait3A_485 = arith.constant 0 : i32
      %dma_wait3A_486 = arith.constant 0 : i32
      %dma_wait3A_487 = tpu.memref_slice %arg2[%dma_wait3A_485, %dma_wait3A_486] : memref<270000x128xf32, #tpu.memory_space<hbm>> -> memref<270000x128xf32, #tpu.memory_space<hbm>>
      tpu.wait_indirect_dma semaphore(%arg11 : memref<!tpu.dma_semaphore, #tpu.memory_space<semaphore_mem>>) src(%dma_wait3A_487 : memref<270000x128xf32, #tpu.memory_space<hbm>>) dst(%dma_wait3A_481 : memref<128x128xf32, #tpu.memory_space<vmem>>)
      %dma_wait3A_488 = arith.constant 1 : i32
      %dma_wait3A_489 = arith.constant 0 : i32
      %dma_wait3A_490 = tpu.memref_slice %arg8[%dma_wait3A_488, %dma_wait3A_489] : memref<2x128xi32, #tpu.memory_space<vmem>> -> memref<1x128xi32, #tpu.memory_space<vmem>>
      %dma_wait3A_491 = tpu.memref_squeeze %dma_wait3A_490 : memref<1x128xi32, #tpu.memory_space<vmem>> -> memref<128xi32, #tpu.memory_space<vmem>>
      %dma_wait3A_492 = arith.constant 0 : i32
      %dma_wait3A_493 = tpu.memref_slice %arg4[%add3A, %add3A_476, %dma_wait3A_492] : memref<32x88x128xi32, #tpu.memory_space<hbm>> -> memref<1x1x128xi32, #tpu.memory_space<hbm>>
      %dma_wait3A_494 = tpu.memref_squeeze %dma_wait3A_493 : memref<1x1x128xi32, #tpu.memory_space<hbm>> -> memref<128xi32, #tpu.memory_space<hbm>>
      %dma_wait3A_495 = arith.constant 0 : i32
      %dma_wait3A_496 = tpu.memref_slice %arg8[%dma_wait3A_488, %dma_wait3A_495] : memref<2x128xi32, #tpu.memory_space<vmem>> -> memref<1x128xi32, #tpu.memory_space<vmem>>
      %dma_wait3A_497 = tpu.memref_squeeze %dma_wait3A_496 : memref<1x128xi32, #tpu.memory_space<vmem>> -> memref<128xi32, #tpu.memory_space<vmem>>
      %dma_wait3A_498 = arith.constant 0 : i32
      %dma_wait3A_499 = tpu.memref_slice %arg4[%add3A, %add3A_476, %dma_wait3A_498] : memref<32x88x128xi32, #tpu.memory_space<hbm>> -> memref<1x1x128xi32, #tpu.memory_space<hbm>>
      %dma_wait3A_500 = tpu.memref_squeeze %dma_wait3A_499 : memref<1x1x128xi32, #tpu.memory_space<hbm>> -> memref<128xi32, #tpu.memory_space<hbm>>
      tpu.wait_dma2 semaphore(%arg13 : memref<!tpu.dma_semaphore, #tpu.memory_space<semaphore_mem>>) src(%dma_wait3A_500 : memref<128xi32, #tpu.memory_space<hbm>>) dst(%dma_wait3A_497 : memref<128xi32, #tpu.memory_space<vmem>>)
      %dma_start3A_501 = arith.constant 1 : i32
      %dma_start3A_502 = arith.constant 1 : i32
      %dma_start3A_503 = arith.constant 0 : i32
      %dma_start3A_504 = arith.constant 0 : i32
      %dma_start3A_505 = tpu.memref_slice %arg9[%dma_start3A_501, %dma_start3A_503, %dma_start3A_504] : memref<2x128x128xf32, #tpu.memory_space<vmem>> -> memref<1x128x128xf32, #tpu.memory_space<vmem>>
      %dma_start3A_506 = tpu.memref_squeeze %dma_start3A_505 : memref<1x128x128xf32, #tpu.memory_space<vmem>> -> memref<128x128xf32, #tpu.memory_space<vmem>>
      %dma_start3A_507 = arith.constant 0 : i32
      %dma_start3A_508 = tpu.memref_slice %arg8[%dma_start3A_502, %dma_start3A_507] : memref<2x128xi32, #tpu.memory_space<vmem>> -> memref<1x128xi32, #tpu.memory_space<vmem>>
      %dma_start3A_509 = tpu.memref_squeeze %dma_start3A_508 : memref<1x128xi32, #tpu.memory_space<vmem>> -> memref<128xi32, #tpu.memory_space<vmem>>
      %dma_start3A_510 = arith.constant 0 : i32
      %dma_start3A_511 = arith.constant 0 : i32
      %dma_start3A_512 = tpu.memref_slice %arg6[%dma_start3A_510, %dma_start3A_511] : memref<10240x128xf32, #tpu.memory_space<vmem_shared>> -> memref<10240x128xf32, #tpu.memory_space<vmem_shared>>
      tpu.enqueue_indirect_dma source(%dma_start3A_506 : memref<128x128xf32, #tpu.memory_space<vmem>>) target(%dma_start3A_512 : memref<10240x128xf32, #tpu.memory_space<vmem_shared>>) offsets(%dma_start3A_509 : memref<128xi32, #tpu.memory_space<vmem>>) semaphore(%arg15 : memref<!tpu.dma_semaphore, #tpu.memory_space<semaphore_mem>>) {add = true}
      %dma_wait3A_513 = arith.constant 0 : i32
      %dma_wait3A_514 = arith.constant 0 : i32
      %dma_wait3A_515 = arith.constant 0 : i32
      %dma_wait3A_516 = arith.constant 0 : i32
      %dma_wait3A_517 = tpu.memref_slice %arg9[%dma_wait3A_513, %dma_wait3A_515, %dma_wait3A_516] : memref<2x128x128xf32, #tpu.memory_space<vmem>> -> memref<1x128x128xf32, #tpu.memory_space<vmem>>
      %dma_wait3A_518 = tpu.memref_squeeze %dma_wait3A_517 : memref<1x128x128xf32, #tpu.memory_space<vmem>> -> memref<128x128xf32, #tpu.memory_space<vmem>>
      %dma_wait3A_519 = arith.constant 0 : i32
      %dma_wait3A_520 = tpu.memref_slice %arg8[%dma_wait3A_514, %dma_wait3A_519] : memref<2x128xi32, #tpu.memory_space<vmem>> -> memref<1x128xi32, #tpu.memory_space<vmem>>
      %dma_wait3A_521 = tpu.memref_squeeze %dma_wait3A_520 : memref<1x128xi32, #tpu.memory_space<vmem>> -> memref<128xi32, #tpu.memory_space<vmem>>
      %dma_wait3A_522 = arith.constant 0 : i32
      %dma_wait3A_523 = arith.constant 0 : i32
      %dma_wait3A_524 = tpu.memref_slice %arg6[%dma_wait3A_522, %dma_wait3A_523] : memref<10240x128xf32, #tpu.memory_space<vmem_shared>> -> memref<10240x128xf32, #tpu.memory_space<vmem_shared>>
      tpu.wait_indirect_dma semaphore(%arg14 : memref<!tpu.dma_semaphore, #tpu.memory_space<semaphore_mem>>) src(%dma_wait3A_518 : memref<128x128xf32, #tpu.memory_space<vmem>>) dst(%dma_wait3A_524 : memref<10240x128xf32, #tpu.memory_space<vmem_shared>>)
      %add3A_525 = arith.constant 1 : i32
      %add3A_526 = arith.addi %add3A_476, %add3A_525 : i32
      %dma_start3A_527 = arith.constant 0 : i32
      %dma_start3A_528 = arith.constant 0 : i32
      %dma_start3A_529 = tpu.memref_slice %arg8[%dma_start3A_527, %dma_start3A_528] : memref<2x128xi32, #tpu.memory_space<vmem>> -> memref<1x128xi32, #tpu.memory_space<vmem>>
      %dma_start3A_530 = tpu.memref_squeeze %dma_start3A_529 : memref<1x128xi32, #tpu.memory_space<vmem>> -> memref<128xi32, #tpu.memory_space<vmem>>
      %dma_start3A_531 = arith.constant 0 : i32
      %dma_start3A_532 = tpu.memref_slice %arg4[%add3A, %add3A_526, %dma_start3A_531] : memref<32x88x128xi32, #tpu.memory_space<hbm>> -> memref<1x1x128xi32, #tpu.memory_space<hbm>>
      %dma_start3A_533 = tpu.memref_squeeze %dma_start3A_532 : memref<1x1x128xi32, #tpu.memory_space<hbm>> -> memref<128xi32, #tpu.memory_space<hbm>>
      %dma_start3A_534 = arith.constant 0 : i32
      %dma_start3A_535 = tpu.memref_slice %arg8[%dma_start3A_527, %dma_start3A_534] : memref<2x128xi32, #tpu.memory_space<vmem>> -> memref<1x128xi32, #tpu.memory_space<vmem>>
      %dma_start3A_536 = tpu.memref_squeeze %dma_start3A_535 : memref<1x128xi32, #tpu.memory_space<vmem>> -> memref<128xi32, #tpu.memory_space<vmem>>
      %dma_start3A_537 = arith.constant 0 : i32
      %dma_start3A_538 = tpu.memref_slice %arg4[%add3A, %add3A_526, %dma_start3A_537] : memref<32x88x128xi32, #tpu.memory_space<hbm>> -> memref<1x1x128xi32, #tpu.memory_space<hbm>>
      %dma_start3A_539 = tpu.memref_squeeze %dma_start3A_538 : memref<1x1x128xi32, #tpu.memory_space<hbm>> -> memref<128xi32, #tpu.memory_space<hbm>>
      tpu.enqueue_dma source(%dma_start3A_539 : memref<128xi32, #tpu.memory_space<hbm>>) target(%dma_start3A_536 : memref<128xi32, #tpu.memory_space<vmem>>) target_semaphore(%arg12 : memref<!tpu.dma_semaphore, #tpu.memory_space<semaphore_mem>>)
      %add3A_540 = arith.constant 1 : i32
      %add3A_541 = arith.addi %add3A_476, %add3A_540 : i32
      %dma_start3A_542 = arith.constant 0 : i32
      %dma_start3A_543 = arith.constant 0 : i32
      %dma_start3A_544 = arith.constant 0 : i32
      %dma_start3A_545 = tpu.memref_slice %arg9[%dma_start3A_542, %dma_start3A_543, %dma_start3A_544] : memref<2x128x128xf32, #tpu.memory_space<vmem>> -> memref<1x128x128xf32, #tpu.memory_space<vmem>>
      %dma_start3A_546 = tpu.memref_squeeze %dma_start3A_545 : memref<1x128x128xf32, #tpu.memory_space<vmem>> -> memref<128x128xf32, #tpu.memory_space<vmem>>
      %dma_start3A_547 = arith.constant 0 : i32
      %dma_start3A_548 = tpu.memref_slice %arg7[%add3A_541, %dma_start3A_547] : memref<88x128xi32, #tpu.memory_space<vmem>> -> memref<1x128xi32, #tpu.memory_space<vmem>>
      %dma_start3A_549 = tpu.memref_squeeze %dma_start3A_548 : memref<1x128xi32, #tpu.memory_space<vmem>> -> memref<128xi32, #tpu.memory_space<vmem>>
      %dma_start3A_550 = arith.constant 0 : i32
      %dma_start3A_551 = arith.constant 0 : i32
      %dma_start3A_552 = tpu.memref_slice %arg2[%dma_start3A_550, %dma_start3A_551] : memref<270000x128xf32, #tpu.memory_space<hbm>> -> memref<270000x128xf32, #tpu.memory_space<hbm>>
      tpu.enqueue_indirect_dma source(%dma_start3A_552 : memref<270000x128xf32, #tpu.memory_space<hbm>>) target(%dma_start3A_546 : memref<128x128xf32, #tpu.memory_space<vmem>>) offsets(%dma_start3A_549 : memref<128xi32, #tpu.memory_space<vmem>>) semaphore(%arg10 : memref<!tpu.dma_semaphore, #tpu.memory_space<semaphore_mem>>)
    }
    %scan3A_346 = arith.constant 40 : i32
    %dma_wait3A_347 = arith.constant 1 : i32
    %dma_wait3A_348 = arith.constant 1 : i32
    %dma_wait3A_349 = arith.constant 0 : i32
    %dma_wait3A_350 = arith.constant 0 : i32
    %dma_wait3A_351 = tpu.memref_slice %arg9[%dma_wait3A_347, %dma_wait3A_349, %dma_wait3A_350] : memref<2x128x128xf32, #tpu.memory_space<vmem>> -> memref<1x128x128xf32, #tpu.memory_space<vmem>>
    %dma_wait3A_352 = tpu.memref_squeeze %dma_wait3A_351 : memref<1x128x128xf32, #tpu.memory_space<vmem>> -> memref<128x128xf32, #tpu.memory_space<vmem>>
    %dma_wait3A_353 = arith.constant 0 : i32
    %dma_wait3A_354 = tpu.memref_slice %arg8[%dma_wait3A_348, %dma_wait3A_353] : memref<2x128xi32, #tpu.memory_space<vmem>> -> memref<1x128xi32, #tpu.memory_space<vmem>>
    %dma_wait3A_355 = tpu.memref_squeeze %dma_wait3A_354 : memref<1x128xi32, #tpu.memory_space<vmem>> -> memref<128xi32, #tpu.memory_space<vmem>>
    %dma_wait3A_356 = arith.constant 0 : i32
    %dma_wait3A_357 = arith.constant 0 : i32
    %dma_wait3A_358 = tpu.memref_slice %arg6[%dma_wait3A_356, %dma_wait3A_357] : memref<10240x128xf32, #tpu.memory_space<vmem_shared>> -> memref<10240x128xf32, #tpu.memory_space<vmem_shared>>
    tpu.wait_indirect_dma semaphore(%arg15 : memref<!tpu.dma_semaphore, #tpu.memory_space<semaphore_mem>>) src(%dma_wait3A_352 : memref<128x128xf32, #tpu.memory_space<vmem>>) dst(%dma_wait3A_358 : memref<10240x128xf32, #tpu.memory_space<vmem_shared>>)
    %dma_wait3A_359 = arith.constant 80 : i32
    %dma_wait3A_360 = arith.constant 0 : i32
    %dma_wait3A_361 = arith.constant 0 : i32
    %dma_wait3A_362 = tpu.memref_slice %arg8[%dma_wait3A_360, %dma_wait3A_361] : memref<2x128xi32, #tpu.memory_space<vmem>> -> memref<1x128xi32, #tpu.memory_space<vmem>>
    %dma_wait3A_363 = tpu.memref_squeeze %dma_wait3A_362 : memref<1x128xi32, #tpu.memory_space<vmem>> -> memref<128xi32, #tpu.memory_space<vmem>>
    %dma_wait3A_364 = arith.constant 0 : i32
    %dma_wait3A_365 = tpu.memref_slice %arg4[%add3A, %dma_wait3A_359, %dma_wait3A_364] : memref<32x88x128xi32, #tpu.memory_space<hbm>> -> memref<1x1x128xi32, #tpu.memory_space<hbm>>
    %dma_wait3A_366 = tpu.memref_squeeze %dma_wait3A_365 : memref<1x1x128xi32, #tpu.memory_space<hbm>> -> memref<128xi32, #tpu.memory_space<hbm>>
    %dma_wait3A_367 = arith.constant 0 : i32
    %dma_wait3A_368 = tpu.memref_slice %arg8[%dma_wait3A_360, %dma_wait3A_367] : memref<2x128xi32, #tpu.memory_space<vmem>> -> memref<1x128xi32, #tpu.memory_space<vmem>>
    %dma_wait3A_369 = tpu.memref_squeeze %dma_wait3A_368 : memref<1x128xi32, #tpu.memory_space<vmem>> -> memref<128xi32, #tpu.memory_space<vmem>>
    %dma_wait3A_370 = arith.constant 0 : i32
    %dma_wait3A_371 = tpu.memref_slice %arg4[%add3A, %dma_wait3A_359, %dma_wait3A_370] : memref<32x88x128xi32, #tpu.memory_space<hbm>> -> memref<1x1x128xi32, #tpu.memory_space<hbm>>
    %dma_wait3A_372 = tpu.memref_squeeze %dma_wait3A_371 : memref<1x1x128xi32, #tpu.memory_space<hbm>> -> memref<128xi32, #tpu.memory_space<hbm>>
    tpu.wait_dma2 semaphore(%arg12 : memref<!tpu.dma_semaphore, #tpu.memory_space<semaphore_mem>>) src(%dma_wait3A_372 : memref<128xi32, #tpu.memory_space<hbm>>) dst(%dma_wait3A_369 : memref<128xi32, #tpu.memory_space<vmem>>)
    %dma_wait3A_373 = arith.constant 80 : i32
    %dma_wait3A_374 = arith.constant 0 : i32
    %dma_wait3A_375 = arith.constant 0 : i32
    %dma_wait3A_376 = arith.constant 0 : i32
    %dma_wait3A_377 = tpu.memref_slice %arg9[%dma_wait3A_374, %dma_wait3A_375, %dma_wait3A_376] : memref<2x128x128xf32, #tpu.memory_space<vmem>> -> memref<1x128x128xf32, #tpu.memory_space<vmem>>
    %dma_wait3A_378 = tpu.memref_squeeze %dma_wait3A_377 : memref<1x128x128xf32, #tpu.memory_space<vmem>> -> memref<128x128xf32, #tpu.memory_space<vmem>>
    %dma_wait3A_379 = arith.constant 0 : i32
    %dma_wait3A_380 = tpu.memref_slice %arg7[%dma_wait3A_373, %dma_wait3A_379] : memref<88x128xi32, #tpu.memory_space<vmem>> -> memref<1x128xi32, #tpu.memory_space<vmem>>
    %dma_wait3A_381 = tpu.memref_squeeze %dma_wait3A_380 : memref<1x128xi32, #tpu.memory_space<vmem>> -> memref<128xi32, #tpu.memory_space<vmem>>
    %dma_wait3A_382 = arith.constant 0 : i32
    %dma_wait3A_383 = arith.constant 0 : i32
    %dma_wait3A_384 = tpu.memref_slice %arg2[%dma_wait3A_382, %dma_wait3A_383] : memref<270000x128xf32, #tpu.memory_space<hbm>> -> memref<270000x128xf32, #tpu.memory_space<hbm>>
    tpu.wait_indirect_dma semaphore(%arg10 : memref<!tpu.dma_semaphore, #tpu.memory_space<semaphore_mem>>) src(%dma_wait3A_384 : memref<270000x128xf32, #tpu.memory_space<hbm>>) dst(%dma_wait3A_378 : memref<128x128xf32, #tpu.memory_space<vmem>>)
    %barrier3A_385 = arith.constant 0 : index
    tpu.barrier barrier_id(%barrier3A_385)
    %mul3A_386 = arith.constant 624 : i32
    %mul3A_387 = arith.muli %arg1, %mul3A_386 : i32
    %mul3A_388 = arith.constant 624 : i32
    %mul3A_389 = arith.muli %arg1, %mul3A_388 : i32
    "tpu.region"() ({
      %run_scoped3A = tpu.sem_alloc : memref<!tpu.dma_semaphore, #tpu.memory_space<semaphore_mem>>
      %dma_start3A_392 = arith.constant 0 : i32
      %dma_start3A_393 = tpu.memref_slice %arg5[%arg0, %mul3A_389, %dma_start3A_392] : memref<2x10000x128xf32, #tpu.memory_space<hbm>> -> memref<1x624x128xf32, #tpu.memory_space<hbm>>
      %dma_start3A_394 = tpu.memref_squeeze %dma_start3A_393 : memref<1x624x128xf32, #tpu.memory_space<hbm>> -> memref<624x128xf32, #tpu.memory_space<hbm>>
      %dma_start3A_395 = arith.constant 0 : i32
      %dma_start3A_396 = tpu.memref_slice %arg6[%mul3A_387, %dma_start3A_395] : memref<10240x128xf32, #tpu.memory_space<vmem_shared>> -> memref<624x128xf32, #tpu.memory_space<vmem_shared>>
      tpu.enqueue_dma source(%dma_start3A_396 : memref<624x128xf32, #tpu.memory_space<vmem_shared>>) target(%dma_start3A_394 : memref<624x128xf32, #tpu.memory_space<hbm>>) target_semaphore(%run_scoped3A : memref<!tpu.dma_semaphore, #tpu.memory_space<semaphore_mem>>)
      %dma_wait3A_397 = arith.constant 0 : i32
      %dma_wait3A_398 = tpu.memref_slice %arg5[%arg0, %mul3A_389, %dma_wait3A_397] : memref<2x10000x128xf32, #tpu.memory_space<hbm>> -> memref<1x624x128xf32, #tpu.memory_space<hbm>>
      %dma_wait3A_399 = tpu.memref_squeeze %dma_wait3A_398 : memref<1x624x128xf32, #tpu.memory_space<hbm>> -> memref<624x128xf32, #tpu.memory_space<hbm>>
      %dma_wait3A_400 = arith.constant 0 : i32
      %dma_wait3A_401 = tpu.memref_slice %arg6[%mul3A_387, %dma_wait3A_400] : memref<10240x128xf32, #tpu.memory_space<vmem_shared>> -> memref<624x128xf32, #tpu.memory_space<vmem_shared>>
      tpu.wait_dma2 semaphore(%run_scoped3A : memref<!tpu.dma_semaphore, #tpu.memory_space<semaphore_mem>>) src(%dma_wait3A_401 : memref<624x128xf32, #tpu.memory_space<vmem_shared>>) dst(%dma_wait3A_399 : memref<624x128xf32, #tpu.memory_space<hbm>>)
      tpu.yield
    }) : () -> ()
    %eq3A = arith.constant 15 : i32
    %eq3A_390 = arith.cmpi eq, %arg1, %eq3A : i32
    %convert_element_type3A = arith.extui %eq3A_390 : i1 to i32
    %cond3A = arith.constant 0 : i32
    %cond3A_391 = arith.cmpi ne, %convert_element_type3A, %cond3A : i32
    scf.if %cond3A_391 {
      "tpu.region"() ({
        %run_scoped3A = tpu.sem_alloc : memref<!tpu.dma_semaphore, #tpu.memory_space<semaphore_mem>>
        %dma_start3A_392 = arith.constant 9984 : i32
        %dma_start3A_393 = arith.constant 0 : i32
        %dma_start3A_394 = tpu.memref_slice %arg5[%arg0, %dma_start3A_392, %dma_start3A_393] : memref<2x10000x128xf32, #tpu.memory_space<hbm>> -> memref<1x16x128xf32, #tpu.memory_space<hbm>>
        %dma_start3A_395 = tpu.memref_squeeze %dma_start3A_394 : memref<1x16x128xf32, #tpu.memory_space<hbm>> -> memref<16x128xf32, #tpu.memory_space<hbm>>
        %dma_start3A_396 = arith.constant 9984 : i32
        %dma_start3A_397 = arith.constant 0 : i32
        %dma_start3A_398 = tpu.memref_slice %arg6[%dma_start3A_396, %dma_start3A_397] : memref<10240x128xf32, #tpu.memory_space<vmem_shared>> -> memref<16x128xf32, #tpu.memory_space<vmem_shared>>
        tpu.enqueue_dma source(%dma_start3A_398 : memref<16x128xf32, #tpu.memory_space<vmem_shared>>) target(%dma_start3A_395 : memref<16x128xf32, #tpu.memory_space<hbm>>) target_semaphore(%run_scoped3A : memref<!tpu.dma_semaphore, #tpu.memory_space<semaphore_mem>>)
        %dma_wait3A_399 = arith.constant 9984 : i32
        %dma_wait3A_400 = arith.constant 0 : i32
        %dma_wait3A_401 = tpu.memref_slice %arg5[%arg0, %dma_wait3A_399, %dma_wait3A_400] : memref<2x10000x128xf32, #tpu.memory_space<hbm>> -> memref<1x16x128xf32, #tpu.memory_space<hbm>>
        %dma_wait3A_402 = tpu.memref_squeeze %dma_wait3A_401 : memref<1x16x128xf32, #tpu.memory_space<hbm>> -> memref<16x128xf32, #tpu.memory_space<hbm>>
        %dma_wait3A_403 = arith.constant 9984 : i32
        %dma_wait3A_404 = arith.constant 0 : i32
        %dma_wait3A_405 = tpu.memref_slice %arg6[%dma_wait3A_403, %dma_wait3A_404] : memref<10240x128xf32, #tpu.memory_space<vmem_shared>> -> memref<16x128xf32, #tpu.memory_space<vmem_shared>>
        tpu.wait_dma2 semaphore(%run_scoped3A : memref<!tpu.dma_semaphore, #tpu.memory_space<semaphore_mem>>) src(%dma_wait3A_405 : memref<16x128xf32, #tpu.memory_space<vmem_shared>>) dst(%dma_wait3A_402 : memref<16x128xf32, #tpu.memory_space<hbm>>)
        tpu.yield
      }) : () -> ()
    } else {
    }
    return
  }
}

module attributes {stable_mosaic.version = 14 : i64} {
  func.func @body(%arg0: i32, %arg1: memref<10000x128xf32, #tpu.memory_space<vmem>>, %arg2: memref<1x128x128xf32, #tpu.memory_space<vmem>>, %arg3: memref<10000x128xf32, #tpu.memory_space<vmem>>) attributes {dimension_semantics = [#tpu.dimension_semantics<arbitrary>], iteration_bounds = array<i64: 27>, scalar_prefetch = 0 : i64, scratch_operands = 0 : i64, tpu.core_type = #tpu.core_type<tc>, window_params = [{pipeline_mode = #tpu.pipeline_mode<synchronous>, transform_indices = @transform_0, window_bounds = array<i64: 10000, 128>}, {transform_indices = @transform_1, window_bounds = array<i64: 1, 128, 128>}, {transform_indices = @transform_2, window_bounds = array<i64: 10000, 128>}]} {
    %get3A = arith.constant 0 : index
    %get3A_0 = arith.constant 0 : index
    %get3A_1 = vector.load %arg1[%get3A, %get3A_0] : memref<10000x128xf32, #tpu.memory_space<vmem>>, vector<10000x128xf32>
    %get3A_2 = arith.constant 0 : index
    %get3A_3 = arith.constant 0 : index
    %get3A_4 = arith.constant 0 : index
    %get3A_5 = vector.load %arg2[%get3A_2, %get3A_3, %get3A_4] : memref<1x128x128xf32, #tpu.memory_space<vmem>>, vector<1x128x128xf32>
    %get3A_6 = vector.shape_cast %get3A_5 : vector<1x128x128xf32> to vector<128x128xf32>
    %dot_general3A = arith.constant dense<0.000000e+00> : vector<10000x128xf32>
    %dot_general3A_7 = tpu.matmul %get3A_1, %get3A_6, %dot_general3A {dimension_numbers = #tpu.dot_dimension_numbers<[1], [0], [0], [1], [0, 0, 1, 1], [], []>, transpose_lhs_hint = false} : vector<10000x128xf32>, vector<128x128xf32>, vector<10000x128xf32> -> vector<10000x128xf32>
    %swap3A = arith.constant 0 : index
    %swap3A_8 = arith.constant 0 : index
    %swap3A_9 = vector.load %arg3[%swap3A, %swap3A_8] : memref<10000x128xf32, #tpu.memory_space<vmem>>, vector<10000x128xf32>
    tpu.vector_store %arg3[%swap3A, %swap3A_8], %dot_general3A_7 {strides = array<i32>} : memref<10000x128xf32, #tpu.memory_space<vmem>>, vector<10000x128xf32>,
    return
  }
  func.func @transform_0(%arg0: i32) -> (i32, i32) {
    %c0_i32 = arith.constant 0 : i32
    %c0_i32_0 = arith.constant 0 : i32
    %c0_i32_1 = arith.constant 0 : i32
    return %c0_i32, %c0_i32_0 : i32, i32
  }
  func.func @transform_1(%arg0: i32) -> (i32, i32, i32) {
    %c0_i32 = arith.constant 0 : i32
    %c0_i32_0 = arith.constant 0 : i32
    %c0_i32_1 = arith.constant 0 : i32
    return %arg0, %c0_i32, %c0_i32_0 : i32, i32, i32
  }
  func.func @transform_2(%arg0: i32) -> (i32, i32) {
    %c0_i32 = arith.constant 0 : i32
    %c0_i32_0 = arith.constant 0 : i32
    return %arg0, %c0_i32 : i32, i32
  }
}

module attributes {stable_mosaic.version = 14 : i64} {
  func.func @body(%arg0: i32, %arg1: memref<2x10000x128xf32, #tpu.memory_space<vmem>>, %arg2: memref<1x128xf32, #tpu.memory_space<vmem>>, %arg3: memref<1x128xf32, #tpu.memory_space<vmem>>, %arg4: memref<1x128x128xf32, #tpu.memory_space<vmem>>, %arg5: memref<10000x128xf32, #tpu.memory_space<vmem>>, %arg6: memref<10000x128xf32, #tpu.memory_space<vmem>>) attributes {dimension_semantics = [#tpu.dimension_semantics<arbitrary>], iteration_bounds = array<i64: 27>, scalar_prefetch = 0 : i64, scratch_operands = 1 : i64, tpu.core_type = #tpu.core_type<tc>, window_params = [{pipeline_mode = #tpu.pipeline_mode<synchronous>, transform_indices = @transform_0, window_bounds = array<i64: 2, 10000, 128>}, {pipeline_mode = #tpu.pipeline_mode<synchronous>, transform_indices = @transform_1, window_bounds = array<i64: 1, 128>}, {pipeline_mode = #tpu.pipeline_mode<synchronous>, transform_indices = @transform_2, window_bounds = array<i64: 1, 128>}, {transform_indices = @transform_3, window_bounds = array<i64: 1, 128, 128>}, {transform_indices = @transform_4, window_bounds = array<i64: 10000, 128>}]} {
    %eq3A = arith.constant 0 : i32
    %eq3A_0 = arith.cmpi eq, %arg0, %eq3A : i32
    %convert_element_type3A = arith.extui %eq3A_0 : i1 to i32
    %cond3A = arith.constant 0 : i32
    %cond3A_1 = arith.cmpi ne, %convert_element_type3A, %cond3A : i32
    scf.if %cond3A_1 {
      %get3A_12 = arith.constant 0 : index
      %get3A_13 = arith.constant 0 : index
      %get3A_14 = arith.constant 0 : index
      %get3A_15 = vector.load %arg1[%get3A_12, %get3A_13, %get3A_14] : memref<2x10000x128xf32, #tpu.memory_space<vmem>>, vector<1x10000x128xf32>
      %get3A_16 = vector.shape_cast %get3A_15 : vector<1x10000x128xf32> to vector<10000x128xf32>
      %get3A_17 = arith.constant 1 : index
      %get3A_18 = arith.constant 0 : index
      %get3A_19 = arith.constant 0 : index
      %get3A_20 = vector.load %arg1[%get3A_17, %get3A_18, %get3A_19] : memref<2x10000x128xf32, #tpu.memory_space<vmem>>, vector<1x10000x128xf32>
      %get3A_21 = vector.shape_cast %get3A_20 : vector<1x10000x128xf32> to vector<10000x128xf32>
      %add3A = arith.addf %get3A_16, %get3A_21 : vector<10000x128xf32>
      %reduce_sum3A = arith.constant dense<0.000000e+00> : vector<128xf32>
      %reduce_sum3A_22 = vector.multi_reduction <add>, %add3A, %reduce_sum3A [0] : vector<10000x128xf32> to vector<128xf32>
      %broadcast_in_dim3A = vector.shape_cast %reduce_sum3A_22 : vector<128xf32> to vector<1x128xf32>
      %div3A = arith.constant 1.000000e+04 : f32
      %div3A_23 = vector.broadcast %div3A : f32 to vector<1x128xf32>
      %div3A_24 = arith.divf %broadcast_in_dim3A, %div3A_23 : vector<1x128xf32>
      %sub3A = vector.broadcast %div3A_24 : vector<1x128xf32> to vector<10000x128xf32>
      %sub3A_25 = arith.subf %add3A, %sub3A : vector<10000x128xf32>
      %integer_pow3A = arith.mulf %sub3A_25, %sub3A_25 : vector<10000x128xf32>
      %reduce_sum3A_26 = arith.constant dense<0.000000e+00> : vector<128xf32>
      %reduce_sum3A_27 = vector.multi_reduction <add>, %integer_pow3A, %reduce_sum3A_26 [0] : vector<10000x128xf32> to vector<128xf32>
      %broadcast_in_dim3A_28 = vector.shape_cast %reduce_sum3A_27 : vector<128xf32> to vector<1x128xf32>
      %div3A_29 = arith.constant 1.000000e+04 : f32
      %div3A_30 = vector.broadcast %div3A_29 : f32 to vector<1x128xf32>
      %div3A_31 = arith.divf %broadcast_in_dim3A_28, %div3A_30 : vector<1x128xf32>
      %sub3A_32 = vector.broadcast %div3A_24 : vector<1x128xf32> to vector<10000x128xf32>
      %sub3A_33 = arith.subf %add3A, %sub3A_32 : vector<10000x128xf32>
      %add3A_34 = arith.constant 9.99999974E-6 : f32
      %add3A_35 = vector.broadcast %add3A_34 : f32 to vector<1x128xf32>
      %add3A_36 = arith.addf %div3A_31, %add3A_35 : vector<1x128xf32>
      %rsqrt3A = math.rsqrt %add3A_36 : vector<1x128xf32>
      %mul3A = vector.broadcast %rsqrt3A : vector<1x128xf32> to vector<10000x128xf32>
      %mul3A_37 = arith.mulf %sub3A_33, %mul3A : vector<10000x128xf32>
      %get3A_38 = arith.constant 0 : index
      %get3A_39 = arith.constant 0 : index
      %get3A_40 = vector.load %arg2[%get3A_38, %get3A_39] : memref<1x128xf32, #tpu.memory_space<vmem>>, vector<1x128xf32>
      %mul3A_41 = vector.broadcast %get3A_40 : vector<1x128xf32> to vector<10000x128xf32>
      %mul3A_42 = arith.mulf %mul3A_37, %mul3A_41 : vector<10000x128xf32>
      %get3A_43 = arith.constant 0 : index
      %get3A_44 = arith.constant 0 : index
      %get3A_45 = vector.load %arg3[%get3A_43, %get3A_44] : memref<1x128xf32, #tpu.memory_space<vmem>>, vector<1x128xf32>
      %add3A_46 = vector.broadcast %get3A_45 : vector<1x128xf32> to vector<10000x128xf32>
      %add3A_47 = arith.addf %mul3A_42, %add3A_46 : vector<10000x128xf32>
      %max3A = arith.constant 0.000000e+00 : f32
      %max3A_48 = vector.broadcast %max3A : f32 to vector<10000x128xf32>
      %max3A_49 = arith.maximumf %add3A_47, %max3A_48 : vector<10000x128xf32>
      %swap3A_50 = arith.constant 0 : index
      %swap3A_51 = arith.constant 0 : index
      %swap3A_52 = vector.load %arg6[%swap3A_50, %swap3A_51] : memref<10000x128xf32, #tpu.memory_space<vmem>>, vector<10000x128xf32>
      tpu.vector_store %arg6[%swap3A_50, %swap3A_51], %max3A_49 {strides = array<i32>} : memref<10000x128xf32, #tpu.memory_space<vmem>>, vector<10000x128xf32>,
    } else {
    }
    %get3A = arith.constant 0 : index
    %get3A_2 = arith.constant 0 : index
    %get3A_3 = vector.load %arg6[%get3A, %get3A_2] : memref<10000x128xf32, #tpu.memory_space<vmem>>, vector<10000x128xf32>
    %get3A_4 = arith.constant 0 : index
    %get3A_5 = arith.constant 0 : index
    %get3A_6 = arith.constant 0 : index
    %get3A_7 = vector.load %arg4[%get3A_4, %get3A_5, %get3A_6] : memref<1x128x128xf32, #tpu.memory_space<vmem>>, vector<1x128x128xf32>
    %get3A_8 = vector.shape_cast %get3A_7 : vector<1x128x128xf32> to vector<128x128xf32>
    %dot_general3A = arith.constant dense<0.000000e+00> : vector<10000x128xf32>
    %dot_general3A_9 = tpu.matmul %get3A_3, %get3A_8, %dot_general3A {dimension_numbers = #tpu.dot_dimension_numbers<[1], [0], [0], [1], [0, 0, 1, 1], [], []>, transpose_lhs_hint = false} : vector<10000x128xf32>, vector<128x128xf32>, vector<10000x128xf32> -> vector<10000x128xf32>
    %swap3A = arith.constant 0 : index
    %swap3A_10 = arith.constant 0 : index
    %swap3A_11 = vector.load %arg5[%swap3A, %swap3A_10] : memref<10000x128xf32, #tpu.memory_space<vmem>>, vector<10000x128xf32>
    tpu.vector_store %arg5[%swap3A, %swap3A_10], %dot_general3A_9 {strides = array<i32>} : memref<10000x128xf32, #tpu.memory_space<vmem>>, vector<10000x128xf32>,
    return
  }
  func.func @transform_0(%arg0: i32) -> (i32, i32, i32) {
    %c0_i32 = arith.constant 0 : i32
    %c0_i32_0 = arith.constant 0 : i32
    %c0_i32_1 = arith.constant 0 : i32
    %c0_i32_2 = arith.constant 0 : i32
    return %c0_i32, %c0_i32_0, %c0_i32_1 : i32, i32, i32
  }
  func.func @transform_1(%arg0: i32) -> (i32, i32) {
    %c0_i32 = arith.constant 0 : i32
    %c0_i32_0 = arith.constant 0 : i32
    %c0_i32_1 = arith.constant 0 : i32
    return %c0_i32, %c0_i32_0 : i32, i32
  }
  func.func @transform_2(%arg0: i32) -> (i32, i32) {
    %c0_i32 = arith.constant 0 : i32
    %c0_i32_0 = arith.constant 0 : i32
    %c0_i32_1 = arith.constant 0 : i32
    return %c0_i32, %c0_i32_0 : i32, i32
  }
  func.func @transform_3(%arg0: i32) -> (i32, i32, i32) {
    %c0_i32 = arith.constant 0 : i32
    %c0_i32_0 = arith.constant 0 : i32
    %c0_i32_1 = arith.constant 0 : i32
    return %arg0, %c0_i32, %c0_i32_0 : i32, i32, i32
  }
  func.func @transform_4(%arg0: i32) -> (i32, i32) {
    %c0_i32 = arith.constant 0 : i32
    %c0_i32_0 = arith.constant 0 : i32
    return %arg0, %c0_i32 : i32, i32
  }
}

module attributes {stable_mosaic.version = 14 : i64} {
  func.func @body(%arg0: memref<2x10000x128xf32, #tpu.memory_space<vmem>>, %arg1: memref<1x128xf32, #tpu.memory_space<vmem>>, %arg2: memref<1x128xf32, #tpu.memory_space<vmem>>, %arg3: memref<10000x128xf32, #tpu.memory_space<vmem>>, %arg4: memref<10000x128xf32, #tpu.memory_space<vmem>>) attributes {dimension_semantics = [], scalar_prefetch = 0 : i64, scratch_operands = 0 : i64, tpu.core_type = #tpu.core_type<tc>} {
    %get3A = arith.constant 0 : index
    %get3A_0 = arith.constant 0 : index
    %get3A_1 = arith.constant 0 : index
    %get3A_2 = vector.load %arg0[%get3A, %get3A_0, %get3A_1] : memref<2x10000x128xf32, #tpu.memory_space<vmem>>, vector<1x10000x128xf32>
    %get3A_3 = vector.shape_cast %get3A_2 : vector<1x10000x128xf32> to vector<10000x128xf32>
    %get3A_4 = arith.constant 1 : index
    %get3A_5 = arith.constant 0 : index
    %get3A_6 = arith.constant 0 : index
    %get3A_7 = vector.load %arg0[%get3A_4, %get3A_5, %get3A_6] : memref<2x10000x128xf32, #tpu.memory_space<vmem>>, vector<1x10000x128xf32>
    %get3A_8 = vector.shape_cast %get3A_7 : vector<1x10000x128xf32> to vector<10000x128xf32>
    %add3A = arith.addf %get3A_3, %get3A_8 : vector<10000x128xf32>
    %reduce_sum3A = arith.constant dense<0.000000e+00> : vector<128xf32>
    %reduce_sum3A_9 = vector.multi_reduction <add>, %add3A, %reduce_sum3A [0] : vector<10000x128xf32> to vector<128xf32>
    %broadcast_in_dim3A = vector.shape_cast %reduce_sum3A_9 : vector<128xf32> to vector<1x128xf32>
    %div3A = arith.constant 1.000000e+04 : f32
    %div3A_10 = vector.broadcast %div3A : f32 to vector<1x128xf32>
    %div3A_11 = arith.divf %broadcast_in_dim3A, %div3A_10 : vector<1x128xf32>
    %sub3A = vector.broadcast %div3A_11 : vector<1x128xf32> to vector<10000x128xf32>
    %sub3A_12 = arith.subf %add3A, %sub3A : vector<10000x128xf32>
    %integer_pow3A = arith.mulf %sub3A_12, %sub3A_12 : vector<10000x128xf32>
    %reduce_sum3A_13 = arith.constant dense<0.000000e+00> : vector<128xf32>
    %reduce_sum3A_14 = vector.multi_reduction <add>, %integer_pow3A, %reduce_sum3A_13 [0] : vector<10000x128xf32> to vector<128xf32>
    %broadcast_in_dim3A_15 = vector.shape_cast %reduce_sum3A_14 : vector<128xf32> to vector<1x128xf32>
    %div3A_16 = arith.constant 1.000000e+04 : f32
    %div3A_17 = vector.broadcast %div3A_16 : f32 to vector<1x128xf32>
    %div3A_18 = arith.divf %broadcast_in_dim3A_15, %div3A_17 : vector<1x128xf32>
    %sub3A_19 = vector.broadcast %div3A_11 : vector<1x128xf32> to vector<10000x128xf32>
    %sub3A_20 = arith.subf %add3A, %sub3A_19 : vector<10000x128xf32>
    %add3A_21 = arith.constant 9.99999974E-6 : f32
    %add3A_22 = vector.broadcast %add3A_21 : f32 to vector<1x128xf32>
    %add3A_23 = arith.addf %div3A_18, %add3A_22 : vector<1x128xf32>
    %rsqrt3A = math.rsqrt %add3A_23 : vector<1x128xf32>
    %mul3A = vector.broadcast %rsqrt3A : vector<1x128xf32> to vector<10000x128xf32>
    %mul3A_24 = arith.mulf %sub3A_20, %mul3A : vector<10000x128xf32>
    %get3A_25 = arith.constant 0 : index
    %get3A_26 = arith.constant 0 : index
    %get3A_27 = vector.load %arg1[%get3A_25, %get3A_26] : memref<1x128xf32, #tpu.memory_space<vmem>>, vector<1x128xf32>
    %mul3A_28 = vector.broadcast %get3A_27 : vector<1x128xf32> to vector<10000x128xf32>
    %mul3A_29 = arith.mulf %mul3A_24, %mul3A_28 : vector<10000x128xf32>
    %get3A_30 = arith.constant 0 : index
    %get3A_31 = arith.constant 0 : index
    %get3A_32 = vector.load %arg2[%get3A_30, %get3A_31] : memref<1x128xf32, #tpu.memory_space<vmem>>, vector<1x128xf32>
    %add3A_33 = vector.broadcast %get3A_32 : vector<1x128xf32> to vector<10000x128xf32>
    %add3A_34 = arith.addf %mul3A_29, %add3A_33 : vector<10000x128xf32>
    %get3A_35 = arith.constant 0 : index
    %get3A_36 = arith.constant 0 : index
    %get3A_37 = vector.load %arg3[%get3A_35, %get3A_36] : memref<10000x128xf32, #tpu.memory_space<vmem>>, vector<10000x128xf32>
    %add3A_38 = arith.addf %add3A_34, %get3A_37 : vector<10000x128xf32>
    %max3A = arith.constant 0.000000e+00 : f32
    %max3A_39 = vector.broadcast %max3A : f32 to vector<10000x128xf32>
    %max3A_40 = arith.maximumf %add3A_38, %max3A_39 : vector<10000x128xf32>
    %swap3A = arith.constant 0 : index
    %swap3A_41 = arith.constant 0 : index
    %swap3A_42 = vector.load %arg4[%swap3A, %swap3A_41] : memref<10000x128xf32, #tpu.memory_space<vmem>>, vector<10000x128xf32>
    tpu.vector_store %arg4[%swap3A, %swap3A_41], %max3A_40 {strides = array<i32>} : memref<10000x128xf32, #tpu.memory_space<vmem>>, vector<10000x128xf32>,
    return
  }
}

</mosaic_0001>

<sc_bundles>
// kernel: kernel.10.cloned.1.call-start
scs
__scs_entry_jumppad:
0x0: {  	(pc) =	sbr.rel $0x88, $3  }
0x1: {  	(tag) =	ssettag $0x0;
	lr =	simm.s32 $0x1  }
0x2: {  	[smem:$0x3F98] =	sst lr;
	_ =	strace $0xD0000000  }
0x3: {  	_ = 	snop  }
0x4: {  	_ = 	snop  }
0x5: {  	_ = 	snop  }
0x6: {  	_ = 	snop  }
0x7: {  	_ = 	snop  }
__scs_overlays_trampoline_lowered:
0x8: {  	[smem:$0x3FA7] =	sst s0  }
0x9: {  	[smem:$0x3FA8] =	sst s1  }
0xa: {  	[smem:$0x3FA9] =	sst s2  }
0xb: {  	[smem:$0x3FAA] =	sst s3  }
0xc: {  	[smem:$0x3FAB] =	sst s4  }
0xd: {  	[smem:$0x3FAC] =	sst s5  }
0xe: {  	[smem:$0x3FAD] =	sst s6  }
0xf: {  	[smem:$0x3FAE] =	sst s7  }
0x10: {  	[smem:$0x3FAF] =	sst s8  }
0x11: {  	[smem:$0x3FB0] =	sst s9;
	s0 =	simm.s32 @!p0 $0x0  }
0x12: {  	s1 =	sld [smem:$0x3F96];
	s0 =	simm.s32 @p0 $0x1  }
0x13: {  	[smem:$0x3FB1] =	sst s0;
	s0 =	simm.s32 @!p1 $0x0  }
0x14: {  	s2 =	sld [smem:$0x3F95];
	s0 =	simm.s32 @p1 $0x1  }
0x15: {  	[smem:$0x3FB2] =	sst s0;
	s0 =	simm.s32 @!p2 $0x0  }
0x16: {  	s3 =	sld [smem:$0x3FDB];
	s0 =	simm.s32 @p2 $0x1  }
0x17: {  	s4 =	simm.s32 $0x1BF5;
	[smem:$0x3FB4] =	sst s0  }
0x18: {  	s0 =	sld [smem:$0x3F97];
	_ =	swait.ge [sflag:s4], $0x0  }
0x19: {  	s7 =	sld [smem:$0x3F98]  }
0x1a: {  	s8 =	sadd.s32 $0xFFFFE003, lr  }
0x1b: {  	s9 =	sadd.s32 $0xFFFFFEF7, lr;
	s5 =	simm.s32 $0xFFFFFFFF;
	p2 =	slt.u32 s8, $0xFFFFF086  }
0x1c: {  	p1 =	slt.u32 s9, $0xF7A;
	s5 =	simm.s32 @!p2 $0x0  }
0x1d: {  	s5 =	simm.s32 @p1 $0x1;
	p0 =	seq.s32 s7, s2  }
0x1e: {  	s7 =	smul.u32 @!p0 $0xF7A, s2;
	p2 =	seq.s32 @!p0 s5, $0x0  }
0x1f: {  	s9 =	smul.u32 $0xF7A, s1;
	s8 =	simm.s32 @!p0 $0x1BF5;
	p2 =	por !p2, p0  }
0x20: {  	[sflag:s8] =	ssyncset.s32 @!p0 $0xFFFFF086;
	s6 =	sadd.s32 @!p0 s3, s7;
	s7 =	simm.s32 @!p0 $0x108  }
0x21: {  	s3 =	sadd.s32 s3, s9;
	s6 =	sadd.s32 @!p0 $0x88, s6;
	s7 =	simm.s32 @p2 $0x1082  }
0x22: {  	[simem:s7], [sflag:s8] =	dma.local @!p0 [hbm:s6], $0xF7A  }
0x23: {  	s9 =	sor.u32 $0xD0000000, s2;
	s6 =	simm.s32 $0x108;
	_ =	swait.ge @!p0 [sflag:s8], $0x0  }
0x24: {  	s3 =	sadd.s32 $0x88, s3;
	s6 =	simm.s32 @!p1 $0x1082;
	[sflag:s4] =	ssyncset.s32 $0xFFFFF086  }
0x25: {  	[simem:s6], [sflag:s4] =	dma.local [hbm:s3], $0xF7A  }
0x26: {  	[smem:$0x3F98] =	sst s1;
	(tag) =	ssettag s2;
	_ =	strace s9  }
0x27: {  	s1 =	sld [smem:$0x3FA8]  }
0x28: {  	s2 =	sld [smem:$0x3FA9]  }
0x29: {  	s4 =	sld [smem:$0x3FAB]  }
0x2a: {  	p0 =	seq.s32 s5, $0x0;
	s5 =	sld [smem:$0x3FAC]  }
0x2b: {  	s6 =	sld [smem:$0x3FAD]  }
0x2c: {  	s7 =	sld [smem:$0x3FAE]  }
0x2d: {  	s3 =	simm.s32 $0x108;
	s8 =	sld [smem:$0x3FAF]  }
0x2e: {  	s3 =	simm.s32 @!p0 $0x1082;
	s9 =	sld [smem:$0x3FB0]  }
0x2f: {  	lr =	sadd.s32 s0, s3;
	s0 =	sld [smem:$0x3FA7]  }
0x30: {  	s3 =	sld [smem:$0x3FAA]  }
0x31: {  	[smem:$0x3FB3] =	sst s10  }
0x32: {  	s10 =	sld [smem:$0x3FB1];
	_ =	sdelay $0x3  }
0x33: {  	p0 =	seq.s32 s10, $0x1;
	s10 =	sld [smem:$0x3FB3];
	_ =	sdelay $0x3  }
0x34: {  	[smem:$0x3FB3] =	sst s10  }
0x35: {  	s10 =	sld [smem:$0x3FB2];
	_ =	sdelay $0x3  }
0x36: {  	p1 =	seq.s32 s10, $0x1;
	s10 =	sld [smem:$0x3FB3];
	_ =	sdelay $0x3  }
0x37: {  	[smem:$0x3FB3] =	sst s10  }
0x38: {  	s10 =	sld [smem:$0x3FB4]  }
0x39: {  	_ = 	snop;
	(pc) =	sbr.ind lr, $3  }
0x3a: {  	_ = 	snop  }
0x3b: {  	_ = 	snop  }
0x3c: {  	p2 =	seq.s32 s10, $0x1;
	s10 =	sld [smem:$0x3FB3]  }
0x3d: {  	_ =	shalt  }
0x3e: {  	_ =	shalt  }
0x3f: {  	_ =	shalt  }
0x40: {  	_ =	shalt  }
0x41: {  	_ =	shalt  }
0x42: {  	_ =	shalt  }
0x43: {  	_ =	shalt  }
0x44: {  	_ =	shalt  }
0x45: {  	_ =	shalt  }
0x46: {  	_ =	shalt  }
0x47: {  	_ =	shalt  }
0x48: {  	_ =	shalt  }
0x49: {  	_ =	shalt  }
0x4a: {  	_ =	shalt  }
0x4b: {  	_ =	shalt  }
0x4c: {  	_ =	shalt  }
0x4d: {  	_ =	shalt  }
0x4e: {  	_ =	shalt  }
0x4f: {  	_ =	shalt  }
0x50: {  	_ =	shalt  }
0x51: {  	_ =	shalt  }
0x52: {  	_ =	shalt  }
0x53: {  	_ =	shalt  }
0x54: {  	_ =	shalt  }
0x55: {  	_ =	shalt  }
0x56: {  	_ =	shalt  }
0x57: {  	_ =	shalt  }
0x58: {  	_ =	shalt  }
0x59: {  	_ =	shalt  }
0x5a: {  	_ =	shalt  }
0x5b: {  	_ =	shalt  }
0x5c: {  	_ =	shalt  }
0x5d: {  	_ =	shalt  }
0x5e: {  	_ =	shalt  }
0x5f: {  	_ =	shalt  }
0x60: {  	_ =	shalt  }
0x61: {  	_ =	shalt  }
0x62: {  	_ =	shalt  }
0x63: {  	_ =	shalt  }
0x64: {  	_ =	shalt  }
0x65: {  	_ =	shalt  }
0x66: {  	_ =	shalt  }
0x67: {  	_ =	shalt  }
0x68: {  	_ =	shalt  }
0x69: {  	_ =	shalt  }
0x6a: {  	_ =	shalt  }
0x6b: {  	_ =	shalt  }
0x6c: {  	_ =	shalt  }
0x6d: {  	_ =	shalt  }
0x6e: {  	_ =	shalt  }
0x6f: {  	_ =	shalt  }
0x70: {  	_ =	shalt  }
0x71: {  	_ =	shalt  }
0x72: {  	_ =	shalt  }
0x73: {  	_ =	shalt  }
0x74: {  	_ =	shalt  }
0x75: {  	_ =	shalt  }
0x76: {  	_ =	shalt  }
0x77: {  	_ =	shalt  }
0x78: {  	_ =	shalt  }
0x79: {  	_ =	shalt  }
0x7a: {  	_ =	shalt  }
0x7b: {  	_ =	shalt  }
0x7c: {  	_ =	shalt  }
0x7d: {  	_ =	shalt  }
0x7e: {  	_ =	shalt  }
0x7f: {  	_ =	shalt  }
0x80: {  	_ =	shalt  }
0x81: {  	_ =	shalt  }
0x82: {  	_ =	shalt  }
0x83: {  	_ =	shalt  }
0x84: {  	_ =	shalt  }
0x85: {  	_ =	shalt  }
0x86: {  	_ =	shalt  }
0x87: {  	_ =	shalt  }
.Lfunc_end0:
.L_simem_size_0:
called_computation.1_lowered:
.L_overlay_start_0:
0x88: {  	s2 =	sld [smem:$0x3FD9]  }
0x89: {  	s3 =	sld [smem:$0x3FFE];
	_ =	sdelay $0x1  }
0x8a: {  	s1 =	srdreg.scid  }
0x8b: {  	s0 =	sand.u32 $0x1, s1  }
0x8c: {  	s17 =	sshll.u32 s0, $0xA;
	s2 =	sadd.s32 s3, s2  }
0x8d: {  	s2 =	sadd.s32 s2, s17  }
0x8e: {  	[smem:$0x3FBF] =	sst s2  }
0x8f: {  	_ = 	snop  }
0x90: {  	s2 =	sld [smem:$0x3FD0];
	(tm) =	ssettm $0x1  }
0x91: {  	s18 =	sld [smem:$0x3FFB];
	_ =	sdelay $0x3  }
0x92: {  	_ =	strace s18  }
0x93: {  	s3 =	sld [smem:$0x3FFC];
	_ =	sdelay $0x3  }
0x94: {  	_ =	strace s3  }
0x95: {  	s3 =	sld [smem:$0x3FFD];
	_ =	sdelay $0x3  }
0x96: {  	_ =	strace s3  }
0x97: {  	_ =	strace $0x8FFFFFFF  }
0x98: {  	s19 =	sld [smem:$0x3FDB];
	_ =	sdelay $0x1  }
0x99: {  	s4 =	simm.s32 $_scs_section_size  }
0x9a: {  	s5 =	simm.s32 $_size__tile_overlayer_lowered;
	s6 =	simm.s32 $_tile_overlayer_lowered  }
0x9b: {  	s22 =	simm.s32 $0x1BFF;
	s21 =	sshll.u32 s6, $0x1;
	s3 =	sadd.s32 s4, s19  }
0x9c: {  	s7 =	simm.s32 $0x0;
	s20 =	sshll.u32 s5, $0x1;
	s5 =	sadd.s32 s21, s3  }
0x9d: {  	[timem:s7], [sflag:s22] =	dma.local [hbm:s5], s20  }
0x9e: {  	_ =	swait.ge [sflag:s22], s20  }
0x9f: {  	s4 =	ssub.s32 $0x0, s20;
	[sflag:s22] =	ssyncset.done $0x0  }
0xa0: {  	[sflag:s22] =	ssyncadd.s32 s4;
	_ =	sdelay $0x1  }
0xa1: {  	s23 =	simm.s32 $0x1B8B  }
0xa2: {  	_ =	swait.ge [sflag:s23], $0x1  }
0xa3: {  	[sflag:s23] =	ssyncset.done $0x0  }
0xa4: {  	s25 =	simm.s32 $0x1B8E;
	s24 =	sld [smem:$0x3FFE];
	[sflag:s23] =	ssyncadd.s32 $0xFFFFFFFF  }
0xa5: {  	s26 =	simm.s32 $execute0_lowered;
	[smem:$0x3FD2] =	sst s25  }
0xa6: {  	s5 =	sshll.u32 s26, $0x1;
	_ =	strace $0x80000049;
	[dreg:$0x1] =	wrdreg $0xFFFFFFFF  }
0xa7: {  	s28 =	simm.s32 $_size_execute0_lowered;
	s3 =	sadd.s32 s3, s5;
	[dreg:$0x0] =	wrdreg $0x0  }
0xa8: {  	s5 =	sshll.u32 s28, $0x1;
	[dreg:$0x2] =	wrdreg s3  }
0xa9: {  	[dreg:$0x3] =	wrdreg s5  }
0xaa: {  	[dreg:$0x4] =	wrdreg $0xC0  }
0xab: {  	_ =	task [dreg:s7], $0x5FFFF  }
0xac: {  	[dreg:$0x1] =	wrdreg $0xFFFFFFFF  }
0xad: {  	[dreg:$0x0] =	wrdreg $0x60  }
0xae: {  	[dreg:$0x2] =	wrdreg s24  }
0xaf: {  	[dreg:$0x3] =	wrdreg s2  }
0xb0: {  	[dreg:$0x4] =	wrdreg $0x0  }
0xb1: {  	[dreg:$0x5] =	wrdreg $0x9  }
0xb2: {  	_ =	task.clear_ibuf [dreg:s7], $0x6FFFF;
	_ =	strace $0x90000049  }
0xb3: {  	s29 =	simm.s32 $0x9;
	_ =	strace $0x8000004B  }
0xb4: {  	_ =	swait.ge [sflag:s29], $0x1  }
0xb5: {  	[sflag:s29] =	ssyncadd.s32 $0xFFFFFFFF  }
0xb6: {  	_ =	strace $0x9000004B  }
0xb7: {  	_ =	sfence  }
0xb8: {  	s30 =	sld [smem:$0x0];
	_ =	sdelay $0x2  }
0xb9: {  	s31 =	sshll.u32 s1, $0xD;
	s1 =	sshrl.u32 s1, $0x2  }
0xba: {  	s3 =	sand.u32 $0x4000, s31;
	s1 =	sadd.s32 s1, s30  }
0xbb: {  	s0 =	sor.u32 s3, s0;
	s1 =	sshll.u32 s1, $0x11  }
0xbc: {  	s0 =	sor.u32 s1, s0  }
0xbd: {  	s0 =	sadd.s32 $0x8F2B, s0  }
0xbe: {  	[sflag:s0] =	ssyncadd.remote.s32 $0x1  }
0xbf: {  	_ =	sfence.sel $0xFFFF  }
0xc0: {  	[dreg:$0x0] =	wrdreg $0xFFFFFFFF;
	(pc) =	sbr.abs _section_cstart, $3  }
0xc1: {  	[dreg:$0x1] =	wrdreg $0xFFFFFFFF  }
0xc2: {  	_ =	task.clear_ibuf [dreg:s7], $0x2FFFF;
	_ =	strace $0x9FFFFFFF  }
0xc3: {  	(tm) =	ssettm $0x7FFFFFFF  }
tec
execute0_lowered:
.L_overlay_start_1:
0x0: {  	(tag) =	ssettag $0x1  }
0x1: {  	s0 =	rddreg [dreg:$0x0]  }
0x2: {  	s1 =	srdreg.scid;
	s2 =	rddreg [dreg:$0x1]  }
0x3: {  	s12 =	stileid.u32;
	s3 =	rddreg [dreg:$0x2];
	s17 =	simm.s32 $0x16D00  }
0x4: {  	s18 =	simm.s32 $0x14000;
	s28 =	simm.s32 $0x1;
	s29 =	simm.s32 $0x6  }
0x5: {  	s30 =	simm.s32 $0x2;
	s31 =	simm.s32 $0x4;
	s7 =	smul.u32 $0x50000, s12  }
0x6: {  	s1 =	sand.u32 $0x1, s1;
	s4 =	sshll.u32 s12, $0x1;
	s13 =	smul.u32 $0x13800, s12  }
0x7: {  	s6 =	sadd.s32 $0xD400, s0;
	s21 =	sshll.u32 s12, $0x3;
	s15 =	smul.u32 $0x4E000, s12  }
0x8: {  	s5 =	sor.u32 s1, s4;
	s10 =	ssub.s32 $0x2, s1;
	s1 =	smul.u32 $0x138800, s1  }
0x9: {  	p0 =	sne.s32 s12, $0xF;
	s4 =	simm.s32 $0x0;
	s5 =	smul.u32 $0x2C00, s5  }
0xa: {  	[smem:$0x7FF] =	sst s4;
	s7 =	sshrl.u32 s7, $0x2;
	s11 =	sshrl.u32 s10, $0x1  }
0xb: {  	s25 =	sshrl.u32 s15, $0x2;
	_ =	strace $0x8000004A;
	s7 =	sadd.s32 s7, s3  }
0xc: {  	s10 =	ssub.s32 s10, s11;
	s11 =	sadd.s32 $0x2710, s21;
	s23 =	sadd.s32 s13, s1  }
0xd: {  	s1 =	sshrl.u32 s1, $0x3;
	s26 =	sadd.s32 s25, s3;
	s21 =	simm.s32 $0x16C00  }
0xe: {  	s25 =	simm.s32 $0x16C80;
	s8 =	sshrl.u32 s5, $0x3;
	s19 =	sadd.s32 $0x4000, s7  }
0xf: {  	s20 =	sadd.s32 $0x8000, s7;
	s14 =	sadd.s32 $0xC000, s7;
	s22 =	sadd.s32 $0x10000, s7  }
0x10: {  	s24 =	sshrl.u32 s23, $0x3;
	s16 =	smax.u32 s10, $0x1;
	[dreg:$0x4] =	wrdreg s19  }
0x11: {  	s23 =	sshrl.u32 s26, $0x3;
	s26 =	simm.s32 $0x1AD00;
	[dreg:$0x5] =	wrdreg s20  }
0x12: {  	s9 =	sadd.s32 s8, s0;
	s0 =	sadd.s32 $0x42C000, s0;
	[dreg:$0x6] =	wrdreg s14  }
0x13: {  	[dreg:$0x7] =	wrdreg s22;
	s8 =	sadd.s32 s2, s8;
	s19 =	simm.s32 $0x5  }
0x14: {  	s20 =	simm.s32 $0x3;
	s22 =	simm.s32 $0x80;
	s9 =	sadd.s32 $0x2400, s9  }
0x15: {  	v0 =	vlaneseq.u32;
	[dreg:$0x9] =	wrdreg s8;
	s14 =	sadd.s32 s0, s24;
	s0 =	sadd.s32 s0, s1  }
0x16: {  	v0 =	vand.u32 $0x7, v0;
	s1 =	simm.s32 $0x7;
	s15 =	sadd.s32 $0x27000, s0;
	s0 =	sadd.s32 $0x138000, s3  }
0x17: {  	v1 =	vimm.f32 $0.0e+00;
	v0 =	vor.u32 s11, v0;
	[dreg:$0x8] =	wrdreg s9;
	s24 =	sshrl.u32 @!p0 s0, $0x3;
	s0 =	simm.s32 $0x0  }
.LBB2_1:
0x18: {  	s8 =	simm.s32 $0x0;
	s9 =	simm.s32 $0x200  }
.LBB2_2:
0x19: {  	p1 =	sne.s32 s9, $0xFE00;
	[tilespmem:s8+$0x16D70] =	vst v1  }
0x1a: {  	[tilespmem:s8+$0x16D00] =	vst v1  }
0x1b: {  	[tilespmem:s8+$0x16D10] =	vst v1  }
.Ltmp0:
0x1c: {  	[tilespmem:s8+$0x16D20] =	vst v1;
	(pc) =	sbr.rel @p1 .LBB2_2-.Ltmp0, $4  }
0x1d: {  	[tilespmem:s8+$0x16D30] =	vst v1  }
0x1e: {  	[tilespmem:s8+$0x16D40] =	vst v1  }
0x1f: {  	[tilespmem:s8+$0x16D50] =	vst v1  }
0x20: {  	[tilespmem:s8+$0x16D60] =	vst v1;
	s8 =	sshra.s32 s9, $0x2;
	s9 =	sadd.s32 $0x200, s9  }
0x21: {  	[tilespmem:s8+$0x16D70] =	vst v1  }
0x22: {  	[tilespmem:s8+$0x16D00] =	vst v1  }
0x23: {  	[tilespmem:s8+$0x16D10] =	vst v1  }
0x24: {  	[tilespmem:s8+$0x16D20] =	vst v1  }
0x25: {  	[tilespmem:s8+$0x16D30] =	vst v1  }
0x26: {  	[tilespmem:s8+$0x16D40] =	vst v1  }
0x27: {  	[tilespmem:s8+$0x16D50] =	vst v1  }
0x28: {  	[tilespmem:s8+$0x16D60] =	vst v1  }
0x29: {  	[spmem:s7] =	stream.linear.scatter [tilespmem:s17], [sflag:$0x5], $0x4000, $0x38;
	[tilespmem:$0x1ED00] =	vst v63  }
0x2a: {  	s9 =	rddreg [dreg:$0x4]  }
0x2b: {  	[spmem:s9] =	stream.linear.scatter [tilespmem:s17], [sflag:$0x5], $0x4000, $0x38;
	[tilespmem:$0x1ED00] =	vst v63  }
0x2c: {  	s10 =	rddreg [dreg:$0x5]  }
0x2d: {  	[spmem:s10] =	stream.linear.scatter [tilespmem:s17], [sflag:$0x5], $0x4000, $0x38;
	[tilespmem:$0x1ED00] =	vst v63  }
0x2e: {  	s11 =	rddreg [dreg:$0x6]  }
0x2f: {  	[spmem:s11] =	stream.linear.scatter [tilespmem:s17], [sflag:$0x5], $0x4000, $0x38;
	[tilespmem:$0x1ED00] =	vst v63  }
0x30: {  	s12 =	rddreg [dreg:$0x7]  }
0x31: {  	[spmem:s12] =	stream.linear.scatter [tilespmem:s17], [sflag:$0x5], $0x4000, $0x38;
	[tilespmem:$0x1ED00] =	vst v63  }
0x32: {  	[tilespmem:$0x16C80] =	vst v0  }
0x33: {  	[tilespmem:$0x16C90] =	vst v0  }
0x34: {  	[tilespmem:$0x16CA0] =	vst v0  }
0x35: {  	[tilespmem:$0x16CB0] =	vst v0  }
0x36: {  	[tilespmem:$0x16CC0] =	vst v0  }
0x37: {  	[tilespmem:$0x16CD0] =	vst v0  }
0x38: {  	[tilespmem:$0x16CE0] =	vst v0  }
0x39: {  	s13 =	rddreg [dreg:$0x8];
	[tilespmem:$0x16CF0] =	vst v0  }
0x3a: {  	[tilespmem:s18], [sflag:$0x3] =	stream.linear.gather [hbm4b:s13+s4], $0x2C00, $0x38;
	[tilespmem:$0x1ED00] =	vst v63  }
0x3b: {  	_ =	swait.ge [sflag:s19], $0x4000  }
0x3c: {  	[sflag:s19] =	ssyncset.done $0x0  }
0x3d: {  	[sflag:s19] =	ssyncadd.s32 $0xFFFFC000  }
0x3e: {  	_ =	swait.ge [sflag:s19], $0x4000  }
0x3f: {  	[sflag:s19] =	ssyncset.done $0x0  }
0x40: {  	[sflag:s19] =	ssyncadd.s32 $0xFFFFC000  }
0x41: {  	_ =	swait.ge [sflag:s19], $0x4000  }
0x42: {  	[sflag:s19] =	ssyncset.done $0x0  }
0x43: {  	[sflag:s19] =	ssyncadd.s32 $0xFFFFC000  }
0x44: {  	_ =	swait.ge [sflag:s19], $0x4000  }
0x45: {  	[sflag:s19] =	ssyncset.done $0x0  }
0x46: {  	[sflag:s19] =	ssyncadd.s32 $0xFFFFC000  }
0x47: {  	_ =	swait.ge [sflag:s19], $0x4000  }
0x48: {  	[sflag:s19] =	ssyncset.done $0x0  }
0x49: {  	[sflag:s19] =	ssyncadd.s32 $0xFFFFC000  }
0x4a: {  	_ =	swait.ge [sflag:s20], $0x2C00  }
0x4b: {  	[sflag:s20] =	ssyncset.done $0x0  }
0x4c: {  	[sflag:s20] =	ssyncadd.s32 $0xFFFFD400  }
0x4d: {  	[bflag:$0x0] =	sbarrier.arrive $0xFFFF  }
0x4e: {  	s9 =	rddreg [dreg:$0x9]  }
0x4f: {  	[tilespmem:s21], [sflag:$0x3] =	stream.linear.gather [hbm4b:s9+s4], $0x80, $0x38;
	[tilespmem:$0x1ED00] =	vst v63  }
0x50: {  	_ = 	snop  }
0x51: {  	[tilespmem:s17], [sflag:$0x1] =	stream.indirect.gather [hbm4b:s6+s22], $0x80, s18, s22, $0xb8;
	[tilespmem:$0x1ED00] =	vst v63  }
0x52: {  	_ = 	snop  }
0x53: {  	[spmem:s3] =	stream.indirect.scatter.add.f32 [tilespmem:s26], [sflag:$0x6], $0x80, s25, s22, $0xb8;
	[tilespmem:$0x1ED00] =	vst v63  }
0x54: {  	_ =	swait.ge [sflag:s28], $0x4000  }
0x55: {  	[sflag:s28] =	ssyncset.done $0x0  }
0x56: {  	[sflag:s28] =	ssyncadd.s32 $0xFFFFC000  }
0x57: {  	s10 =	simm.s32 $0x0;
	_ =	swait.ge [sflag:s20], $0x80  }
0x58: {  	s8 =	sand.u32 $0x3C00, s10;
	s9 =	simm.s32 $0x80;
	[sflag:s20] =	ssyncset.done $0x0  }
0x59: {  	s8 =	sadd.s32 s5, s8;
	s9 =	sand.u32 $0x380, s9;
	[sflag:s20] =	ssyncadd.s32 $0xFFFFFF80  }
0x5a: {  	[spmem:s3] =	stream.indirect.scatter.add.f32 [tilespmem:s17], [sflag:$0x5], $0x80, s21, s22, $0xb8;
	[tilespmem:$0x1ED00] =	vst v63  }
0x5b: {  	s8 =	sor.u32 s8, s9;
	_ =	swait.ge [sflag:s29], $0x4000  }
0x5c: {  	s8 =	sshrl.u32 s8, $0x3;
	[sflag:s29] =	ssyncset.done $0x0  }
0x5d: {  	s8 =	sadd.s32 s2, s8;
	[sflag:s29] =	ssyncadd.s32 $0xFFFFC000  }
0x5e: {  	[tilespmem:s25], [sflag:$0x4] =	stream.linear.gather [hbm4b:s8+s4], $0x80, $0x38;
	[tilespmem:$0x1ED00] =	vst v63  }
0x5f: {  	s11 =	simm.s32 $0x14080  }
0x60: {  	[tilespmem:s26], [sflag:$0x2] =	stream.indirect.gather [hbm4b:s6+s22], $0x80, s11, s22, $0xb8;
	[tilespmem:$0x1ED00] =	vst v63  }
0x61: {  	_ =	swait.ge [sflag:s30], $0x4000  }
0x62: {  	[sflag:s30] =	ssyncset.done $0x0  }
0x63: {  	[sflag:s30] =	ssyncadd.s32 $0xFFFFC000  }
0x64: {  	s12 =	simm.s32 $0x100;
	_ =	swait.ge [sflag:s31], $0x80  }
0x65: {  	s13 =	sand.u32 $0x7C00, s12;
	[sflag:s31] =	ssyncset.done $0x0  }
0x66: {  	s10 =	sand.u32 $0x300, s12;
	s9 =	sadd.s32 s5, s13;
	[sflag:s31] =	ssyncadd.s32 $0xFFFFFF80  }
0x67: {  	[spmem:s3] =	stream.indirect.scatter.add.f32 [tilespmem:s26], [sflag:$0x6], $0x80, s25, s22, $0xb8;
	[tilespmem:$0x1ED00] =	vst v63  }
0x68: {  	s10 =	sor.u32 s10, s9;
	s9 =	simm.s32 $0x200;
	_ =	swait.ge [sflag:s19], $0x4000  }
0x69: {  	s10 =	sshrl.u32 s10, $0x3;
	s8 =	simm.s32 $0x14100;
	[sflag:s19] =	ssyncset.done $0x0  }
0x6a: {  	s11 =	sadd.s32 s2, s10;
	s10 =	simm.s32 $0x14180;
	[sflag:s19] =	ssyncadd.s32 $0xFFFFC000  }
.LBB2_4:
0x6b: {  	[tilespmem:s21], [sflag:$0x3] =	stream.linear.gather [hbm4b:s11+s4], $0x80, $0x38;
	[tilespmem:$0x1ED00] =	vst v63  }
0x6c: {  	s11 =	smov.u32 s9  }
0x6d: {  	s12 =	sadd.s32 $0x80, s10;
	p1 =	sne.s32 s9, $0x2800;
	s9 =	sadd.s32 $0x100, s9  }
0x6e: {  	[tilespmem:s17], [sflag:$0x1] =	stream.indirect.gather [hbm4b:s6+s22], $0x80, s8, s22, $0xb8;
	[tilespmem:$0x1ED00] =	vst v63  }
0x6f: {  	s8 =	smov.u32 s12;
	_ =	swait.ge [sflag:s28], $0x4000  }
0x70: {  	[sflag:s28] =	ssyncset.done $0x0  }
0x71: {  	[sflag:s28] =	ssyncadd.s32 $0xFFFFC000  }
0x72: {  	s12 =	sadd.s32 $0xFFFFFF00, s11;
	_ =	swait.ge [sflag:s20], $0x80  }
0x73: {  	s13 =	sadd.s32 $0xFFFFFF80, s11;
	s12 =	sand.u32 $0x3C00, s12;
	[sflag:s20] =	ssyncset.done $0x0  }
0x74: {  	s13 =	sand.u32 $0x380, s13;
	s12 =	sadd.s32 s5, s12;
	[sflag:s20] =	ssyncadd.s32 $0xFFFFFF80  }
0x75: {  	[spmem:s3] =	stream.indirect.scatter.add.f32 [tilespmem:s17], [sflag:$0x5], $0x80, s21, s22, $0xb8;
	[tilespmem:$0x1ED00] =	vst v63  }
0x76: {  	s12 =	sor.u32 s12, s13;
	_ =	swait.ge [sflag:s29], $0x4000  }
0x77: {  	s12 =	sshrl.u32 s12, $0x3;
	[sflag:s29] =	ssyncset.done $0x0  }
0x78: {  	s12 =	sadd.s32 s2, s12;
	[sflag:s29] =	ssyncadd.s32 $0xFFFFC000  }
0x79: {  	[tilespmem:s25], [sflag:$0x4] =	stream.linear.gather [hbm4b:s12+s4], $0x80, $0x38;
	[tilespmem:$0x1ED00] =	vst v63  }
0x7a: {  	_ = 	snop  }
0x7b: {  	[tilespmem:s26], [sflag:$0x2] =	stream.indirect.gather [hbm4b:s6+s22], $0x80, s10, s22, $0xb8;
	[tilespmem:$0x1ED00] =	vst v63  }
0x7c: {  	_ =	swait.ge [sflag:s30], $0x4000  }
0x7d: {  	[sflag:s30] =	ssyncset.done $0x0  }
0x7e: {  	[sflag:s30] =	ssyncadd.s32 $0xFFFFC000  }
0x7f: {  	_ =	swait.ge [sflag:s31], $0x80  }
0x80: {  	[sflag:s31] =	ssyncset.done $0x0  }
0x81: {  	s12 =	sand.u32 $0x7C00, s11;
	s11 =	sand.u32 $0x300, s11;
	[sflag:s31] =	ssyncadd.s32 $0xFFFFFF80  }
0x82: {  	[spmem:s3] =	stream.indirect.scatter.add.f32 [tilespmem:s26], [sflag:$0x6], $0x80, s25, s22, $0xb8;
	[tilespmem:$0x1ED00] =	vst v63  }
.Ltmp1:
0x83: {  	_ = 	snop;
	(pc) =	sbr.rel @p1 .LBB2_4-.Ltmp1, $4  }
0x84: {  	s12 =	sadd.s32 s5, s12;
	_ =	swait.ge [sflag:s19], $0x4000  }
0x85: {  	s11 =	sor.u32 s11, s12;
	[sflag:s19] =	ssyncset.done $0x0  }
0x86: {  	s11 =	sshrl.u32 s11, $0x3;
	[sflag:s19] =	ssyncadd.s32 $0xFFFFC000  }
0x87: {  	s10 =	sadd.s32 $0x100, s10;
	s11 =	sadd.s32 s2, s11  }
0x88: {  	[tilespmem:s21], [sflag:$0x3] =	stream.linear.gather [hbm4b:s11+s4], $0x80, $0x38;
	[tilespmem:$0x1ED00] =	vst v63  }
0x89: {  	_ = 	snop  }
0x8a: {  	[tilespmem:s17], [sflag:$0x1] =	stream.indirect.gather [hbm4b:s6+s22], $0x80, s8, s22, $0xb8;
	[tilespmem:$0x1ED00] =	vst v63  }
0x8b: {  	_ =	swait.ge [sflag:s29], $0x4000  }
0x8c: {  	[sflag:s29] =	ssyncset.done $0x0  }
0x8d: {  	[sflag:s29] =	ssyncadd.s32 $0xFFFFC000  }
0x8e: {  	_ =	swait.ge [sflag:s20], $0x80  }
0x8f: {  	[sflag:s20] =	ssyncset.done $0x0  }
0x90: {  	[sflag:s20] =	ssyncadd.s32 $0xFFFFFF80  }
0x91: {  	_ =	swait.ge [sflag:s28], $0x4000  }
0x92: {  	s13 =	stileid.u32;
	[sflag:s28] =	ssyncset.done $0x0  }
0x93: {  	s8 =	sshll.u32 s13, $0x6;
	[sflag:s28] =	ssyncadd.s32 $0xFFFFC000  }
0x94: {  	s8 =	sor.u32 $0x1C07, s8;
	[bflag:$0x0] =	sbarrier.arrive $0xFFFF  }
0x95: {  	[hbm:s14], [sflag:s8] =	dma.local [spmem:s23], $0x2700  }
0x96: {  	_ =	swait.ge [sflag:s1], $0x2700  }
0x97: {  	s0 =	sadd.s32 $0x1, s0;
	[sflag:s1] =	ssyncset.done $0x0  }
0x98: {  	p1 =	sne.s32 s0, s16;
	[sflag:s1] =	ssyncadd.s32 $0xFFFFD900  }
0x99: {  	[hbm:s15], [sflag:s8] =	dma.local @!p0 [spmem:s24], $0x100  }
.Ltmp2:
0x9a: {  	_ = 	snop;
	(pc) =	sbr.rel @p1 .LBB2_1-.Ltmp2, $4  }
0x9b: {  	s8 =	simm.s32 @!p0 $0x7  }
0x9c: {  	_ =	swait.ge @!p0 [sflag:s8], $0x100  }
0x9d: {  	[sflag:s8] =	ssyncset.done @!p0 $0x0  }
0x9e: {  	[sflag:s8] =	ssyncadd.s32 @!p0 $0xFFFFFF00  }
0x9f: {  	_ =	sfence.sel $0x180000  }
0xa0: {  	[bflag:$0x0] =	sbarrier.arrive $0xFFFF  }
0xa1: {  	_ =	strace $0x9000004A  }
0xa2: {  	s0 =	stileid.u32;
	[bflag:$0x2] =	sbarrier.arrive $0xFFFF  }
0xa3: {  	p0 =	sne.s32 s0, $0x0;
	s0 =	rddreg [dreg:$0x3]  }
0xa4: {  	s0 =	sadd.s32 @!p0 $0x100000, s0  }
0xa5: {  	[sflag:s0] =	ssyncadd.tile.s32 @!p0 $0x1;
	_ =	shalt  }
.Lfunc_end2:
_tile_overlayer_lowered:
.L_overlay_start_2:
0xa6: {  	(tag) =	ssettag $0x2  }
0xa7: {  	s0 =	rddreg [dreg:$0x0];
	s2 =	stileid.u32  }
0xa8: {  	s1 =	rddreg [dreg:$0x1];
	p0 =	sne.s32 s2, $0x0  }
0xa9: {  	s3 =	rddreg [dreg:$0x2];
	[bflag:$0x3] =	sbarrier.arrive $0xFFFF;
	s2 =	simm.s32 @!p0 $0x1C07  }
0xaa: {  	[timem:s3], [sflag:s2] =	dma.local @!p0 [hbm:s0], s1  }
0xab: {  	s0 =	simm.s32 @!p0 $0x7  }
0xac: {  	_ =	swait.ge @!p0 [sflag:s0], s1  }
0xad: {  	s1 =	ssub.s32 @!p0 $0x0, s1;
	[sflag:s0] =	ssyncset.done @!p0 $0x0  }
0xae: {  	[sflag:s0] =	ssyncadd.s32 @!p0 s1  }
0xaf: {  	[bflag:$0x3] =	sbarrier.arrive $0xFFFF  }
0xb0: {  	_ =	shalt  }

// kernel: kernel.7.cloned.1.call-start
scs
__scs_entry_jumppad:
0x0: {  	(pc) =	sbr.rel $0x88, $3  }
0x1: {  	(tag) =	ssettag $0x0;
	lr =	simm.s32 $0x1  }
0x2: {  	[smem:$0x3F98] =	sst lr;
	_ =	strace $0xD0000000  }
0x3: {  	_ = 	snop  }
0x4: {  	_ = 	snop  }
0x5: {  	_ = 	snop  }
0x6: {  	_ = 	snop  }
0x7: {  	_ = 	snop  }
__scs_overlays_trampoline_lowered:
0x8: {  	[smem:$0x3FA7] =	sst s0  }
0x9: {  	[smem:$0x3FA8] =	sst s1  }
0xa: {  	[smem:$0x3FA9] =	sst s2  }
0xb: {  	[smem:$0x3FAA] =	sst s3  }
0xc: {  	[smem:$0x3FAB] =	sst s4  }
0xd: {  	[smem:$0x3FAC] =	sst s5  }
0xe: {  	[smem:$0x3FAD] =	sst s6  }
0xf: {  	[smem:$0x3FAE] =	sst s7  }
0x10: {  	[smem:$0x3FAF] =	sst s8  }
0x11: {  	[smem:$0x3FB0] =	sst s9;
	s0 =	simm.s32 @!p0 $0x0  }
0x12: {  	s1 =	sld [smem:$0x3F96];
	s0 =	simm.s32 @p0 $0x1  }
0x13: {  	[smem:$0x3FB1] =	sst s0;
	s0 =	simm.s32 @!p1 $0x0  }
0x14: {  	s2 =	sld [smem:$0x3F95];
	s0 =	simm.s32 @p1 $0x1  }
0x15: {  	[smem:$0x3FB2] =	sst s0;
	s0 =	simm.s32 @!p2 $0x0  }
0x16: {  	s3 =	sld [smem:$0x3FDB];
	s0 =	simm.s32 @p2 $0x1  }
0x17: {  	s4 =	simm.s32 $0x1BF5;
	[smem:$0x3FB4] =	sst s0  }
0x18: {  	s0 =	sld [smem:$0x3F97];
	_ =	swait.ge [sflag:s4], $0x0  }
0x19: {  	s7 =	sld [smem:$0x3F98]  }
0x1a: {  	s8 =	sadd.s32 $0xFFFFE003, lr  }
0x1b: {  	s9 =	sadd.s32 $0xFFFFFEF7, lr;
	s5 =	simm.s32 $0xFFFFFFFF;
	p2 =	slt.u32 s8, $0xFFFFF086  }
0x1c: {  	p1 =	slt.u32 s9, $0xF7A;
	s5 =	simm.s32 @!p2 $0x0  }
0x1d: {  	s5 =	simm.s32 @p1 $0x1;
	p0 =	seq.s32 s7, s2  }
0x1e: {  	s7 =	smul.u32 @!p0 $0xF7A, s2;
	p2 =	seq.s32 @!p0 s5, $0x0  }
0x1f: {  	s9 =	smul.u32 $0xF7A, s1;
	s8 =	simm.s32 @!p0 $0x1BF5;
	p2 =	por !p2, p0  }
0x20: {  	[sflag:s8] =	ssyncset.s32 @!p0 $0xFFFFF086;
	s6 =	sadd.s32 @!p0 s3, s7;
	s7 =	simm.s32 @!p0 $0x108  }
0x21: {  	s3 =	sadd.s32 s3, s9;
	s6 =	sadd.s32 @!p0 $0x88, s6;
	s7 =	simm.s32 @p2 $0x1082  }
0x22: {  	[simem:s7], [sflag:s8] =	dma.local @!p0 [hbm:s6], $0xF7A  }
0x23: {  	s9 =	sor.u32 $0xD0000000, s2;
	s6 =	simm.s32 $0x108;
	_ =	swait.ge @!p0 [sflag:s8], $0x0  }
0x24: {  	s3 =	sadd.s32 $0x88, s3;
	s6 =	simm.s32 @!p1 $0x1082;
	[sflag:s4] =	ssyncset.s32 $0xFFFFF086  }
0x25: {  	[simem:s6], [sflag:s4] =	dma.local [hbm:s3], $0xF7A  }
0x26: {  	[smem:$0x3F98] =	sst s1;
	(tag) =	ssettag s2;
	_ =	strace s9  }
0x27: {  	s1 =	sld [smem:$0x3FA8]  }
0x28: {  	s2 =	sld [smem:$0x3FA9]  }
0x29: {  	s4 =	sld [smem:$0x3FAB]  }
0x2a: {  	p0 =	seq.s32 s5, $0x0;
	s5 =	sld [smem:$0x3FAC]  }
0x2b: {  	s6 =	sld [smem:$0x3FAD]  }
0x2c: {  	s7 =	sld [smem:$0x3FAE]  }
0x2d: {  	s3 =	simm.s32 $0x108;
	s8 =	sld [smem:$0x3FAF]  }
0x2e: {  	s3 =	simm.s32 @!p0 $0x1082;
	s9 =	sld [smem:$0x3FB0]  }
0x2f: {  	lr =	sadd.s32 s0, s3;
	s0 =	sld [smem:$0x3FA7]  }
0x30: {  	s3 =	sld [smem:$0x3FAA]  }
0x31: {  	[smem:$0x3FB3] =	sst s10  }
0x32: {  	s10 =	sld [smem:$0x3FB1];
	_ =	sdelay $0x3  }
0x33: {  	p0 =	seq.s32 s10, $0x1;
	s10 =	sld [smem:$0x3FB3];
	_ =	sdelay $0x3  }
0x34: {  	[smem:$0x3FB3] =	sst s10  }
0x35: {  	s10 =	sld [smem:$0x3FB2];
	_ =	sdelay $0x3  }
0x36: {  	p1 =	seq.s32 s10, $0x1;
	s10 =	sld [smem:$0x3FB3];
	_ =	sdelay $0x3  }
0x37: {  	[smem:$0x3FB3] =	sst s10  }
0x38: {  	s10 =	sld [smem:$0x3FB4]  }
0x39: {  	_ = 	snop;
	(pc) =	sbr.ind lr, $3  }
0x3a: {  	_ = 	snop  }
0x3b: {  	_ = 	snop  }
0x3c: {  	p2 =	seq.s32 s10, $0x1;
	s10 =	sld [smem:$0x3FB3]  }
0x3d: {  	_ =	shalt  }
0x3e: {  	_ =	shalt  }
0x3f: {  	_ =	shalt  }
0x40: {  	_ =	shalt  }
0x41: {  	_ =	shalt  }
0x42: {  	_ =	shalt  }
0x43: {  	_ =	shalt  }
0x44: {  	_ =	shalt  }
0x45: {  	_ =	shalt  }
0x46: {  	_ =	shalt  }
0x47: {  	_ =	shalt  }
0x48: {  	_ =	shalt  }
0x49: {  	_ =	shalt  }
0x4a: {  	_ =	shalt  }
0x4b: {  	_ =	shalt  }
0x4c: {  	_ =	shalt  }
0x4d: {  	_ =	shalt  }
0x4e: {  	_ =	shalt  }
0x4f: {  	_ =	shalt  }
0x50: {  	_ =	shalt  }
0x51: {  	_ =	shalt  }
0x52: {  	_ =	shalt  }
0x53: {  	_ =	shalt  }
0x54: {  	_ =	shalt  }
0x55: {  	_ =	shalt  }
0x56: {  	_ =	shalt  }
0x57: {  	_ =	shalt  }
0x58: {  	_ =	shalt  }
0x59: {  	_ =	shalt  }
0x5a: {  	_ =	shalt  }
0x5b: {  	_ =	shalt  }
0x5c: {  	_ =	shalt  }
0x5d: {  	_ =	shalt  }
0x5e: {  	_ =	shalt  }
0x5f: {  	_ =	shalt  }
0x60: {  	_ =	shalt  }
0x61: {  	_ =	shalt  }
0x62: {  	_ =	shalt  }
0x63: {  	_ =	shalt  }
0x64: {  	_ =	shalt  }
0x65: {  	_ =	shalt  }
0x66: {  	_ =	shalt  }
0x67: {  	_ =	shalt  }
0x68: {  	_ =	shalt  }
0x69: {  	_ =	shalt  }
0x6a: {  	_ =	shalt  }
0x6b: {  	_ =	shalt  }
0x6c: {  	_ =	shalt  }
0x6d: {  	_ =	shalt  }
0x6e: {  	_ =	shalt  }
0x6f: {  	_ =	shalt  }
0x70: {  	_ =	shalt  }
0x71: {  	_ =	shalt  }
0x72: {  	_ =	shalt  }
0x73: {  	_ =	shalt  }
0x74: {  	_ =	shalt  }
0x75: {  	_ =	shalt  }
0x76: {  	_ =	shalt  }
0x77: {  	_ =	shalt  }
0x78: {  	_ =	shalt  }
0x79: {  	_ =	shalt  }
0x7a: {  	_ =	shalt  }
0x7b: {  	_ =	shalt  }
0x7c: {  	_ =	shalt  }
0x7d: {  	_ =	shalt  }
0x7e: {  	_ =	shalt  }
0x7f: {  	_ =	shalt  }
0x80: {  	_ =	shalt  }
0x81: {  	_ =	shalt  }
0x82: {  	_ =	shalt  }
0x83: {  	_ =	shalt  }
0x84: {  	_ =	shalt  }
0x85: {  	_ =	shalt  }
0x86: {  	_ =	shalt  }
0x87: {  	_ =	shalt  }
.Lfunc_end0:
.L_simem_size_0:
called_computation_lowered:
.L_overlay_start_0:
0x88: {  	s2 =	sld [smem:$0x3FD9]  }
0x89: {  	s3 =	sld [smem:$0x3FFE];
	_ =	sdelay $0x1  }
0x8a: {  	s1 =	srdreg.scid  }
0x8b: {  	s0 =	sand.u32 $0x1, s1  }
0x8c: {  	s17 =	sshll.u32 s0, $0xA;
	s2 =	sadd.s32 s3, s2  }
0x8d: {  	s2 =	sadd.s32 s2, s17  }
0x8e: {  	[smem:$0x3FBF] =	sst s2  }
0x8f: {  	_ = 	snop  }
0x90: {  	s2 =	sld [smem:$0x3FD0];
	(tm) =	ssettm $0x1  }
0x91: {  	s18 =	sld [smem:$0x3FFB];
	_ =	sdelay $0x3  }
0x92: {  	_ =	strace s18  }
0x93: {  	s3 =	sld [smem:$0x3FFC];
	_ =	sdelay $0x3  }
0x94: {  	_ =	strace s3  }
0x95: {  	s3 =	sld [smem:$0x3FFD];
	_ =	sdelay $0x3  }
0x96: {  	_ =	strace s3  }
0x97: {  	_ =	strace $0x8FFFFFFF  }
0x98: {  	s19 =	sld [smem:$0x3FDB];
	_ =	sdelay $0x1  }
0x99: {  	s4 =	simm.s32 $_scs_section_size  }
0x9a: {  	s5 =	simm.s32 $_size__tile_overlayer_lowered;
	s6 =	simm.s32 $_tile_overlayer_lowered  }
0x9b: {  	s22 =	simm.s32 $0x1BFF;
	s21 =	sshll.u32 s6, $0x1;
	s3 =	sadd.s32 s4, s19  }
0x9c: {  	s7 =	simm.s32 $0x0;
	s20 =	sshll.u32 s5, $0x1;
	s5 =	sadd.s32 s21, s3  }
0x9d: {  	[timem:s7], [sflag:s22] =	dma.local [hbm:s5], s20  }
0x9e: {  	_ =	swait.ge [sflag:s22], s20  }
0x9f: {  	s4 =	ssub.s32 $0x0, s20;
	[sflag:s22] =	ssyncset.done $0x0  }
0xa0: {  	[sflag:s22] =	ssyncadd.s32 s4;
	_ =	sdelay $0x1  }
0xa1: {  	s23 =	simm.s32 $0x1B8B  }
0xa2: {  	_ =	swait.ge [sflag:s23], $0x1  }
0xa3: {  	[sflag:s23] =	ssyncset.done $0x0  }
0xa4: {  	s25 =	simm.s32 $0x1B8E;
	s24 =	sld [smem:$0x3FFE];
	[sflag:s23] =	ssyncadd.s32 $0xFFFFFFFF  }
0xa5: {  	s26 =	simm.s32 $execute0_lowered;
	[smem:$0x3FD2] =	sst s25  }
0xa6: {  	s5 =	sshll.u32 s26, $0x1;
	_ =	strace $0x80000046;
	[dreg:$0x1] =	wrdreg $0xFFFFFFFF  }
0xa7: {  	s28 =	simm.s32 $_size_execute0_lowered;
	s3 =	sadd.s32 s3, s5;
	[dreg:$0x0] =	wrdreg $0x0  }
0xa8: {  	s5 =	sshll.u32 s28, $0x1;
	[dreg:$0x2] =	wrdreg s3  }
0xa9: {  	[dreg:$0x3] =	wrdreg s5  }
0xaa: {  	[dreg:$0x4] =	wrdreg $0xC0  }
0xab: {  	_ =	task [dreg:s7], $0x5FFFF  }
0xac: {  	[dreg:$0x1] =	wrdreg $0xFFFFFFFF  }
0xad: {  	[dreg:$0x0] =	wrdreg $0x60  }
0xae: {  	[dreg:$0x2] =	wrdreg s24  }
0xaf: {  	[dreg:$0x3] =	wrdreg s2  }
0xb0: {  	[dreg:$0x4] =	wrdreg $0x0  }
0xb1: {  	[dreg:$0x5] =	wrdreg $0x9  }
0xb2: {  	_ =	task.clear_ibuf [dreg:s7], $0x6FFFF;
	_ =	strace $0x90000046  }
0xb3: {  	s29 =	simm.s32 $0x9;
	_ =	strace $0x80000048  }
0xb4: {  	_ =	swait.ge [sflag:s29], $0x1  }
0xb5: {  	[sflag:s29] =	ssyncadd.s32 $0xFFFFFFFF  }
0xb6: {  	_ =	strace $0x90000048  }
0xb7: {  	_ =	sfence  }
0xb8: {  	s30 =	sld [smem:$0x0];
	_ =	sdelay $0x2  }
0xb9: {  	s31 =	sshll.u32 s1, $0xD;
	s1 =	sshrl.u32 s1, $0x2  }
0xba: {  	s3 =	sand.u32 $0x4000, s31;
	s1 =	sadd.s32 s1, s30  }
0xbb: {  	s0 =	sor.u32 s3, s0;
	s1 =	sshll.u32 s1, $0x11  }
0xbc: {  	s0 =	sor.u32 s1, s0  }
0xbd: {  	s0 =	sadd.s32 $0x8F2B, s0  }
0xbe: {  	[sflag:s0] =	ssyncadd.remote.s32 $0x1  }
0xbf: {  	_ =	sfence.sel $0xFFFF  }
0xc0: {  	[dreg:$0x0] =	wrdreg $0xFFFFFFFF;
	(pc) =	sbr.abs _section_cstart, $3  }
0xc1: {  	[dreg:$0x1] =	wrdreg $0xFFFFFFFF  }
0xc2: {  	_ =	task.clear_ibuf [dreg:s7], $0x2FFFF;
	_ =	strace $0x9FFFFFFF  }
0xc3: {  	(tm) =	ssettm $0x7FFFFFFF  }
tec
execute0_lowered:
.L_overlay_start_1:
0x0: {  	(tag) =	ssettag $0x1  }
0x1: {  	s0 =	rddreg [dreg:$0x0]  }
0x2: {  	s1 =	srdreg.scid;
	s2 =	rddreg [dreg:$0x1]  }
0x3: {  	s12 =	stileid.u32;
	s3 =	rddreg [dreg:$0x2];
	s17 =	simm.s32 $0x16D00  }
0x4: {  	s18 =	simm.s32 $0x14000;
	s28 =	simm.s32 $0x1;
	s29 =	simm.s32 $0x6  }
0x5: {  	s30 =	simm.s32 $0x2;
	s31 =	simm.s32 $0x4;
	s7 =	smul.u32 $0x50000, s12  }
0x6: {  	s1 =	sand.u32 $0x1, s1;
	s4 =	sshll.u32 s12, $0x1;
	s13 =	smul.u32 $0x13800, s12  }
0x7: {  	s6 =	sadd.s32 $0xD400, s0;
	s21 =	sshll.u32 s12, $0x3;
	s15 =	smul.u32 $0x4E000, s12  }
0x8: {  	s5 =	sor.u32 s1, s4;
	s10 =	ssub.s32 $0x2, s1;
	s1 =	smul.u32 $0x138800, s1  }
0x9: {  	p0 =	sne.s32 s12, $0xF;
	s4 =	simm.s32 $0x0;
	s5 =	smul.u32 $0x2C00, s5  }
0xa: {  	[smem:$0x7FF] =	sst s4;
	s7 =	sshrl.u32 s7, $0x2;
	s11 =	sshrl.u32 s10, $0x1  }
0xb: {  	s25 =	sshrl.u32 s15, $0x2;
	_ =	strace $0x80000047;
	s7 =	sadd.s32 s7, s3  }
0xc: {  	s10 =	ssub.s32 s10, s11;
	s11 =	sadd.s32 $0x2710, s21;
	s23 =	sadd.s32 s13, s1  }
0xd: {  	s1 =	sshrl.u32 s1, $0x3;
	s26 =	sadd.s32 s25, s3;
	s21 =	simm.s32 $0x16C00  }
0xe: {  	s25 =	simm.s32 $0x16C80;
	s8 =	sshrl.u32 s5, $0x3;
	s19 =	sadd.s32 $0x4000, s7  }
0xf: {  	s20 =	sadd.s32 $0x8000, s7;
	s14 =	sadd.s32 $0xC000, s7;
	s22 =	sadd.s32 $0x10000, s7  }
0x10: {  	s24 =	sshrl.u32 s23, $0x3;
	s16 =	smax.u32 s10, $0x1;
	[dreg:$0x4] =	wrdreg s19  }
0x11: {  	s23 =	sshrl.u32 s26, $0x3;
	s26 =	simm.s32 $0x1AD00;
	[dreg:$0x5] =	wrdreg s20  }
0x12: {  	s9 =	sadd.s32 s8, s0;
	s0 =	sadd.s32 $0x42C000, s0;
	[dreg:$0x6] =	wrdreg s14  }
0x13: {  	[dreg:$0x7] =	wrdreg s22;
	s8 =	sadd.s32 s2, s8;
	s19 =	simm.s32 $0x5  }
0x14: {  	s20 =	simm.s32 $0x3;
	s22 =	simm.s32 $0x80;
	s9 =	sadd.s32 $0x2400, s9  }
0x15: {  	v0 =	vlaneseq.u32;
	[dreg:$0x9] =	wrdreg s8;
	s14 =	sadd.s32 s0, s24;
	s0 =	sadd.s32 s0, s1  }
0x16: {  	v0 =	vand.u32 $0x7, v0;
	s1 =	simm.s32 $0x7;
	s15 =	sadd.s32 $0x27000, s0;
	s0 =	sadd.s32 $0x138000, s3  }
0x17: {  	v1 =	vimm.f32 $0.0e+00;
	v0 =	vor.u32 s11, v0;
	[dreg:$0x8] =	wrdreg s9;
	s24 =	sshrl.u32 @!p0 s0, $0x3;
	s0 =	simm.s32 $0x0  }
.LBB2_1:
0x18: {  	s8 =	simm.s32 $0x0;
	s9 =	simm.s32 $0x200  }
.LBB2_2:
0x19: {  	p1 =	sne.s32 s9, $0xFE00;
	[tilespmem:s8+$0x16D70] =	vst v1  }
0x1a: {  	[tilespmem:s8+$0x16D00] =	vst v1  }
0x1b: {  	[tilespmem:s8+$0x16D10] =	vst v1  }
.Ltmp0:
0x1c: {  	[tilespmem:s8+$0x16D20] =	vst v1;
	(pc) =	sbr.rel @p1 .LBB2_2-.Ltmp0, $4  }
0x1d: {  	[tilespmem:s8+$0x16D30] =	vst v1  }
0x1e: {  	[tilespmem:s8+$0x16D40] =	vst v1  }
0x1f: {  	[tilespmem:s8+$0x16D50] =	vst v1  }
0x20: {  	[tilespmem:s8+$0x16D60] =	vst v1;
	s8 =	sshra.s32 s9, $0x2;
	s9 =	sadd.s32 $0x200, s9  }
0x21: {  	[tilespmem:s8+$0x16D70] =	vst v1  }
0x22: {  	[tilespmem:s8+$0x16D00] =	vst v1  }
0x23: {  	[tilespmem:s8+$0x16D10] =	vst v1  }
0x24: {  	[tilespmem:s8+$0x16D20] =	vst v1  }
0x25: {  	[tilespmem:s8+$0x16D30] =	vst v1  }
0x26: {  	[tilespmem:s8+$0x16D40] =	vst v1  }
0x27: {  	[tilespmem:s8+$0x16D50] =	vst v1  }
0x28: {  	[tilespmem:s8+$0x16D60] =	vst v1  }
0x29: {  	[spmem:s7] =	stream.linear.scatter [tilespmem:s17], [sflag:$0x5], $0x4000, $0x38;
	[tilespmem:$0x1ED00] =	vst v63  }
0x2a: {  	s9 =	rddreg [dreg:$0x4]  }
0x2b: {  	[spmem:s9] =	stream.linear.scatter [tilespmem:s17], [sflag:$0x5], $0x4000, $0x38;
	[tilespmem:$0x1ED00] =	vst v63  }
0x2c: {  	s10 =	rddreg [dreg:$0x5]  }
0x2d: {  	[spmem:s10] =	stream.linear.scatter [tilespmem:s17], [sflag:$0x5], $0x4000, $0x38;
	[tilespmem:$0x1ED00] =	vst v63  }
0x2e: {  	s11 =	rddreg [dreg:$0x6]  }
0x2f: {  	[spmem:s11] =	stream.linear.scatter [tilespmem:s17], [sflag:$0x5], $0x4000, $0x38;
	[tilespmem:$0x1ED00] =	vst v63  }
0x30: {  	s12 =	rddreg [dreg:$0x7]  }
0x31: {  	[spmem:s12] =	stream.linear.scatter [tilespmem:s17], [sflag:$0x5], $0x4000, $0x38;
	[tilespmem:$0x1ED00] =	vst v63  }
0x32: {  	[tilespmem:$0x16C80] =	vst v0  }
0x33: {  	[tilespmem:$0x16C90] =	vst v0  }
0x34: {  	[tilespmem:$0x16CA0] =	vst v0  }
0x35: {  	[tilespmem:$0x16CB0] =	vst v0  }
0x36: {  	[tilespmem:$0x16CC0] =	vst v0  }
0x37: {  	[tilespmem:$0x16CD0] =	vst v0  }
0x38: {  	[tilespmem:$0x16CE0] =	vst v0  }
0x39: {  	s13 =	rddreg [dreg:$0x8];
	[tilespmem:$0x16CF0] =	vst v0  }
0x3a: {  	[tilespmem:s18], [sflag:$0x3] =	stream.linear.gather [hbm4b:s13+s4], $0x2C00, $0x38;
	[tilespmem:$0x1ED00] =	vst v63  }
0x3b: {  	_ =	swait.ge [sflag:s19], $0x4000  }
0x3c: {  	[sflag:s19] =	ssyncset.done $0x0  }
0x3d: {  	[sflag:s19] =	ssyncadd.s32 $0xFFFFC000  }
0x3e: {  	_ =	swait.ge [sflag:s19], $0x4000  }
0x3f: {  	[sflag:s19] =	ssyncset.done $0x0  }
0x40: {  	[sflag:s19] =	ssyncadd.s32 $0xFFFFC000  }
0x41: {  	_ =	swait.ge [sflag:s19], $0x4000  }
0x42: {  	[sflag:s19] =	ssyncset.done $0x0  }
0x43: {  	[sflag:s19] =	ssyncadd.s32 $0xFFFFC000  }
0x44: {  	_ =	swait.ge [sflag:s19], $0x4000  }
0x45: {  	[sflag:s19] =	ssyncset.done $0x0  }
0x46: {  	[sflag:s19] =	ssyncadd.s32 $0xFFFFC000  }
0x47: {  	_ =	swait.ge [sflag:s19], $0x4000  }
0x48: {  	[sflag:s19] =	ssyncset.done $0x0  }
0x49: {  	[sflag:s19] =	ssyncadd.s32 $0xFFFFC000  }
0x4a: {  	_ =	swait.ge [sflag:s20], $0x2C00  }
0x4b: {  	[sflag:s20] =	ssyncset.done $0x0  }
0x4c: {  	[sflag:s20] =	ssyncadd.s32 $0xFFFFD400  }
0x4d: {  	[bflag:$0x0] =	sbarrier.arrive $0xFFFF  }
0x4e: {  	s9 =	rddreg [dreg:$0x9]  }
0x4f: {  	[tilespmem:s21], [sflag:$0x3] =	stream.linear.gather [hbm4b:s9+s4], $0x80, $0x38;
	[tilespmem:$0x1ED00] =	vst v63  }
0x50: {  	_ = 	snop  }
0x51: {  	[tilespmem:s17], [sflag:$0x1] =	stream.indirect.gather [hbm4b:s6+s22], $0x80, s18, s22, $0xb8;
	[tilespmem:$0x1ED00] =	vst v63  }
0x52: {  	_ = 	snop  }
0x53: {  	[spmem:s3] =	stream.indirect.scatter.add.f32 [tilespmem:s26], [sflag:$0x6], $0x80, s25, s22, $0xb8;
	[tilespmem:$0x1ED00] =	vst v63  }
0x54: {  	_ =	swait.ge [sflag:s28], $0x4000  }
0x55: {  	[sflag:s28] =	ssyncset.done $0x0  }
0x56: {  	[sflag:s28] =	ssyncadd.s32 $0xFFFFC000  }
0x57: {  	s10 =	simm.s32 $0x0;
	_ =	swait.ge [sflag:s20], $0x80  }
0x58: {  	s8 =	sand.u32 $0x3C00, s10;
	s9 =	simm.s32 $0x80;
	[sflag:s20] =	ssyncset.done $0x0  }
0x59: {  	s8 =	sadd.s32 s5, s8;
	s9 =	sand.u32 $0x380, s9;
	[sflag:s20] =	ssyncadd.s32 $0xFFFFFF80  }
0x5a: {  	[spmem:s3] =	stream.indirect.scatter.add.f32 [tilespmem:s17], [sflag:$0x5], $0x80, s21, s22, $0xb8;
	[tilespmem:$0x1ED00] =	vst v63  }
0x5b: {  	s8 =	sor.u32 s8, s9;
	_ =	swait.ge [sflag:s29], $0x4000  }
0x5c: {  	s8 =	sshrl.u32 s8, $0x3;
	[sflag:s29] =	ssyncset.done $0x0  }
0x5d: {  	s8 =	sadd.s32 s2, s8;
	[sflag:s29] =	ssyncadd.s32 $0xFFFFC000  }
0x5e: {  	[tilespmem:s25], [sflag:$0x4] =	stream.linear.gather [hbm4b:s8+s4], $0x80, $0x38;
	[tilespmem:$0x1ED00] =	vst v63  }
0x5f: {  	s11 =	simm.s32 $0x14080  }
0x60: {  	[tilespmem:s26], [sflag:$0x2] =	stream.indirect.gather [hbm4b:s6+s22], $0x80, s11, s22, $0xb8;
	[tilespmem:$0x1ED00] =	vst v63  }
0x61: {  	_ =	swait.ge [sflag:s30], $0x4000  }
0x62: {  	[sflag:s30] =	ssyncset.done $0x0  }
0x63: {  	[sflag:s30] =	ssyncadd.s32 $0xFFFFC000  }
0x64: {  	s12 =	simm.s32 $0x100;
	_ =	swait.ge [sflag:s31], $0x80  }
0x65: {  	s13 =	sand.u32 $0x7C00, s12;
	[sflag:s31] =	ssyncset.done $0x0  }
0x66: {  	s10 =	sand.u32 $0x300, s12;
	s9 =	sadd.s32 s5, s13;
	[sflag:s31] =	ssyncadd.s32 $0xFFFFFF80  }
0x67: {  	[spmem:s3] =	stream.indirect.scatter.add.f32 [tilespmem:s26], [sflag:$0x6], $0x80, s25, s22, $0xb8;
	[tilespmem:$0x1ED00] =	vst v63  }
0x68: {  	s10 =	sor.u32 s10, s9;
	s9 =	simm.s32 $0x200;
	_ =	swait.ge [sflag:s19], $0x4000  }
0x69: {  	s10 =	sshrl.u32 s10, $0x3;
	s8 =	simm.s32 $0x14100;
	[sflag:s19] =	ssyncset.done $0x0  }
0x6a: {  	s11 =	sadd.s32 s2, s10;
	s10 =	simm.s32 $0x14180;
	[sflag:s19] =	ssyncadd.s32 $0xFFFFC000  }
.LBB2_4:
0x6b: {  	[tilespmem:s21], [sflag:$0x3] =	stream.linear.gather [hbm4b:s11+s4], $0x80, $0x38;
	[tilespmem:$0x1ED00] =	vst v63  }
0x6c: {  	s11 =	smov.u32 s9  }
0x6d: {  	s12 =	sadd.s32 $0x80, s10;
	p1 =	sne.s32 s9, $0x2800;
	s9 =	sadd.s32 $0x100, s9  }
0x6e: {  	[tilespmem:s17], [sflag:$0x1] =	stream.indirect.gather [hbm4b:s6+s22], $0x80, s8, s22, $0xb8;
	[tilespmem:$0x1ED00] =	vst v63  }
0x6f: {  	s8 =	smov.u32 s12;
	_ =	swait.ge [sflag:s28], $0x4000  }
0x70: {  	[sflag:s28] =	ssyncset.done $0x0  }
0x71: {  	[sflag:s28] =	ssyncadd.s32 $0xFFFFC000  }
0x72: {  	s12 =	sadd.s32 $0xFFFFFF00, s11;
	_ =	swait.ge [sflag:s20], $0x80  }
0x73: {  	s13 =	sadd.s32 $0xFFFFFF80, s11;
	s12 =	sand.u32 $0x3C00, s12;
	[sflag:s20] =	ssyncset.done $0x0  }
0x74: {  	s13 =	sand.u32 $0x380, s13;
	s12 =	sadd.s32 s5, s12;
	[sflag:s20] =	ssyncadd.s32 $0xFFFFFF80  }
0x75: {  	[spmem:s3] =	stream.indirect.scatter.add.f32 [tilespmem:s17], [sflag:$0x5], $0x80, s21, s22, $0xb8;
	[tilespmem:$0x1ED00] =	vst v63  }
0x76: {  	s12 =	sor.u32 s12, s13;
	_ =	swait.ge [sflag:s29], $0x4000  }
0x77: {  	s12 =	sshrl.u32 s12, $0x3;
	[sflag:s29] =	ssyncset.done $0x0  }
0x78: {  	s12 =	sadd.s32 s2, s12;
	[sflag:s29] =	ssyncadd.s32 $0xFFFFC000  }
0x79: {  	[tilespmem:s25], [sflag:$0x4] =	stream.linear.gather [hbm4b:s12+s4], $0x80, $0x38;
	[tilespmem:$0x1ED00] =	vst v63  }
0x7a: {  	_ = 	snop  }
0x7b: {  	[tilespmem:s26], [sflag:$0x2] =	stream.indirect.gather [hbm4b:s6+s22], $0x80, s10, s22, $0xb8;
	[tilespmem:$0x1ED00] =	vst v63  }
0x7c: {  	_ =	swait.ge [sflag:s30], $0x4000  }
0x7d: {  	[sflag:s30] =	ssyncset.done $0x0  }
0x7e: {  	[sflag:s30] =	ssyncadd.s32 $0xFFFFC000  }
0x7f: {  	_ =	swait.ge [sflag:s31], $0x80  }
0x80: {  	[sflag:s31] =	ssyncset.done $0x0  }
0x81: {  	s12 =	sand.u32 $0x7C00, s11;
	s11 =	sand.u32 $0x300, s11;
	[sflag:s31] =	ssyncadd.s32 $0xFFFFFF80  }
0x82: {  	[spmem:s3] =	stream.indirect.scatter.add.f32 [tilespmem:s26], [sflag:$0x6], $0x80, s25, s22, $0xb8;
	[tilespmem:$0x1ED00] =	vst v63  }
.Ltmp1:
0x83: {  	_ = 	snop;
	(pc) =	sbr.rel @p1 .LBB2_4-.Ltmp1, $4  }
0x84: {  	s12 =	sadd.s32 s5, s12;
	_ =	swait.ge [sflag:s19], $0x4000  }
0x85: {  	s11 =	sor.u32 s11, s12;
	[sflag:s19] =	ssyncset.done $0x0  }
0x86: {  	s11 =	sshrl.u32 s11, $0x3;
	[sflag:s19] =	ssyncadd.s32 $0xFFFFC000  }
0x87: {  	s10 =	sadd.s32 $0x100, s10;
	s11 =	sadd.s32 s2, s11  }
0x88: {  	[tilespmem:s21], [sflag:$0x3] =	stream.linear.gather [hbm4b:s11+s4], $0x80, $0x38;
	[tilespmem:$0x1ED00] =	vst v63  }
0x89: {  	_ = 	snop  }
0x8a: {  	[tilespmem:s17], [sflag:$0x1] =	stream.indirect.gather [hbm4b:s6+s22], $0x80, s8, s22, $0xb8;
	[tilespmem:$0x1ED00] =	vst v63  }
0x8b: {  	_ =	swait.ge [sflag:s29], $0x4000  }
0x8c: {  	[sflag:s29] =	ssyncset.done $0x0  }
0x8d: {  	[sflag:s29] =	ssyncadd.s32 $0xFFFFC000  }
0x8e: {  	_ =	swait.ge [sflag:s20], $0x80  }
0x8f: {  	[sflag:s20] =	ssyncset.done $0x0  }
0x90: {  	[sflag:s20] =	ssyncadd.s32 $0xFFFFFF80  }
0x91: {  	_ =	swait.ge [sflag:s28], $0x4000  }
0x92: {  	s13 =	stileid.u32;
	[sflag:s28] =	ssyncset.done $0x0  }
0x93: {  	s8 =	sshll.u32 s13, $0x6;
	[sflag:s28] =	ssyncadd.s32 $0xFFFFC000  }
0x94: {  	s8 =	sor.u32 $0x1C07, s8;
	[bflag:$0x0] =	sbarrier.arrive $0xFFFF  }
0x95: {  	[hbm:s14], [sflag:s8] =	dma.local [spmem:s23], $0x2700  }
0x96: {  	_ =	swait.ge [sflag:s1], $0x2700  }
0x97: {  	s0 =	sadd.s32 $0x1, s0;
	[sflag:s1] =	ssyncset.done $0x0  }
0x98: {  	p1 =	sne.s32 s0, s16;
	[sflag:s1] =	ssyncadd.s32 $0xFFFFD900  }
0x99: {  	[hbm:s15], [sflag:s8] =	dma.local @!p0 [spmem:s24], $0x100  }
.Ltmp2:
0x9a: {  	_ = 	snop;
	(pc) =	sbr.rel @p1 .LBB2_1-.Ltmp2, $4  }
0x9b: {  	s8 =	simm.s32 @!p0 $0x7  }
0x9c: {  	_ =	swait.ge @!p0 [sflag:s8], $0x100  }
0x9d: {  	[sflag:s8] =	ssyncset.done @!p0 $0x0  }
0x9e: {  	[sflag:s8] =	ssyncadd.s32 @!p0 $0xFFFFFF00  }
0x9f: {  	_ =	sfence.sel $0x180000  }
0xa0: {  	[bflag:$0x0] =	sbarrier.arrive $0xFFFF  }
0xa1: {  	_ =	strace $0x90000047  }
0xa2: {  	s0 =	stileid.u32;
	[bflag:$0x2] =	sbarrier.arrive $0xFFFF  }
0xa3: {  	p0 =	sne.s32 s0, $0x0;
	s0 =	rddreg [dreg:$0x3]  }
0xa4: {  	s0 =	sadd.s32 @!p0 $0x100000, s0  }
0xa5: {  	[sflag:s0] =	ssyncadd.tile.s32 @!p0 $0x1;
	_ =	shalt  }
.Lfunc_end2:
_tile_overlayer_lowered:
.L_overlay_start_2:
0xa6: {  	(tag) =	ssettag $0x2  }
0xa7: {  	s0 =	rddreg [dreg:$0x0];
	s2 =	stileid.u32  }
0xa8: {  	s1 =	rddreg [dreg:$0x1];
	p0 =	sne.s32 s2, $0x0  }
0xa9: {  	s3 =	rddreg [dreg:$0x2];
	[bflag:$0x3] =	sbarrier.arrive $0xFFFF;
	s2 =	simm.s32 @!p0 $0x1C07  }
0xaa: {  	[timem:s3], [sflag:s2] =	dma.local @!p0 [hbm:s0], s1  }
0xab: {  	s0 =	simm.s32 @!p0 $0x7  }
0xac: {  	_ =	swait.ge @!p0 [sflag:s0], s1  }
0xad: {  	s1 =	ssub.s32 @!p0 $0x0, s1;
	[sflag:s0] =	ssyncset.done @!p0 $0x0  }
0xae: {  	[sflag:s0] =	ssyncadd.s32 @!p0 s1  }
0xaf: {  	[bflag:$0x3] =	sbarrier.arrive $0xFFFF  }
0xb0: {  	_ =	shalt  }

</sc_bundles>
